<compile_context>
chip_gen: v7x
topology: tpu7x:2x2x1
jax: 0.10.2.dev20260603
libtpu: 0.0.44.dev20260713+nightly
codegen_flags: <defaults>
</compile_context>

<pallas_src>
import functools

import jax
import jax.numpy as jnp
import numpy as _np
from jax import lax
from jax.experimental import pallas as pl
from jax.experimental.pallas import tpu as pltpu
from jax.experimental.pallas import tpu_sc as plsc

_N = 10000
_NP = 10240
_E = 320000
_D = 128
_CH = 128
_NC, _NS = 2, 16
_EP = 327680
_NCH = _EP // _CH
_RPT = _NCH // (_NC * _NS)
_RT = _NP // _NS
_DEGW = 128
_RB = 2048

_mesh = plsc.VectorSubcoreMesh(
    core_axis_name="c", subcore_axis_name="s", num_cores=_NC, num_subcores=_NS
)


@functools.partial(
    pl.kernel,
    out_type=jax.ShapeDtypeStruct((_NC, _NP, _DEGW), jnp.float32),
    mesh=_mesh,
    scratch_types=[
        pltpu.VMEM((_RPT, _CH), jnp.int32),
        pltpu.VMEM((_CH, _DEGW), jnp.float32),
        pltpu.VMEM((_CH, _DEGW), jnp.float32),
        pltpu.VMEM_SHARED((_NP, _DEGW), jnp.float32),
        pltpu.SemaphoreType.DMA,
    ],
)
def _deg_kernel(e3_hbm, degp_hbm, idx_v, ones_v, zero_v, deg_sh, sem):
    c = lax.axis_index("c")
    s = lax.axis_index("s")
    rowbase = (c * _NS + s) * _RPT
    tb = s * _RT

    def fill(i, carry):
        for g in range(_DEGW // 16):
            ones_v[i, pl.ds(g * 16, 16)] = jnp.ones((16,), jnp.float32)
            zero_v[i, pl.ds(g * 16, 16)] = jnp.zeros((16,), jnp.float32)
        return carry

    lax.fori_loop(0, _CH, fill, 0)

    def zero_acc(k, carry):
        pltpu.sync_copy(zero_v, deg_sh.at[pl.ds(tb + k * _CH, _CH)])
        return carry

    lax.fori_loop(0, _RT // _CH, zero_acc, 0)
    plsc.subcore_barrier()

    pltpu.sync_copy(e3_hbm.at[1, pl.ds(rowbase, _RPT)], idx_v)

    def chunk(j, carry):
        pltpu.sync_copy(ones_v, deg_sh.at[idx_v.at[j]], add=True)
        return carry

    lax.fori_loop(0, _RPT, chunk, 0)
    plsc.subcore_barrier()
    pltpu.sync_copy(deg_sh.at[pl.ds(tb, _RT)], degp_hbm.at[c, pl.ds(tb, _RT)])


_G = 8


@functools.partial(
    pl.kernel,
    out_type=jax.ShapeDtypeStruct((_NC, _NP, _D), jnp.float32),
    mesh=_mesh,
    scratch_types=[
        pltpu.VMEM((_G, _CH), jnp.int32),
        pltpu.VMEM((_G, _CH), jnp.int32),
        pltpu.VMEM((_CH, _D), jnp.float32),
        pltpu.VMEM((_CH, _D), jnp.float32),
        pltpu.VMEM_SHARED((_NP, _D), jnp.float32),
        pltpu.SemaphoreType.DMA,
        pltpu.SemaphoreType.DMA,
    ],
)
def _scat_kernel(hn_hbm, e3_hbm, accp_hbm,
                 idxs_v, idxd_v, rows0, rows1, acc_sh, gsem, ssem):
    c = lax.axis_index("c")
    s = lax.axis_index("s")
    rowbase = (c * _NS + s) * _RPT
    tb = s * _RT

    def fill(i, carry):
        for k in range(_D // 16):
            rows0[i, pl.ds(k * 16, 16)] = jnp.zeros((16,), jnp.float32)
        return carry

    lax.fori_loop(0, _CH, fill, 0)

    def zero_acc(k, carry):
        pltpu.sync_copy(rows0, acc_sh.at[pl.ds(tb + k * _CH, _CH)])
        return carry

    lax.fori_loop(0, _RT // _CH, zero_acc, 0)
    plsc.subcore_barrier()

    def group(g, carry):
        rb = rowbase + g * _G
        pltpu.sync_copy(e3_hbm.at[0, pl.ds(rb, _G)], idxs_v)
        pltpu.sync_copy(e3_hbm.at[1, pl.ds(rb, _G)], idxd_v)
        pltpu.async_copy(hn_hbm.at[idxs_v.at[0]], rows0, gsem)
        for k in range(_G):
            buf, nbuf = (rows0, rows1) if k % 2 == 0 else (rows1, rows0)
            pltpu.make_async_copy(hn_hbm.at[idxs_v.at[k]], buf, gsem).wait()
            pltpu.async_copy(buf, acc_sh.at[idxd_v.at[k]], ssem, add=True)
            if k >= 1:
                pltpu.make_async_copy(nbuf, acc_sh.at[idxd_v.at[k - 1]], ssem).wait()
            if k + 1 < _G:
                pltpu.async_copy(hn_hbm.at[idxs_v.at[k + 1]], nbuf, gsem)
        pltpu.make_async_copy(rows1, acc_sh.at[idxd_v.at[_G - 1]], ssem).wait()
        return carry

    lax.fori_loop(0, _RPT // _G, group, 0)
    plsc.subcore_barrier()
    pltpu.sync_copy(acc_sh.at[pl.ds(tb, _RT)], accp_hbm.at[c, pl.ds(tb, _RT)])


def _tc1_body(x_ref, w_ref, degp_ref, hn_ref, dinv_ref):
    dp = degp_ref[...]
    deg = dp[0, :, 0:1] + dp[1, :, 0:1] + 1.0
    dinv = lax.rsqrt(deg)
    hn = jnp.dot(x_ref[...], w_ref[...], preferred_element_type=jnp.float32)
    hn_ref[...] = hn * dinv
    dinv_ref[...] = dinv


def _tc2_body(accp_ref, hn1_ref, dinv_ref, w_ref, b_ref, hn2_ref):
    ap = accp_ref[...]
    dinv = dinv_ref[...]
    h1 = jnp.maximum((ap[0] + ap[1] + hn1_ref[...]) * dinv + b_ref[...], 0.0)
    hn2_ref[...] = jnp.dot(h1, w_ref[...], preferred_element_type=jnp.float32) * dinv


def _tc3_body(accp_ref, hn2_ref, dinv_ref, b_ref, out_ref):
    ap = accp_ref[...]
    out_ref[...] = (ap[0] + ap[1] + hn2_ref[...]) * dinv_ref[...] + b_ref[...]


_PAD = _np.broadcast_to(
    _N + (_np.arange(_EP - _E, dtype=_np.int32) % (_NP - _N)), (2, _EP - _E))


def kernel(x, edge_index, W1, b1, W2, b2):
    ei = edge_index.astype(jnp.int32)
    e3 = jnp.concatenate([ei, jnp.asarray(_PAD)], axis=1).reshape(2, _NCH, _CH)

    degp = _deg_kernel(e3)

    nb = _NP // _RB
    hn1, dinv = pl.pallas_call(
        _tc1_body,
        grid=(nb,),
        in_specs=[
            pl.BlockSpec((_RB, _D), lambda i: (i, 0)),
            pl.BlockSpec((_D, _D), lambda i: (0, 0)),
            pl.BlockSpec((_NC, _RB, _DEGW), lambda i: (0, i, 0)),
        ],
        out_specs=[
            pl.BlockSpec((_RB, _D), lambda i: (i, 0)),
            pl.BlockSpec((_RB, 1), lambda i: (i, 0)),
        ],
        out_shape=[
            jax.ShapeDtypeStruct((_NP, _D), jnp.float32),
            jax.ShapeDtypeStruct((_NP, 1), jnp.float32),
        ],
    )(x, W1, degp)

    accp1 = _scat_kernel(hn1, e3)

    hn2 = pl.pallas_call(
        _tc2_body,
        grid=(nb,),
        in_specs=[
            pl.BlockSpec((_NC, _RB, _D), lambda i: (0, i, 0)),
            pl.BlockSpec((_RB, _D), lambda i: (i, 0)),
            pl.BlockSpec((_RB, 1), lambda i: (i, 0)),
            pl.BlockSpec((_D, _D), lambda i: (0, 0)),
            pl.BlockSpec((1, _D), lambda i: (0, 0)),
        ],
        out_specs=pl.BlockSpec((_RB, _D), lambda i: (i, 0)),
        out_shape=jax.ShapeDtypeStruct((_NP, _D), jnp.float32),
    )(accp1, hn1, dinv, W2, b1.reshape(1, _D))

    accp2 = _scat_kernel(hn2, e3)

    nb3 = _N // 2000
    out = pl.pallas_call(
        _tc3_body,
        grid=(nb3,),
        in_specs=[
            pl.BlockSpec((_NC, 2000, _D), lambda i: (0, i, 0)),
            pl.BlockSpec((2000, _D), lambda i: (i, 0)),
            pl.BlockSpec((2000, 1), lambda i: (i, 0)),
            pl.BlockSpec((1, _D), lambda i: (0, 0)),
        ],
        out_specs=pl.BlockSpec((2000, _D), lambda i: (i, 0)),
        out_shape=jax.ShapeDtypeStruct((_N, _D), jnp.float32),
    )(accp2, hn2, dinv, b2.reshape(1, _D))
    return out

# --- scband reference (transcript-rebuilt; emitter-appended) ---
"""Pipeline reference for scband-gcn-5342939316732 (READ-ONLY COPY).

The authoritative reference and input builder live on the scoring server;
editing this copy changes nothing except your own understanding.
"""

import jax, jax.numpy as jnp
import numpy as np

N_NODES = 10000
N_EDGES = 320000
D_IN = 128
D_HID = 128
D_OUT = 128


def _gcn_conv(x, W, b, src, dst, n_nodes):
    # x @ W, add self-loops, symmetric deg^-1/2 normalization, scatter-add, bias
    h = x @ W
    loop = jnp.arange(n_nodes, dtype=src.dtype)
    src_f = jnp.concatenate([src, loop])
    dst_f = jnp.concatenate([dst, loop])
    deg = jnp.zeros((n_nodes,), dtype=h.dtype).at[dst_f].add(1.0)
    dinv = jax.lax.rsqrt(jnp.maximum(deg, 1e-12))
    norm = dinv[src_f] * dinv[dst_f]
    msg = h[src_f] * norm[:, None]
    out = jnp.zeros((n_nodes, h.shape[1]), dtype=h.dtype).at[dst_f].add(msg)
    return out + b


def setup_inputs(seed: int = 0) -> dict:
    key = jax.random.key(seed)
    k1, k2, k3, k4, k5 = jax.random.split(key, 5)
    x = jax.random.normal(k1, (N_NODES, D_IN), dtype=jnp.float32)
    edge_index = jax.random.randint(k2, (2, N_EDGES), 0, N_NODES, dtype=jnp.int64)
    W1 = jax.random.normal(k3, (D_IN, D_HID), dtype=jnp.float32) * 0.05
    b1 = jnp.zeros((D_HID,), dtype=jnp.float32)
    W2 = jax.random.normal(k4, (D_HID, D_OUT), dtype=jnp.float32) * 0.05
    b2 = jnp.zeros((D_OUT,), dtype=jnp.float32)
    return {"x": x, "edge_index": edge_index, "W1": W1, "b1": b1, "W2": W2, "b2": b2}


def reference(x, edge_index, W1, b1, W2, b2):
    # eval mode: dropout is identity
    src = edge_index[0]
    dst = edge_index[1]
    h = _gcn_conv(x, W1, b1, src, dst, N_NODES)
    h = jax.nn.relu(h)
    out = _gcn_conv(h, W2, b2, src, dst, N_NODES)
    return out

if __name__ == "__main__":
    import jax
    _d = setup_inputs()
    print(jax.jit(kernel)(*tuple(_d.values())))

</pallas_src>

<mosaic_0001>
#map = affine_map<(d0, d1) -> (0, 0)>
#map1 = affine_map<(d0, d1) -> (0, 0, 0)>
module attributes {stable_mosaic.version = 14 : i64} {
  func.func @_scat_kernel(%arg0: i32, %arg1: i32, %arg2: memref<10240x128xf32, #tpu.memory_space<hbm>>, %arg3: memref<2x2560x128xi32, #tpu.memory_space<hbm>>, %arg4: memref<2x10240x128xf32, #tpu.memory_space<hbm>>, %arg5: memref<8x128xi32, #tpu.memory_space<vmem>>, %arg6: memref<8x128xi32, #tpu.memory_space<vmem>>, %arg7: memref<128x128xf32, #tpu.memory_space<vmem>>, %arg8: memref<128x128xf32, #tpu.memory_space<vmem>>, %arg9: memref<10240x128xf32, #tpu.memory_space<vmem_shared>>, %arg10: memref<!tpu.dma_semaphore, #tpu.memory_space<semaphore_mem>>, %arg11: memref<!tpu.dma_semaphore, #tpu.memory_space<semaphore_mem>>) attributes {dimension_semantics = [#tpu.dimension_semantics<core_parallel>, #tpu.dimension_semantics<subcore_parallel>], iteration_bounds = array<i64: 2, 16>, scalar_prefetch = 0 : i64, scratch_operands = 7 : i64, tpu.core_type = #tpu.core_type<sc_vector_subcore>, window_params = [{transform_indices = #map}, {transform_indices = #map1}, {transform_indices = #map1}]} {
    %mul3A = arith.constant 16 : i32
    %mul3A_0 = arith.muli %arg0, %mul3A : i32
    %add3A = arith.addi %mul3A_0, %arg1 : i32
    %mul3A_1 = arith.constant 80 : i32
    %mul3A_2 = arith.muli %add3A, %mul3A_1 : i32
    %mul3A_3 = arith.constant 640 : i32
    %mul3A_4 = arith.muli %arg1, %mul3A_3 : i32
    %scan3A = arith.constant 0 : i32
    %scan3A_5 = arith.constant 0 : i32
    %scan3A_6 = arith.constant 128 : i32
    %scan3A_7 = arith.addi %scan3A_5, %scan3A_6 : i32
    %scan3A_8 = arith.constant 1 : i32
    scf.for %scan3A_23 = %scan3A_5 to %scan3A_7 step %scan3A_8  : i32 {
      %broadcast_in_dim3A = arith.constant 0.000000e+00 : f32
      %broadcast_in_dim3A_24 = vector.broadcast %broadcast_in_dim3A : f32 to vector<16xf32>
      %swap3A = arith.index_cast %scan3A_23 : i32 to index
      %swap3A_25 = arith.constant 0 : index
      %swap3A_26 = tpu.vector_load %arg7[%swap3A, %swap3A_25] {strides = array<i32>} : memref<128x128xf32, #tpu.memory_space<vmem>>, vector<1x16xf32>,
      %swap3A_27 = vector.shape_cast %swap3A_26 : vector<1x16xf32> to vector<16xf32>
      %swap3A_28 = vector.shape_cast %broadcast_in_dim3A_24 : vector<16xf32> to vector<1x16xf32>
      tpu.vector_store %arg7[%swap3A, %swap3A_25], %swap3A_28 {strides = array<i32>} : memref<128x128xf32, #tpu.memory_space<vmem>>, vector<1x16xf32>,
      %broadcast_in_dim3A_29 = arith.constant 0.000000e+00 : f32
      %broadcast_in_dim3A_30 = vector.broadcast %broadcast_in_dim3A_29 : f32 to vector<16xf32>
      %swap3A_31 = arith.index_cast %scan3A_23 : i32 to index
      %swap3A_32 = arith.constant 16 : index
      %swap3A_33 = tpu.vector_load %arg7[%swap3A_31, %swap3A_32] {strides = array<i32>} : memref<128x128xf32, #tpu.memory_space<vmem>>, vector<1x16xf32>,
      %swap3A_34 = vector.shape_cast %swap3A_33 : vector<1x16xf32> to vector<16xf32>
      %swap3A_35 = vector.shape_cast %broadcast_in_dim3A_30 : vector<16xf32> to vector<1x16xf32>
      tpu.vector_store %arg7[%swap3A_31, %swap3A_32], %swap3A_35 {strides = array<i32>} : memref<128x128xf32, #tpu.memory_space<vmem>>, vector<1x16xf32>,
      %broadcast_in_dim3A_36 = arith.constant 0.000000e+00 : f32
      %broadcast_in_dim3A_37 = vector.broadcast %broadcast_in_dim3A_36 : f32 to vector<16xf32>
      %swap3A_38 = arith.index_cast %scan3A_23 : i32 to index
      %swap3A_39 = arith.constant 32 : index
      %swap3A_40 = tpu.vector_load %arg7[%swap3A_38, %swap3A_39] {strides = array<i32>} : memref<128x128xf32, #tpu.memory_space<vmem>>, vector<1x16xf32>,
      %swap3A_41 = vector.shape_cast %swap3A_40 : vector<1x16xf32> to vector<16xf32>
      %swap3A_42 = vector.shape_cast %broadcast_in_dim3A_37 : vector<16xf32> to vector<1x16xf32>
      tpu.vector_store %arg7[%swap3A_38, %swap3A_39], %swap3A_42 {strides = array<i32>} : memref<128x128xf32, #tpu.memory_space<vmem>>, vector<1x16xf32>,
      %broadcast_in_dim3A_43 = arith.constant 0.000000e+00 : f32
      %broadcast_in_dim3A_44 = vector.broadcast %broadcast_in_dim3A_43 : f32 to vector<16xf32>
      %swap3A_45 = arith.index_cast %scan3A_23 : i32 to index
      %swap3A_46 = arith.constant 48 : index
      %swap3A_47 = tpu.vector_load %arg7[%swap3A_45, %swap3A_46] {strides = array<i32>} : memref<128x128xf32, #tpu.memory_space<vmem>>, vector<1x16xf32>,
      %swap3A_48 = vector.shape_cast %swap3A_47 : vector<1x16xf32> to vector<16xf32>
      %swap3A_49 = vector.shape_cast %broadcast_in_dim3A_44 : vector<16xf32> to vector<1x16xf32>
      tpu.vector_store %arg7[%swap3A_45, %swap3A_46], %swap3A_49 {strides = array<i32>} : memref<128x128xf32, #tpu.memory_space<vmem>>, vector<1x16xf32>,
      %broadcast_in_dim3A_50 = arith.constant 0.000000e+00 : f32
      %broadcast_in_dim3A_51 = vector.broadcast %broadcast_in_dim3A_50 : f32 to vector<16xf32>
      %swap3A_52 = arith.index_cast %scan3A_23 : i32 to index
      %swap3A_53 = arith.constant 64 : index
      %swap3A_54 = tpu.vector_load %arg7[%swap3A_52, %swap3A_53] {strides = array<i32>} : memref<128x128xf32, #tpu.memory_space<vmem>>, vector<1x16xf32>,
      %swap3A_55 = vector.shape_cast %swap3A_54 : vector<1x16xf32> to vector<16xf32>
      %swap3A_56 = vector.shape_cast %broadcast_in_dim3A_51 : vector<16xf32> to vector<1x16xf32>
      tpu.vector_store %arg7[%swap3A_52, %swap3A_53], %swap3A_56 {strides = array<i32>} : memref<128x128xf32, #tpu.memory_space<vmem>>, vector<1x16xf32>,
      %broadcast_in_dim3A_57 = arith.constant 0.000000e+00 : f32
      %broadcast_in_dim3A_58 = vector.broadcast %broadcast_in_dim3A_57 : f32 to vector<16xf32>
      %swap3A_59 = arith.index_cast %scan3A_23 : i32 to index
      %swap3A_60 = arith.constant 80 : index
      %swap3A_61 = tpu.vector_load %arg7[%swap3A_59, %swap3A_60] {strides = array<i32>} : memref<128x128xf32, #tpu.memory_space<vmem>>, vector<1x16xf32>,
      %swap3A_62 = vector.shape_cast %swap3A_61 : vector<1x16xf32> to vector<16xf32>
      %swap3A_63 = vector.shape_cast %broadcast_in_dim3A_58 : vector<16xf32> to vector<1x16xf32>
      tpu.vector_store %arg7[%swap3A_59, %swap3A_60], %swap3A_63 {strides = array<i32>} : memref<128x128xf32, #tpu.memory_space<vmem>>, vector<1x16xf32>,
      %broadcast_in_dim3A_64 = arith.constant 0.000000e+00 : f32
      %broadcast_in_dim3A_65 = vector.broadcast %broadcast_in_dim3A_64 : f32 to vector<16xf32>
      %swap3A_66 = arith.index_cast %scan3A_23 : i32 to index
      %swap3A_67 = arith.constant 96 : index
      %swap3A_68 = tpu.vector_load %arg7[%swap3A_66, %swap3A_67] {strides = array<i32>} : memref<128x128xf32, #tpu.memory_space<vmem>>, vector<1x16xf32>,
      %swap3A_69 = vector.shape_cast %swap3A_68 : vector<1x16xf32> to vector<16xf32>
      %swap3A_70 = vector.shape_cast %broadcast_in_dim3A_65 : vector<16xf32> to vector<1x16xf32>
      tpu.vector_store %arg7[%swap3A_66, %swap3A_67], %swap3A_70 {strides = array<i32>} : memref<128x128xf32, #tpu.memory_space<vmem>>, vector<1x16xf32>,
      %broadcast_in_dim3A_71 = arith.constant 0.000000e+00 : f32
      %broadcast_in_dim3A_72 = vector.broadcast %broadcast_in_dim3A_71 : f32 to vector<16xf32>
      %swap3A_73 = arith.index_cast %scan3A_23 : i32 to index
      %swap3A_74 = arith.constant 112 : index
      %swap3A_75 = tpu.vector_load %arg7[%swap3A_73, %swap3A_74] {strides = array<i32>} : memref<128x128xf32, #tpu.memory_space<vmem>>, vector<1x16xf32>,
      %swap3A_76 = vector.shape_cast %swap3A_75 : vector<1x16xf32> to vector<16xf32>
      %swap3A_77 = vector.shape_cast %broadcast_in_dim3A_72 : vector<16xf32> to vector<1x16xf32>
      tpu.vector_store %arg7[%swap3A_73, %swap3A_74], %swap3A_77 {strides = array<i32>} : memref<128x128xf32, #tpu.memory_space<vmem>>, vector<1x16xf32>,
    }
    %scan3A_9 = arith.constant 128 : i32
    %scan3A_10 = arith.constant 0 : i32
    %scan3A_11 = arith.constant 0 : i32
    %scan3A_12 = arith.constant 5 : i32
    %scan3A_13 = arith.addi %scan3A_11, %scan3A_12 : i32
    %scan3A_14 = arith.constant 1 : i32
    scf.for %scan3A_23 = %scan3A_11 to %scan3A_13 step %scan3A_14  : i32 {
      %mul3A_24 = arith.constant 128 : i32
      %mul3A_25 = arith.muli %scan3A_23, %mul3A_24 : i32
      %add3A_26 = arith.addi %mul3A_4, %mul3A_25 : i32
      "tpu.region"() ({
        %run_scoped3A = tpu.sem_alloc : memref<!tpu.dma_semaphore, #tpu.memory_space<semaphore_mem>>
        %dma_start3A = arith.constant 0 : i32
        %dma_start3A_27 = tpu.memref_slice %arg9[%add3A_26, %dma_start3A] : memref<10240x128xf32, #tpu.memory_space<vmem_shared>> -> memref<128x128xf32, #tpu.memory_space<vmem_shared>>
        %dma_start3A_28 = arith.constant 0 : i32
        %dma_start3A_29 = tpu.memref_slice %arg9[%add3A_26, %dma_start3A_28] : memref<10240x128xf32, #tpu.memory_space<vmem_shared>> -> memref<128x128xf32, #tpu.memory_space<vmem_shared>>
        tpu.enqueue_dma source(%arg7 : memref<128x128xf32, #tpu.memory_space<vmem>>) target(%dma_start3A_29 : memref<128x128xf32, #tpu.memory_space<vmem_shared>>) target_semaphore(%run_scoped3A : memref<!tpu.dma_semaphore, #tpu.memory_space<semaphore_mem>>)
        %dma_wait3A = arith.constant 0 : i32
        %dma_wait3A_30 = tpu.memref_slice %arg9[%add3A_26, %dma_wait3A] : memref<10240x128xf32, #tpu.memory_space<vmem_shared>> -> memref<128x128xf32, #tpu.memory_space<vmem_shared>>
        %dma_wait3A_31 = arith.constant 0 : i32
        %dma_wait3A_32 = tpu.memref_slice %arg9[%add3A_26, %dma_wait3A_31] : memref<10240x128xf32, #tpu.memory_space<vmem_shared>> -> memref<128x128xf32, #tpu.memory_space<vmem_shared>>
        tpu.wait_dma2 semaphore(%run_scoped3A : memref<!tpu.dma_semaphore, #tpu.memory_space<semaphore_mem>>) src(%arg7 : memref<128x128xf32, #tpu.memory_space<vmem>>) dst(%dma_wait3A_32 : memref<128x128xf32, #tpu.memory_space<vmem_shared>>)
        tpu.yield
      }) : () -> ()
    }
    %scan3A_15 = arith.constant 5 : i32
    %barrier3A = arith.constant 0 : index
    tpu.barrier barrier_id(%barrier3A)
    %scan3A_16 = arith.constant 0 : i32
    %scan3A_17 = arith.constant 0 : i32
    %scan3A_18 = arith.constant 10 : i32
    %scan3A_19 = arith.addi %scan3A_17, %scan3A_18 : i32
    %scan3A_20 = arith.constant 1 : i32
    scf.for %scan3A_23 = %scan3A_17 to %scan3A_19 step %scan3A_20  : i32 {
      %mul3A_24 = arith.constant 8 : i32
      %mul3A_25 = arith.muli %scan3A_23, %mul3A_24 : i32
      %add3A_26 = arith.addi %mul3A_2, %mul3A_25 : i32
      %run_scoped3A = arith.constant 0 : i32
      "tpu.region"() ({
        %run_scoped3A_250 = tpu.sem_alloc : memref<!tpu.dma_semaphore, #tpu.memory_space<semaphore_mem>>
        %dma_start3A_251 = arith.constant 0 : i32
        %dma_start3A_252 = tpu.memref_slice %arg3[%run_scoped3A, %add3A_26, %dma_start3A_251] : memref<2x2560x128xi32, #tpu.memory_space<hbm>> -> memref<1x8x128xi32, #tpu.memory_space<hbm>>
        %dma_start3A_253 = tpu.memref_squeeze %dma_start3A_252 : memref<1x8x128xi32, #tpu.memory_space<hbm>> -> memref<8x128xi32, #tpu.memory_space<hbm>>
        %dma_start3A_254 = arith.constant 0 : i32
        %dma_start3A_255 = tpu.memref_slice %arg3[%run_scoped3A, %add3A_26, %dma_start3A_254] : memref<2x2560x128xi32, #tpu.memory_space<hbm>> -> memref<1x8x128xi32, #tpu.memory_space<hbm>>
        %dma_start3A_256 = tpu.memref_squeeze %dma_start3A_255 : memref<1x8x128xi32, #tpu.memory_space<hbm>> -> memref<8x128xi32, #tpu.memory_space<hbm>>
        tpu.enqueue_dma source(%dma_start3A_256 : memref<8x128xi32, #tpu.memory_space<hbm>>) target(%arg5 : memref<8x128xi32, #tpu.memory_space<vmem>>) target_semaphore(%run_scoped3A_250 : memref<!tpu.dma_semaphore, #tpu.memory_space<semaphore_mem>>)
        %dma_wait3A_257 = arith.constant 0 : i32
        %dma_wait3A_258 = tpu.memref_slice %arg3[%run_scoped3A, %add3A_26, %dma_wait3A_257] : memref<2x2560x128xi32, #tpu.memory_space<hbm>> -> memref<1x8x128xi32, #tpu.memory_space<hbm>>
        %dma_wait3A_259 = tpu.memref_squeeze %dma_wait3A_258 : memref<1x8x128xi32, #tpu.memory_space<hbm>> -> memref<8x128xi32, #tpu.memory_space<hbm>>
        %dma_wait3A_260 = arith.constant 0 : i32
        %dma_wait3A_261 = tpu.memref_slice %arg3[%run_scoped3A, %add3A_26, %dma_wait3A_260] : memref<2x2560x128xi32, #tpu.memory_space<hbm>> -> memref<1x8x128xi32, #tpu.memory_space<hbm>>
        %dma_wait3A_262 = tpu.memref_squeeze %dma_wait3A_261 : memref<1x8x128xi32, #tpu.memory_space<hbm>> -> memref<8x128xi32, #tpu.memory_space<hbm>>
        tpu.wait_dma2 semaphore(%run_scoped3A_250 : memref<!tpu.dma_semaphore, #tpu.memory_space<semaphore_mem>>) src(%dma_wait3A_262 : memref<8x128xi32, #tpu.memory_space<hbm>>) dst(%arg5 : memref<8x128xi32, #tpu.memory_space<vmem>>)
        tpu.yield
      }) : () -> ()
      %run_scoped3A_27 = arith.constant 1 : i32
      "tpu.region"() ({
        %run_scoped3A_250 = tpu.sem_alloc : memref<!tpu.dma_semaphore, #tpu.memory_space<semaphore_mem>>
        %dma_start3A_251 = arith.constant 0 : i32
        %dma_start3A_252 = tpu.memref_slice %arg3[%run_scoped3A_27, %add3A_26, %dma_start3A_251] : memref<2x2560x128xi32, #tpu.memory_space<hbm>> -> memref<1x8x128xi32, #tpu.memory_space<hbm>>
        %dma_start3A_253 = tpu.memref_squeeze %dma_start3A_252 : memref<1x8x128xi32, #tpu.memory_space<hbm>> -> memref<8x128xi32, #tpu.memory_space<hbm>>
        %dma_start3A_254 = arith.constant 0 : i32
        %dma_start3A_255 = tpu.memref_slice %arg3[%run_scoped3A_27, %add3A_26, %dma_start3A_254] : memref<2x2560x128xi32, #tpu.memory_space<hbm>> -> memref<1x8x128xi32, #tpu.memory_space<hbm>>
        %dma_start3A_256 = tpu.memref_squeeze %dma_start3A_255 : memref<1x8x128xi32, #tpu.memory_space<hbm>> -> memref<8x128xi32, #tpu.memory_space<hbm>>
        tpu.enqueue_dma source(%dma_start3A_256 : memref<8x128xi32, #tpu.memory_space<hbm>>) target(%arg6 : memref<8x128xi32, #tpu.memory_space<vmem>>) target_semaphore(%run_scoped3A_250 : memref<!tpu.dma_semaphore, #tpu.memory_space<semaphore_mem>>)
        %dma_wait3A_257 = arith.constant 0 : i32
        %dma_wait3A_258 = tpu.memref_slice %arg3[%run_scoped3A_27, %add3A_26, %dma_wait3A_257] : memref<2x2560x128xi32, #tpu.memory_space<hbm>> -> memref<1x8x128xi32, #tpu.memory_space<hbm>>
        %dma_wait3A_259 = tpu.memref_squeeze %dma_wait3A_258 : memref<1x8x128xi32, #tpu.memory_space<hbm>> -> memref<8x128xi32, #tpu.memory_space<hbm>>
        %dma_wait3A_260 = arith.constant 0 : i32
        %dma_wait3A_261 = tpu.memref_slice %arg3[%run_scoped3A_27, %add3A_26, %dma_wait3A_260] : memref<2x2560x128xi32, #tpu.memory_space<hbm>> -> memref<1x8x128xi32, #tpu.memory_space<hbm>>
        %dma_wait3A_262 = tpu.memref_squeeze %dma_wait3A_261 : memref<1x8x128xi32, #tpu.memory_space<hbm>> -> memref<8x128xi32, #tpu.memory_space<hbm>>
        tpu.wait_dma2 semaphore(%run_scoped3A_250 : memref<!tpu.dma_semaphore, #tpu.memory_space<semaphore_mem>>) src(%dma_wait3A_262 : memref<8x128xi32, #tpu.memory_space<hbm>>) dst(%arg6 : memref<8x128xi32, #tpu.memory_space<vmem>>)
        tpu.yield
      }) : () -> ()
      %dma_start3A = arith.constant 0 : i32
      %dma_start3A_28 = arith.constant 0 : i32
      %dma_start3A_29 = tpu.memref_slice %arg5[%dma_start3A, %dma_start3A_28] : memref<8x128xi32, #tpu.memory_space<vmem>> -> memref<1x128xi32, #tpu.memory_space<vmem>>
      %dma_start3A_30 = tpu.memref_squeeze %dma_start3A_29 : memref<1x128xi32, #tpu.memory_space<vmem>> -> memref<128xi32, #tpu.memory_space<vmem>>
      %dma_start3A_31 = arith.constant 0 : i32
      %dma_start3A_32 = arith.constant 0 : i32
      %dma_start3A_33 = tpu.memref_slice %arg2[%dma_start3A_31, %dma_start3A_32] : memref<10240x128xf32, #tpu.memory_space<hbm>> -> memref<10240x128xf32, #tpu.memory_space<hbm>>
      tpu.enqueue_indirect_dma source(%dma_start3A_33 : memref<10240x128xf32, #tpu.memory_space<hbm>>) target(%arg7 : memref<128x128xf32, #tpu.memory_space<vmem>>) offsets(%dma_start3A_30 : memref<128xi32, #tpu.memory_space<vmem>>) semaphore(%arg10 : memref<!tpu.dma_semaphore, #tpu.memory_space<semaphore_mem>>)
      %dma_wait3A = arith.constant 0 : i32
      %dma_wait3A_34 = arith.constant 0 : i32
      %dma_wait3A_35 = tpu.memref_slice %arg5[%dma_wait3A, %dma_wait3A_34] : memref<8x128xi32, #tpu.memory_space<vmem>> -> memref<1x128xi32, #tpu.memory_space<vmem>>
      %dma_wait3A_36 = tpu.memref_squeeze %dma_wait3A_35 : memref<1x128xi32, #tpu.memory_space<vmem>> -> memref<128xi32, #tpu.memory_space<vmem>>
      %dma_wait3A_37 = arith.constant 0 : i32
      %dma_wait3A_38 = arith.constant 0 : i32
      %dma_wait3A_39 = tpu.memref_slice %arg2[%dma_wait3A_37, %dma_wait3A_38] : memref<10240x128xf32, #tpu.memory_space<hbm>> -> memref<10240x128xf32, #tpu.memory_space<hbm>>
      tpu.wait_indirect_dma semaphore(%arg10 : memref<!tpu.dma_semaphore, #tpu.memory_space<semaphore_mem>>) src(%dma_wait3A_39 : memref<10240x128xf32, #tpu.memory_space<hbm>>) dst(%arg7 : memref<128x128xf32, #tpu.memory_space<vmem>>)
      %dma_start3A_40 = arith.constant 0 : i32
      %dma_start3A_41 = arith.constant 0 : i32
      %dma_start3A_42 = tpu.memref_slice %arg6[%dma_start3A_40, %dma_start3A_41] : memref<8x128xi32, #tpu.memory_space<vmem>> -> memref<1x128xi32, #tpu.memory_space<vmem>>
      %dma_start3A_43 = tpu.memref_squeeze %dma_start3A_42 : memref<1x128xi32, #tpu.memory_space<vmem>> -> memref<128xi32, #tpu.memory_space<vmem>>
      %dma_start3A_44 = arith.constant 0 : i32
      %dma_start3A_45 = arith.constant 0 : i32
      %dma_start3A_46 = tpu.memref_slice %arg9[%dma_start3A_44, %dma_start3A_45] : memref<10240x128xf32, #tpu.memory_space<vmem_shared>> -> memref<10240x128xf32, #tpu.memory_space<vmem_shared>>
      tpu.enqueue_indirect_dma source(%arg7 : memref<128x128xf32, #tpu.memory_space<vmem>>) target(%dma_start3A_46 : memref<10240x128xf32, #tpu.memory_space<vmem_shared>>) offsets(%dma_start3A_43 : memref<128xi32, #tpu.memory_space<vmem>>) semaphore(%arg11 : memref<!tpu.dma_semaphore, #tpu.memory_space<semaphore_mem>>) {add = true}
      %dma_start3A_47 = arith.constant 1 : i32
      %dma_start3A_48 = arith.constant 0 : i32
      %dma_start3A_49 = tpu.memref_slice %arg5[%dma_start3A_47, %dma_start3A_48] : memref<8x128xi32, #tpu.memory_space<vmem>> -> memref<1x128xi32, #tpu.memory_space<vmem>>
      %dma_start3A_50 = tpu.memref_squeeze %dma_start3A_49 : memref<1x128xi32, #tpu.memory_space<vmem>> -> memref<128xi32, #tpu.memory_space<vmem>>
      %dma_start3A_51 = arith.constant 0 : i32
      %dma_start3A_52 = arith.constant 0 : i32
      %dma_start3A_53 = tpu.memref_slice %arg2[%dma_start3A_51, %dma_start3A_52] : memref<10240x128xf32, #tpu.memory_space<hbm>> -> memref<10240x128xf32, #tpu.memory_space<hbm>>
      tpu.enqueue_indirect_dma source(%dma_start3A_53 : memref<10240x128xf32, #tpu.memory_space<hbm>>) target(%arg8 : memref<128x128xf32, #tpu.memory_space<vmem>>) offsets(%dma_start3A_50 : memref<128xi32, #tpu.memory_space<vmem>>) semaphore(%arg10 : memref<!tpu.dma_semaphore, #tpu.memory_space<semaphore_mem>>)
      %dma_wait3A_54 = arith.constant 1 : i32
      %dma_wait3A_55 = arith.constant 0 : i32
      %dma_wait3A_56 = tpu.memref_slice %arg5[%dma_wait3A_54, %dma_wait3A_55] : memref<8x128xi32, #tpu.memory_space<vmem>> -> memref<1x128xi32, #tpu.memory_space<vmem>>
      %dma_wait3A_57 = tpu.memref_squeeze %dma_wait3A_56 : memref<1x128xi32, #tpu.memory_space<vmem>> -> memref<128xi32, #tpu.memory_space<vmem>>
      %dma_wait3A_58 = arith.constant 0 : i32
      %dma_wait3A_59 = arith.constant 0 : i32
      %dma_wait3A_60 = tpu.memref_slice %arg2[%dma_wait3A_58, %dma_wait3A_59] : memref<10240x128xf32, #tpu.memory_space<hbm>> -> memref<10240x128xf32, #tpu.memory_space<hbm>>
      tpu.wait_indirect_dma semaphore(%arg10 : memref<!tpu.dma_semaphore, #tpu.memory_space<semaphore_mem>>) src(%dma_wait3A_60 : memref<10240x128xf32, #tpu.memory_space<hbm>>) dst(%arg8 : memref<128x128xf32, #tpu.memory_space<vmem>>)
      %dma_start3A_61 = arith.constant 1 : i32
      %dma_start3A_62 = arith.constant 0 : i32
      %dma_start3A_63 = tpu.memref_slice %arg6[%dma_start3A_61, %dma_start3A_62] : memref<8x128xi32, #tpu.memory_space<vmem>> -> memref<1x128xi32, #tpu.memory_space<vmem>>
      %dma_start3A_64 = tpu.memref_squeeze %dma_start3A_63 : memref<1x128xi32, #tpu.memory_space<vmem>> -> memref<128xi32, #tpu.memory_space<vmem>>
      %dma_start3A_65 = arith.constant 0 : i32
      %dma_start3A_66 = arith.constant 0 : i32
      %dma_start3A_67 = tpu.memref_slice %arg9[%dma_start3A_65, %dma_start3A_66] : memref<10240x128xf32, #tpu.memory_space<vmem_shared>> -> memref<10240x128xf32, #tpu.memory_space<vmem_shared>>
      tpu.enqueue_indirect_dma source(%arg8 : memref<128x128xf32, #tpu.memory_space<vmem>>) target(%dma_start3A_67 : memref<10240x128xf32, #tpu.memory_space<vmem_shared>>) offsets(%dma_start3A_64 : memref<128xi32, #tpu.memory_space<vmem>>) semaphore(%arg11 : memref<!tpu.dma_semaphore, #tpu.memory_space<semaphore_mem>>) {add = true}
      %dma_wait3A_68 = arith.constant 0 : i32
      %dma_wait3A_69 = arith.constant 0 : i32
      %dma_wait3A_70 = tpu.memref_slice %arg6[%dma_wait3A_68, %dma_wait3A_69] : memref<8x128xi32, #tpu.memory_space<vmem>> -> memref<1x128xi32, #tpu.memory_space<vmem>>
      %dma_wait3A_71 = tpu.memref_squeeze %dma_wait3A_70 : memref<1x128xi32, #tpu.memory_space<vmem>> -> memref<128xi32, #tpu.memory_space<vmem>>
      %dma_wait3A_72 = arith.constant 0 : i32
      %dma_wait3A_73 = arith.constant 0 : i32
      %dma_wait3A_74 = tpu.memref_slice %arg9[%dma_wait3A_72, %dma_wait3A_73] : memref<10240x128xf32, #tpu.memory_space<vmem_shared>> -> memref<10240x128xf32, #tpu.memory_space<vmem_shared>>
      tpu.wait_indirect_dma semaphore(%arg11 : memref<!tpu.dma_semaphore, #tpu.memory_space<semaphore_mem>>) src(%arg7 : memref<128x128xf32, #tpu.memory_space<vmem>>) dst(%dma_wait3A_74 : memref<10240x128xf32, #tpu.memory_space<vmem_shared>>)
      %dma_start3A_75 = arith.constant 2 : i32
      %dma_start3A_76 = arith.constant 0 : i32
      %dma_start3A_77 = tpu.memref_slice %arg5[%dma_start3A_75, %dma_start3A_76] : memref<8x128xi32, #tpu.memory_space<vmem>> -> memref<1x128xi32, #tpu.memory_space<vmem>>
      %dma_start3A_78 = tpu.memref_squeeze %dma_start3A_77 : memref<1x128xi32, #tpu.memory_space<vmem>> -> memref<128xi32, #tpu.memory_space<vmem>>
      %dma_start3A_79 = arith.constant 0 : i32
      %dma_start3A_80 = arith.constant 0 : i32
      %dma_start3A_81 = tpu.memref_slice %arg2[%dma_start3A_79, %dma_start3A_80] : memref<10240x128xf32, #tpu.memory_space<hbm>> -> memref<10240x128xf32, #tpu.memory_space<hbm>>
      tpu.enqueue_indirect_dma source(%dma_start3A_81 : memref<10240x128xf32, #tpu.memory_space<hbm>>) target(%arg7 : memref<128x128xf32, #tpu.memory_space<vmem>>) offsets(%dma_start3A_78 : memref<128xi32, #tpu.memory_space<vmem>>) semaphore(%arg10 : memref<!tpu.dma_semaphore, #tpu.memory_space<semaphore_mem>>)
      %dma_wait3A_82 = arith.constant 2 : i32
      %dma_wait3A_83 = arith.constant 0 : i32
      %dma_wait3A_84 = tpu.memref_slice %arg5[%dma_wait3A_82, %dma_wait3A_83] : memref<8x128xi32, #tpu.memory_space<vmem>> -> memref<1x128xi32, #tpu.memory_space<vmem>>
      %dma_wait3A_85 = tpu.memref_squeeze %dma_wait3A_84 : memref<1x128xi32, #tpu.memory_space<vmem>> -> memref<128xi32, #tpu.memory_space<vmem>>
      %dma_wait3A_86 = arith.constant 0 : i32
      %dma_wait3A_87 = arith.constant 0 : i32
      %dma_wait3A_88 = tpu.memref_slice %arg2[%dma_wait3A_86, %dma_wait3A_87] : memref<10240x128xf32, #tpu.memory_space<hbm>> -> memref<10240x128xf32, #tpu.memory_space<hbm>>
      tpu.wait_indirect_dma semaphore(%arg10 : memref<!tpu.dma_semaphore, #tpu.memory_space<semaphore_mem>>) src(%dma_wait3A_88 : memref<10240x128xf32, #tpu.memory_space<hbm>>) dst(%arg7 : memref<128x128xf32, #tpu.memory_space<vmem>>)
      %dma_start3A_89 = arith.constant 2 : i32
      %dma_start3A_90 = arith.constant 0 : i32
      %dma_start3A_91 = tpu.memref_slice %arg6[%dma_start3A_89, %dma_start3A_90] : memref<8x128xi32, #tpu.memory_space<vmem>> -> memref<1x128xi32, #tpu.memory_space<vmem>>
      %dma_start3A_92 = tpu.memref_squeeze %dma_start3A_91 : memref<1x128xi32, #tpu.memory_space<vmem>> -> memref<128xi32, #tpu.memory_space<vmem>>
      %dma_start3A_93 = arith.constant 0 : i32
      %dma_start3A_94 = arith.constant 0 : i32
      %dma_start3A_95 = tpu.memref_slice %arg9[%dma_start3A_93, %dma_start3A_94] : memref<10240x128xf32, #tpu.memory_space<vmem_shared>> -> memref<10240x128xf32, #tpu.memory_space<vmem_shared>>
      tpu.enqueue_indirect_dma source(%arg7 : memref<128x128xf32, #tpu.memory_space<vmem>>) target(%dma_start3A_95 : memref<10240x128xf32, #tpu.memory_space<vmem_shared>>) offsets(%dma_start3A_92 : memref<128xi32, #tpu.memory_space<vmem>>) semaphore(%arg11 : memref<!tpu.dma_semaphore, #tpu.memory_space<semaphore_mem>>) {add = true}
      %dma_wait3A_96 = arith.constant 1 : i32
      %dma_wait3A_97 = arith.constant 0 : i32
      %dma_wait3A_98 = tpu.memref_slice %arg6[%dma_wait3A_96, %dma_wait3A_97] : memref<8x128xi32, #tpu.memory_space<vmem>> -> memref<1x128xi32, #tpu.memory_space<vmem>>
      %dma_wait3A_99 = tpu.memref_squeeze %dma_wait3A_98 : memref<1x128xi32, #tpu.memory_space<vmem>> -> memref<128xi32, #tpu.memory_space<vmem>>
      %dma_wait3A_100 = arith.constant 0 : i32
      %dma_wait3A_101 = arith.constant 0 : i32
      %dma_wait3A_102 = tpu.memref_slice %arg9[%dma_wait3A_100, %dma_wait3A_101] : memref<10240x128xf32, #tpu.memory_space<vmem_shared>> -> memref<10240x128xf32, #tpu.memory_space<vmem_shared>>
      tpu.wait_indirect_dma semaphore(%arg11 : memref<!tpu.dma_semaphore, #tpu.memory_space<semaphore_mem>>) src(%arg8 : memref<128x128xf32, #tpu.memory_space<vmem>>) dst(%dma_wait3A_102 : memref<10240x128xf32, #tpu.memory_space<vmem_shared>>)
      %dma_start3A_103 = arith.constant 3 : i32
      %dma_start3A_104 = arith.constant 0 : i32
      %dma_start3A_105 = tpu.memref_slice %arg5[%dma_start3A_103, %dma_start3A_104] : memref<8x128xi32, #tpu.memory_space<vmem>> -> memref<1x128xi32, #tpu.memory_space<vmem>>
      %dma_start3A_106 = tpu.memref_squeeze %dma_start3A_105 : memref<1x128xi32, #tpu.memory_space<vmem>> -> memref<128xi32, #tpu.memory_space<vmem>>
      %dma_start3A_107 = arith.constant 0 : i32
      %dma_start3A_108 = arith.constant 0 : i32
      %dma_start3A_109 = tpu.memref_slice %arg2[%dma_start3A_107, %dma_start3A_108] : memref<10240x128xf32, #tpu.memory_space<hbm>> -> memref<10240x128xf32, #tpu.memory_space<hbm>>
      tpu.enqueue_indirect_dma source(%dma_start3A_109 : memref<10240x128xf32, #tpu.memory_space<hbm>>) target(%arg8 : memref<128x128xf32, #tpu.memory_space<vmem>>) offsets(%dma_start3A_106 : memref<128xi32, #tpu.memory_space<vmem>>) semaphore(%arg10 : memref<!tpu.dma_semaphore, #tpu.memory_space<semaphore_mem>>)
      %dma_wait3A_110 = arith.constant 3 : i32
      %dma_wait3A_111 = arith.constant 0 : i32
      %dma_wait3A_112 = tpu.memref_slice %arg5[%dma_wait3A_110, %dma_wait3A_111] : memref<8x128xi32, #tpu.memory_space<vmem>> -> memref<1x128xi32, #tpu.memory_space<vmem>>
      %dma_wait3A_113 = tpu.memref_squeeze %dma_wait3A_112 : memref<1x128xi32, #tpu.memory_space<vmem>> -> memref<128xi32, #tpu.memory_space<vmem>>
      %dma_wait3A_114 = arith.constant 0 : i32
      %dma_wait3A_115 = arith.constant 0 : i32
      %dma_wait3A_116 = tpu.memref_slice %arg2[%dma_wait3A_114, %dma_wait3A_115] : memref<10240x128xf32, #tpu.memory_space<hbm>> -> memref<10240x128xf32, #tpu.memory_space<hbm>>
      tpu.wait_indirect_dma semaphore(%arg10 : memref<!tpu.dma_semaphore, #tpu.memory_space<semaphore_mem>>) src(%dma_wait3A_116 : memref<10240x128xf32, #tpu.memory_space<hbm>>) dst(%arg8 : memref<128x128xf32, #tpu.memory_space<vmem>>)
      %dma_start3A_117 = arith.constant 3 : i32
      %dma_start3A_118 = arith.constant 0 : i32
      %dma_start3A_119 = tpu.memref_slice %arg6[%dma_start3A_117, %dma_start3A_118] : memref<8x128xi32, #tpu.memory_space<vmem>> -> memref<1x128xi32, #tpu.memory_space<vmem>>
      %dma_start3A_120 = tpu.memref_squeeze %dma_start3A_119 : memref<1x128xi32, #tpu.memory_space<vmem>> -> memref<128xi32, #tpu.memory_space<vmem>>
      %dma_start3A_121 = arith.constant 0 : i32
      %dma_start3A_122 = arith.constant 0 : i32
      %dma_start3A_123 = tpu.memref_slice %arg9[%dma_start3A_121, %dma_start3A_122] : memref<10240x128xf32, #tpu.memory_space<vmem_shared>> -> memref<10240x128xf32, #tpu.memory_space<vmem_shared>>
      tpu.enqueue_indirect_dma source(%arg8 : memref<128x128xf32, #tpu.memory_space<vmem>>) target(%dma_start3A_123 : memref<10240x128xf32, #tpu.memory_space<vmem_shared>>) offsets(%dma_start3A_120 : memref<128xi32, #tpu.memory_space<vmem>>) semaphore(%arg11 : memref<!tpu.dma_semaphore, #tpu.memory_space<semaphore_mem>>) {add = true}
      %dma_wait3A_124 = arith.constant 2 : i32
      %dma_wait3A_125 = arith.constant 0 : i32
      %dma_wait3A_126 = tpu.memref_slice %arg6[%dma_wait3A_124, %dma_wait3A_125] : memref<8x128xi32, #tpu.memory_space<vmem>> -> memref<1x128xi32, #tpu.memory_space<vmem>>
      %dma_wait3A_127 = tpu.memref_squeeze %dma_wait3A_126 : memref<1x128xi32, #tpu.memory_space<vmem>> -> memref<128xi32, #tpu.memory_space<vmem>>
      %dma_wait3A_128 = arith.constant 0 : i32
      %dma_wait3A_129 = arith.constant 0 : i32
      %dma_wait3A_130 = tpu.memref_slice %arg9[%dma_wait3A_128, %dma_wait3A_129] : memref<10240x128xf32, #tpu.memory_space<vmem_shared>> -> memref<10240x128xf32, #tpu.memory_space<vmem_shared>>
      tpu.wait_indirect_dma semaphore(%arg11 : memref<!tpu.dma_semaphore, #tpu.memory_space<semaphore_mem>>) src(%arg7 : memref<128x128xf32, #tpu.memory_space<vmem>>) dst(%dma_wait3A_130 : memref<10240x128xf32, #tpu.memory_space<vmem_shared>>)
      %dma_start3A_131 = arith.constant 4 : i32
      %dma_start3A_132 = arith.constant 0 : i32
      %dma_start3A_133 = tpu.memref_slice %arg5[%dma_start3A_131, %dma_start3A_132] : memref<8x128xi32, #tpu.memory_space<vmem>> -> memref<1x128xi32, #tpu.memory_space<vmem>>
      %dma_start3A_134 = tpu.memref_squeeze %dma_start3A_133 : memref<1x128xi32, #tpu.memory_space<vmem>> -> memref<128xi32, #tpu.memory_space<vmem>>
      %dma_start3A_135 = arith.constant 0 : i32
      %dma_start3A_136 = arith.constant 0 : i32
      %dma_start3A_137 = tpu.memref_slice %arg2[%dma_start3A_135, %dma_start3A_136] : memref<10240x128xf32, #tpu.memory_space<hbm>> -> memref<10240x128xf32, #tpu.memory_space<hbm>>
      tpu.enqueue_indirect_dma source(%dma_start3A_137 : memref<10240x128xf32, #tpu.memory_space<hbm>>) target(%arg7 : memref<128x128xf32, #tpu.memory_space<vmem>>) offsets(%dma_start3A_134 : memref<128xi32, #tpu.memory_space<vmem>>) semaphore(%arg10 : memref<!tpu.dma_semaphore, #tpu.memory_space<semaphore_mem>>)
      %dma_wait3A_138 = arith.constant 4 : i32
      %dma_wait3A_139 = arith.constant 0 : i32
      %dma_wait3A_140 = tpu.memref_slice %arg5[%dma_wait3A_138, %dma_wait3A_139] : memref<8x128xi32, #tpu.memory_space<vmem>> -> memref<1x128xi32, #tpu.memory_space<vmem>>
      %dma_wait3A_141 = tpu.memref_squeeze %dma_wait3A_140 : memref<1x128xi32, #tpu.memory_space<vmem>> -> memref<128xi32, #tpu.memory_space<vmem>>
      %dma_wait3A_142 = arith.constant 0 : i32
      %dma_wait3A_143 = arith.constant 0 : i32
      %dma_wait3A_144 = tpu.memref_slice %arg2[%dma_wait3A_142, %dma_wait3A_143] : memref<10240x128xf32, #tpu.memory_space<hbm>> -> memref<10240x128xf32, #tpu.memory_space<hbm>>
      tpu.wait_indirect_dma semaphore(%arg10 : memref<!tpu.dma_semaphore, #tpu.memory_space<semaphore_mem>>) src(%dma_wait3A_144 : memref<10240x128xf32, #tpu.memory_space<hbm>>) dst(%arg7 : memref<128x128xf32, #tpu.memory_space<vmem>>)
      %dma_start3A_145 = arith.constant 4 : i32
      %dma_start3A_146 = arith.constant 0 : i32
      %dma_start3A_147 = tpu.memref_slice %arg6[%dma_start3A_145, %dma_start3A_146] : memref<8x128xi32, #tpu.memory_space<vmem>> -> memref<1x128xi32, #tpu.memory_space<vmem>>
      %dma_start3A_148 = tpu.memref_squeeze %dma_start3A_147 : memref<1x128xi32, #tpu.memory_space<vmem>> -> memref<128xi32, #tpu.memory_space<vmem>>
      %dma_start3A_149 = arith.constant 0 : i32
      %dma_start3A_150 = arith.constant 0 : i32
      %dma_start3A_151 = tpu.memref_slice %arg9[%dma_start3A_149, %dma_start3A_150] : memref<10240x128xf32, #tpu.memory_space<vmem_shared>> -> memref<10240x128xf32, #tpu.memory_space<vmem_shared>>
      tpu.enqueue_indirect_dma source(%arg7 : memref<128x128xf32, #tpu.memory_space<vmem>>) target(%dma_start3A_151 : memref<10240x128xf32, #tpu.memory_space<vmem_shared>>) offsets(%dma_start3A_148 : memref<128xi32, #tpu.memory_space<vmem>>) semaphore(%arg11 : memref<!tpu.dma_semaphore, #tpu.memory_space<semaphore_mem>>) {add = true}
      %dma_wait3A_152 = arith.constant 3 : i32
      %dma_wait3A_153 = arith.constant 0 : i32
      %dma_wait3A_154 = tpu.memref_slice %arg6[%dma_wait3A_152, %dma_wait3A_153] : memref<8x128xi32, #tpu.memory_space<vmem>> -> memref<1x128xi32, #tpu.memory_space<vmem>>
      %dma_wait3A_155 = tpu.memref_squeeze %dma_wait3A_154 : memref<1x128xi32, #tpu.memory_space<vmem>> -> memref<128xi32, #tpu.memory_space<vmem>>
      %dma_wait3A_156 = arith.constant 0 : i32
      %dma_wait3A_157 = arith.constant 0 : i32
      %dma_wait3A_158 = tpu.memref_slice %arg9[%dma_wait3A_156, %dma_wait3A_157] : memref<10240x128xf32, #tpu.memory_space<vmem_shared>> -> memref<10240x128xf32, #tpu.memory_space<vmem_shared>>
      tpu.wait_indirect_dma semaphore(%arg11 : memref<!tpu.dma_semaphore, #tpu.memory_space<semaphore_mem>>) src(%arg8 : memref<128x128xf32, #tpu.memory_space<vmem>>) dst(%dma_wait3A_158 : memref<10240x128xf32, #tpu.memory_space<vmem_shared>>)
      %dma_start3A_159 = arith.constant 5 : i32
      %dma_start3A_160 = arith.constant 0 : i32
      %dma_start3A_161 = tpu.memref_slice %arg5[%dma_start3A_159, %dma_start3A_160] : memref<8x128xi32, #tpu.memory_space<vmem>> -> memref<1x128xi32, #tpu.memory_space<vmem>>
      %dma_start3A_162 = tpu.memref_squeeze %dma_start3A_161 : memref<1x128xi32, #tpu.memory_space<vmem>> -> memref<128xi32, #tpu.memory_space<vmem>>
      %dma_start3A_163 = arith.constant 0 : i32
      %dma_start3A_164 = arith.constant 0 : i32
      %dma_start3A_165 = tpu.memref_slice %arg2[%dma_start3A_163, %dma_start3A_164] : memref<10240x128xf32, #tpu.memory_space<hbm>> -> memref<10240x128xf32, #tpu.memory_space<hbm>>
      tpu.enqueue_indirect_dma source(%dma_start3A_165 : memref<10240x128xf32, #tpu.memory_space<hbm>>) target(%arg8 : memref<128x128xf32, #tpu.memory_space<vmem>>) offsets(%dma_start3A_162 : memref<128xi32, #tpu.memory_space<vmem>>) semaphore(%arg10 : memref<!tpu.dma_semaphore, #tpu.memory_space<semaphore_mem>>)
      %dma_wait3A_166 = arith.constant 5 : i32
      %dma_wait3A_167 = arith.constant 0 : i32
      %dma_wait3A_168 = tpu.memref_slice %arg5[%dma_wait3A_166, %dma_wait3A_167] : memref<8x128xi32, #tpu.memory_space<vmem>> -> memref<1x128xi32, #tpu.memory_space<vmem>>
      %dma_wait3A_169 = tpu.memref_squeeze %dma_wait3A_168 : memref<1x128xi32, #tpu.memory_space<vmem>> -> memref<128xi32, #tpu.memory_space<vmem>>
      %dma_wait3A_170 = arith.constant 0 : i32
      %dma_wait3A_171 = arith.constant 0 : i32
      %dma_wait3A_172 = tpu.memref_slice %arg2[%dma_wait3A_170, %dma_wait3A_171] : memref<10240x128xf32, #tpu.memory_space<hbm>> -> memref<10240x128xf32, #tpu.memory_space<hbm>>
      tpu.wait_indirect_dma semaphore(%arg10 : memref<!tpu.dma_semaphore, #tpu.memory_space<semaphore_mem>>) src(%dma_wait3A_172 : memref<10240x128xf32, #tpu.memory_space<hbm>>) dst(%arg8 : memref<128x128xf32, #tpu.memory_space<vmem>>)
      %dma_start3A_173 = arith.constant 5 : i32
      %dma_start3A_174 = arith.constant 0 : i32
      %dma_start3A_175 = tpu.memref_slice %arg6[%dma_start3A_173, %dma_start3A_174] : memref<8x128xi32, #tpu.memory_space<vmem>> -> memref<1x128xi32, #tpu.memory_space<vmem>>
      %dma_start3A_176 = tpu.memref_squeeze %dma_start3A_175 : memref<1x128xi32, #tpu.memory_space<vmem>> -> memref<128xi32, #tpu.memory_space<vmem>>
      %dma_start3A_177 = arith.constant 0 : i32
      %dma_start3A_178 = arith.constant 0 : i32
      %dma_start3A_179 = tpu.memref_slice %arg9[%dma_start3A_177, %dma_start3A_178] : memref<10240x128xf32, #tpu.memory_space<vmem_shared>> -> memref<10240x128xf32, #tpu.memory_space<vmem_shared>>
      tpu.enqueue_indirect_dma source(%arg8 : memref<128x128xf32, #tpu.memory_space<vmem>>) target(%dma_start3A_179 : memref<10240x128xf32, #tpu.memory_space<vmem_shared>>) offsets(%dma_start3A_176 : memref<128xi32, #tpu.memory_space<vmem>>) semaphore(%arg11 : memref<!tpu.dma_semaphore, #tpu.memory_space<semaphore_mem>>) {add = true}
      %dma_wait3A_180 = arith.constant 4 : i32
      %dma_wait3A_181 = arith.constant 0 : i32
      %dma_wait3A_182 = tpu.memref_slice %arg6[%dma_wait3A_180, %dma_wait3A_181] : memref<8x128xi32, #tpu.memory_space<vmem>> -> memref<1x128xi32, #tpu.memory_space<vmem>>
      %dma_wait3A_183 = tpu.memref_squeeze %dma_wait3A_182 : memref<1x128xi32, #tpu.memory_space<vmem>> -> memref<128xi32, #tpu.memory_space<vmem>>
      %dma_wait3A_184 = arith.constant 0 : i32
      %dma_wait3A_185 = arith.constant 0 : i32
      %dma_wait3A_186 = tpu.memref_slice %arg9[%dma_wait3A_184, %dma_wait3A_185] : memref<10240x128xf32, #tpu.memory_space<vmem_shared>> -> memref<10240x128xf32, #tpu.memory_space<vmem_shared>>
      tpu.wait_indirect_dma semaphore(%arg11 : memref<!tpu.dma_semaphore, #tpu.memory_space<semaphore_mem>>) src(%arg7 : memref<128x128xf32, #tpu.memory_space<vmem>>) dst(%dma_wait3A_186 : memref<10240x128xf32, #tpu.memory_space<vmem_shared>>)
      %dma_start3A_187 = arith.constant 6 : i32
      %dma_start3A_188 = arith.constant 0 : i32
      %dma_start3A_189 = tpu.memref_slice %arg5[%dma_start3A_187, %dma_start3A_188] : memref<8x128xi32, #tpu.memory_space<vmem>> -> memref<1x128xi32, #tpu.memory_space<vmem>>
      %dma_start3A_190 = tpu.memref_squeeze %dma_start3A_189 : memref<1x128xi32, #tpu.memory_space<vmem>> -> memref<128xi32, #tpu.memory_space<vmem>>
      %dma_start3A_191 = arith.constant 0 : i32
      %dma_start3A_192 = arith.constant 0 : i32
      %dma_start3A_193 = tpu.memref_slice %arg2[%dma_start3A_191, %dma_start3A_192] : memref<10240x128xf32, #tpu.memory_space<hbm>> -> memref<10240x128xf32, #tpu.memory_space<hbm>>
      tpu.enqueue_indirect_dma source(%dma_start3A_193 : memref<10240x128xf32, #tpu.memory_space<hbm>>) target(%arg7 : memref<128x128xf32, #tpu.memory_space<vmem>>) offsets(%dma_start3A_190 : memref<128xi32, #tpu.memory_space<vmem>>) semaphore(%arg10 : memref<!tpu.dma_semaphore, #tpu.memory_space<semaphore_mem>>)
      %dma_wait3A_194 = arith.constant 6 : i32
      %dma_wait3A_195 = arith.constant 0 : i32
      %dma_wait3A_196 = tpu.memref_slice %arg5[%dma_wait3A_194, %dma_wait3A_195] : memref<8x128xi32, #tpu.memory_space<vmem>> -> memref<1x128xi32, #tpu.memory_space<vmem>>
      %dma_wait3A_197 = tpu.memref_squeeze %dma_wait3A_196 : memref<1x128xi32, #tpu.memory_space<vmem>> -> memref<128xi32, #tpu.memory_space<vmem>>
      %dma_wait3A_198 = arith.constant 0 : i32
      %dma_wait3A_199 = arith.constant 0 : i32
      %dma_wait3A_200 = tpu.memref_slice %arg2[%dma_wait3A_198, %dma_wait3A_199] : memref<10240x128xf32, #tpu.memory_space<hbm>> -> memref<10240x128xf32, #tpu.memory_space<hbm>>
      tpu.wait_indirect_dma semaphore(%arg10 : memref<!tpu.dma_semaphore, #tpu.memory_space<semaphore_mem>>) src(%dma_wait3A_200 : memref<10240x128xf32, #tpu.memory_space<hbm>>) dst(%arg7 : memref<128x128xf32, #tpu.memory_space<vmem>>)
      %dma_start3A_201 = arith.constant 6 : i32
      %dma_start3A_202 = arith.constant 0 : i32
      %dma_start3A_203 = tpu.memref_slice %arg6[%dma_start3A_201, %dma_start3A_202] : memref<8x128xi32, #tpu.memory_space<vmem>> -> memref<1x128xi32, #tpu.memory_space<vmem>>
      %dma_start3A_204 = tpu.memref_squeeze %dma_start3A_203 : memref<1x128xi32, #tpu.memory_space<vmem>> -> memref<128xi32, #tpu.memory_space<vmem>>
      %dma_start3A_205 = arith.constant 0 : i32
      %dma_start3A_206 = arith.constant 0 : i32
      %dma_start3A_207 = tpu.memref_slice %arg9[%dma_start3A_205, %dma_start3A_206] : memref<10240x128xf32, #tpu.memory_space<vmem_shared>> -> memref<10240x128xf32, #tpu.memory_space<vmem_shared>>
      tpu.enqueue_indirect_dma source(%arg7 : memref<128x128xf32, #tpu.memory_space<vmem>>) target(%dma_start3A_207 : memref<10240x128xf32, #tpu.memory_space<vmem_shared>>) offsets(%dma_start3A_204 : memref<128xi32, #tpu.memory_space<vmem>>) semaphore(%arg11 : memref<!tpu.dma_semaphore, #tpu.memory_space<semaphore_mem>>) {add = true}
      %dma_wait3A_208 = arith.constant 5 : i32
      %dma_wait3A_209 = arith.constant 0 : i32
      %dma_wait3A_210 = tpu.memref_slice %arg6[%dma_wait3A_208, %dma_wait3A_209] : memref<8x128xi32, #tpu.memory_space<vmem>> -> memref<1x128xi32, #tpu.memory_space<vmem>>
      %dma_wait3A_211 = tpu.memref_squeeze %dma_wait3A_210 : memref<1x128xi32, #tpu.memory_space<vmem>> -> memref<128xi32, #tpu.memory_space<vmem>>
      %dma_wait3A_212 = arith.constant 0 : i32
      %dma_wait3A_213 = arith.constant 0 : i32
      %dma_wait3A_214 = tpu.memref_slice %arg9[%dma_wait3A_212, %dma_wait3A_213] : memref<10240x128xf32, #tpu.memory_space<vmem_shared>> -> memref<10240x128xf32, #tpu.memory_space<vmem_shared>>
      tpu.wait_indirect_dma semaphore(%arg11 : memref<!tpu.dma_semaphore, #tpu.memory_space<semaphore_mem>>) src(%arg8 : memref<128x128xf32, #tpu.memory_space<vmem>>) dst(%dma_wait3A_214 : memref<10240x128xf32, #tpu.memory_space<vmem_shared>>)
      %dma_start3A_215 = arith.constant 7 : i32
      %dma_start3A_216 = arith.constant 0 : i32
      %dma_start3A_217 = tpu.memref_slice %arg5[%dma_start3A_215, %dma_start3A_216] : memref<8x128xi32, #tpu.memory_space<vmem>> -> memref<1x128xi32, #tpu.memory_space<vmem>>
      %dma_start3A_218 = tpu.memref_squeeze %dma_start3A_217 : memref<1x128xi32, #tpu.memory_space<vmem>> -> memref<128xi32, #tpu.memory_space<vmem>>
      %dma_start3A_219 = arith.constant 0 : i32
      %dma_start3A_220 = arith.constant 0 : i32
      %dma_start3A_221 = tpu.memref_slice %arg2[%dma_start3A_219, %dma_start3A_220] : memref<10240x128xf32, #tpu.memory_space<hbm>> -> memref<10240x128xf32, #tpu.memory_space<hbm>>
      tpu.enqueue_indirect_dma source(%dma_start3A_221 : memref<10240x128xf32, #tpu.memory_space<hbm>>) target(%arg8 : memref<128x128xf32, #tpu.memory_space<vmem>>) offsets(%dma_start3A_218 : memref<128xi32, #tpu.memory_space<vmem>>) semaphore(%arg10 : memref<!tpu.dma_semaphore, #tpu.memory_space<semaphore_mem>>)
      %dma_wait3A_222 = arith.constant 7 : i32
      %dma_wait3A_223 = arith.constant 0 : i32
      %dma_wait3A_224 = tpu.memref_slice %arg5[%dma_wait3A_222, %dma_wait3A_223] : memref<8x128xi32, #tpu.memory_space<vmem>> -> memref<1x128xi32, #tpu.memory_space<vmem>>
      %dma_wait3A_225 = tpu.memref_squeeze %dma_wait3A_224 : memref<1x128xi32, #tpu.memory_space<vmem>> -> memref<128xi32, #tpu.memory_space<vmem>>
      %dma_wait3A_226 = arith.constant 0 : i32
      %dma_wait3A_227 = arith.constant 0 : i32
      %dma_wait3A_228 = tpu.memref_slice %arg2[%dma_wait3A_226, %dma_wait3A_227] : memref<10240x128xf32, #tpu.memory_space<hbm>> -> memref<10240x128xf32, #tpu.memory_space<hbm>>
      tpu.wait_indirect_dma semaphore(%arg10 : memref<!tpu.dma_semaphore, #tpu.memory_space<semaphore_mem>>) src(%dma_wait3A_228 : memref<10240x128xf32, #tpu.memory_space<hbm>>) dst(%arg8 : memref<128x128xf32, #tpu.memory_space<vmem>>)
      %dma_start3A_229 = arith.constant 7 : i32
      %dma_start3A_230 = arith.constant 0 : i32
      %dma_start3A_231 = tpu.memref_slice %arg6[%dma_start3A_229, %dma_start3A_230] : memref<8x128xi32, #tpu.memory_space<vmem>> -> memref<1x128xi32, #tpu.memory_space<vmem>>
      %dma_start3A_232 = tpu.memref_squeeze %dma_start3A_231 : memref<1x128xi32, #tpu.memory_space<vmem>> -> memref<128xi32, #tpu.memory_space<vmem>>
      %dma_start3A_233 = arith.constant 0 : i32
      %dma_start3A_234 = arith.constant 0 : i32
      %dma_start3A_235 = tpu.memref_slice %arg9[%dma_start3A_233, %dma_start3A_234] : memref<10240x128xf32, #tpu.memory_space<vmem_shared>> -> memref<10240x128xf32, #tpu.memory_space<vmem_shared>>
      tpu.enqueue_indirect_dma source(%arg8 : memref<128x128xf32, #tpu.memory_space<vmem>>) target(%dma_start3A_235 : memref<10240x128xf32, #tpu.memory_space<vmem_shared>>) offsets(%dma_start3A_232 : memref<128xi32, #tpu.memory_space<vmem>>) semaphore(%arg11 : memref<!tpu.dma_semaphore, #tpu.memory_space<semaphore_mem>>) {add = true}
      %dma_wait3A_236 = arith.constant 6 : i32
      %dma_wait3A_237 = arith.constant 0 : i32
      %dma_wait3A_238 = tpu.memref_slice %arg6[%dma_wait3A_236, %dma_wait3A_237] : memref<8x128xi32, #tpu.memory_space<vmem>> -> memref<1x128xi32, #tpu.memory_space<vmem>>
      %dma_wait3A_239 = tpu.memref_squeeze %dma_wait3A_238 : memref<1x128xi32, #tpu.memory_space<vmem>> -> memref<128xi32, #tpu.memory_space<vmem>>
      %dma_wait3A_240 = arith.constant 0 : i32
      %dma_wait3A_241 = arith.constant 0 : i32
      %dma_wait3A_242 = tpu.memref_slice %arg9[%dma_wait3A_240, %dma_wait3A_241] : memref<10240x128xf32, #tpu.memory_space<vmem_shared>> -> memref<10240x128xf32, #tpu.memory_space<vmem_shared>>
      tpu.wait_indirect_dma semaphore(%arg11 : memref<!tpu.dma_semaphore, #tpu.memory_space<semaphore_mem>>) src(%arg7 : memref<128x128xf32, #tpu.memory_space<vmem>>) dst(%dma_wait3A_242 : memref<10240x128xf32, #tpu.memory_space<vmem_shared>>)
      %dma_wait3A_243 = arith.constant 7 : i32
      %dma_wait3A_244 = arith.constant 0 : i32
      %dma_wait3A_245 = tpu.memref_slice %arg6[%dma_wait3A_243, %dma_wait3A_244] : memref<8x128xi32, #tpu.memory_space<vmem>> -> memref<1x128xi32, #tpu.memory_space<vmem>>
      %dma_wait3A_246 = tpu.memref_squeeze %dma_wait3A_245 : memref<1x128xi32, #tpu.memory_space<vmem>> -> memref<128xi32, #tpu.memory_space<vmem>>
      %dma_wait3A_247 = arith.constant 0 : i32
      %dma_wait3A_248 = arith.constant 0 : i32
      %dma_wait3A_249 = tpu.memref_slice %arg9[%dma_wait3A_247, %dma_wait3A_248] : memref<10240x128xf32, #tpu.memory_space<vmem_shared>> -> memref<10240x128xf32, #tpu.memory_space<vmem_shared>>
      tpu.wait_indirect_dma semaphore(%arg11 : memref<!tpu.dma_semaphore, #tpu.memory_space<semaphore_mem>>) src(%arg8 : memref<128x128xf32, #tpu.memory_space<vmem>>) dst(%dma_wait3A_249 : memref<10240x128xf32, #tpu.memory_space<vmem_shared>>)
    }
    %scan3A_21 = arith.constant 10 : i32
    %barrier3A_22 = arith.constant 0 : index
    tpu.barrier barrier_id(%barrier3A_22)
    "tpu.region"() ({
      %run_scoped3A = tpu.sem_alloc : memref<!tpu.dma_semaphore, #tpu.memory_space<semaphore_mem>>
      %dma_start3A = arith.constant 0 : i32
      %dma_start3A_23 = tpu.memref_slice %arg4[%arg0, %mul3A_4, %dma_start3A] : memref<2x10240x128xf32, #tpu.memory_space<hbm>> -> memref<1x640x128xf32, #tpu.memory_space<hbm>>
      %dma_start3A_24 = tpu.memref_squeeze %dma_start3A_23 : memref<1x640x128xf32, #tpu.memory_space<hbm>> -> memref<640x128xf32, #tpu.memory_space<hbm>>
      %dma_start3A_25 = arith.constant 0 : i32
      %dma_start3A_26 = tpu.memref_slice %arg9[%mul3A_4, %dma_start3A_25] : memref<10240x128xf32, #tpu.memory_space<vmem_shared>> -> memref<640x128xf32, #tpu.memory_space<vmem_shared>>
      tpu.enqueue_dma source(%dma_start3A_26 : memref<640x128xf32, #tpu.memory_space<vmem_shared>>) target(%dma_start3A_24 : memref<640x128xf32, #tpu.memory_space<hbm>>) target_semaphore(%run_scoped3A : memref<!tpu.dma_semaphore, #tpu.memory_space<semaphore_mem>>)
      %dma_wait3A = arith.constant 0 : i32
      %dma_wait3A_27 = tpu.memref_slice %arg4[%arg0, %mul3A_4, %dma_wait3A] : memref<2x10240x128xf32, #tpu.memory_space<hbm>> -> memref<1x640x128xf32, #tpu.memory_space<hbm>>
      %dma_wait3A_28 = tpu.memref_squeeze %dma_wait3A_27 : memref<1x640x128xf32, #tpu.memory_space<hbm>> -> memref<640x128xf32, #tpu.memory_space<hbm>>
      %dma_wait3A_29 = arith.constant 0 : i32
      %dma_wait3A_30 = tpu.memref_slice %arg9[%mul3A_4, %dma_wait3A_29] : memref<10240x128xf32, #tpu.memory_space<vmem_shared>> -> memref<640x128xf32, #tpu.memory_space<vmem_shared>>
      tpu.wait_dma2 semaphore(%run_scoped3A : memref<!tpu.dma_semaphore, #tpu.memory_space<semaphore_mem>>) src(%dma_wait3A_30 : memref<640x128xf32, #tpu.memory_space<vmem_shared>>) dst(%dma_wait3A_28 : memref<640x128xf32, #tpu.memory_space<hbm>>)
      tpu.yield
    }) : () -> ()
    return
  }
}

#map = affine_map<(d0, d1) -> (0, 0, 0)>
module attributes {stable_mosaic.version = 14 : i64} {
  func.func @_deg_kernel(%arg0: i32, %arg1: i32, %arg2: memref<2x2560x128xi32, #tpu.memory_space<hbm>>, %arg3: memref<2x10240x128xf32, #tpu.memory_space<hbm>>, %arg4: memref<80x128xi32, #tpu.memory_space<vmem>>, %arg5: memref<128x128xf32, #tpu.memory_space<vmem>>, %arg6: memref<128x128xf32, #tpu.memory_space<vmem>>, %arg7: memref<10240x128xf32, #tpu.memory_space<vmem_shared>>, %arg8: memref<!tpu.dma_semaphore, #tpu.memory_space<semaphore_mem>>) attributes {dimension_semantics = [#tpu.dimension_semantics<core_parallel>, #tpu.dimension_semantics<subcore_parallel>], iteration_bounds = array<i64: 2, 16>, scalar_prefetch = 0 : i64, scratch_operands = 5 : i64, tpu.core_type = #tpu.core_type<sc_vector_subcore>, window_params = [{transform_indices = #map}, {transform_indices = #map}]} {
    %mul3A = arith.constant 16 : i32
    %mul3A_0 = arith.muli %arg0, %mul3A : i32
    %add3A = arith.addi %mul3A_0, %arg1 : i32
    %mul3A_1 = arith.constant 80 : i32
    %mul3A_2 = arith.muli %add3A, %mul3A_1 : i32
    %mul3A_3 = arith.constant 640 : i32
    %mul3A_4 = arith.muli %arg1, %mul3A_3 : i32
    %scan3A = arith.constant 0 : i32
    %scan3A_5 = arith.constant 0 : i32
    %scan3A_6 = arith.constant 128 : i32
    %scan3A_7 = arith.addi %scan3A_5, %scan3A_6 : i32
    %scan3A_8 = arith.constant 1 : i32
    scf.for %scan3A_23 = %scan3A_5 to %scan3A_7 step %scan3A_8  : i32 {
      %broadcast_in_dim3A = arith.constant 1.000000e+00 : f32
      %broadcast_in_dim3A_24 = vector.broadcast %broadcast_in_dim3A : f32 to vector<16xf32>
      %swap3A = arith.index_cast %scan3A_23 : i32 to index
      %swap3A_25 = arith.constant 0 : index
      %swap3A_26 = tpu.vector_load %arg5[%swap3A, %swap3A_25] {strides = array<i32>} : memref<128x128xf32, #tpu.memory_space<vmem>>, vector<1x16xf32>,
      %swap3A_27 = vector.shape_cast %swap3A_26 : vector<1x16xf32> to vector<16xf32>
      %swap3A_28 = vector.shape_cast %broadcast_in_dim3A_24 : vector<16xf32> to vector<1x16xf32>
      tpu.vector_store %arg5[%swap3A, %swap3A_25], %swap3A_28 {strides = array<i32>} : memref<128x128xf32, #tpu.memory_space<vmem>>, vector<1x16xf32>,
      %broadcast_in_dim3A_29 = arith.constant 0.000000e+00 : f32
      %broadcast_in_dim3A_30 = vector.broadcast %broadcast_in_dim3A_29 : f32 to vector<16xf32>
      %swap3A_31 = arith.index_cast %scan3A_23 : i32 to index
      %swap3A_32 = arith.constant 0 : index
      %swap3A_33 = tpu.vector_load %arg6[%swap3A_31, %swap3A_32] {strides = array<i32>} : memref<128x128xf32, #tpu.memory_space<vmem>>, vector<1x16xf32>,
      %swap3A_34 = vector.shape_cast %swap3A_33 : vector<1x16xf32> to vector<16xf32>
      %swap3A_35 = vector.shape_cast %broadcast_in_dim3A_30 : vector<16xf32> to vector<1x16xf32>
      tpu.vector_store %arg6[%swap3A_31, %swap3A_32], %swap3A_35 {strides = array<i32>} : memref<128x128xf32, #tpu.memory_space<vmem>>, vector<1x16xf32>,
      %broadcast_in_dim3A_36 = arith.constant 1.000000e+00 : f32
      %broadcast_in_dim3A_37 = vector.broadcast %broadcast_in_dim3A_36 : f32 to vector<16xf32>
      %swap3A_38 = arith.index_cast %scan3A_23 : i32 to index
      %swap3A_39 = arith.constant 16 : index
      %swap3A_40 = tpu.vector_load %arg5[%swap3A_38, %swap3A_39] {strides = array<i32>} : memref<128x128xf32, #tpu.memory_space<vmem>>, vector<1x16xf32>,
      %swap3A_41 = vector.shape_cast %swap3A_40 : vector<1x16xf32> to vector<16xf32>
      %swap3A_42 = vector.shape_cast %broadcast_in_dim3A_37 : vector<16xf32> to vector<1x16xf32>
      tpu.vector_store %arg5[%swap3A_38, %swap3A_39], %swap3A_42 {strides = array<i32>} : memref<128x128xf32, #tpu.memory_space<vmem>>, vector<1x16xf32>,
      %broadcast_in_dim3A_43 = arith.constant 0.000000e+00 : f32
      %broadcast_in_dim3A_44 = vector.broadcast %broadcast_in_dim3A_43 : f32 to vector<16xf32>
      %swap3A_45 = arith.index_cast %scan3A_23 : i32 to index
      %swap3A_46 = arith.constant 16 : index
      %swap3A_47 = tpu.vector_load %arg6[%swap3A_45, %swap3A_46] {strides = array<i32>} : memref<128x128xf32, #tpu.memory_space<vmem>>, vector<1x16xf32>,
      %swap3A_48 = vector.shape_cast %swap3A_47 : vector<1x16xf32> to vector<16xf32>
      %swap3A_49 = vector.shape_cast %broadcast_in_dim3A_44 : vector<16xf32> to vector<1x16xf32>
      tpu.vector_store %arg6[%swap3A_45, %swap3A_46], %swap3A_49 {strides = array<i32>} : memref<128x128xf32, #tpu.memory_space<vmem>>, vector<1x16xf32>,
      %broadcast_in_dim3A_50 = arith.constant 1.000000e+00 : f32
      %broadcast_in_dim3A_51 = vector.broadcast %broadcast_in_dim3A_50 : f32 to vector<16xf32>
      %swap3A_52 = arith.index_cast %scan3A_23 : i32 to index
      %swap3A_53 = arith.constant 32 : index
      %swap3A_54 = tpu.vector_load %arg5[%swap3A_52, %swap3A_53] {strides = array<i32>} : memref<128x128xf32, #tpu.memory_space<vmem>>, vector<1x16xf32>,
      %swap3A_55 = vector.shape_cast %swap3A_54 : vector<1x16xf32> to vector<16xf32>
      %swap3A_56 = vector.shape_cast %broadcast_in_dim3A_51 : vector<16xf32> to vector<1x16xf32>
      tpu.vector_store %arg5[%swap3A_52, %swap3A_53], %swap3A_56 {strides = array<i32>} : memref<128x128xf32, #tpu.memory_space<vmem>>, vector<1x16xf32>,
      %broadcast_in_dim3A_57 = arith.constant 0.000000e+00 : f32
      %broadcast_in_dim3A_58 = vector.broadcast %broadcast_in_dim3A_57 : f32 to vector<16xf32>
      %swap3A_59 = arith.index_cast %scan3A_23 : i32 to index
      %swap3A_60 = arith.constant 32 : index
      %swap3A_61 = tpu.vector_load %arg6[%swap3A_59, %swap3A_60] {strides = array<i32>} : memref<128x128xf32, #tpu.memory_space<vmem>>, vector<1x16xf32>,
      %swap3A_62 = vector.shape_cast %swap3A_61 : vector<1x16xf32> to vector<16xf32>
      %swap3A_63 = vector.shape_cast %broadcast_in_dim3A_58 : vector<16xf32> to vector<1x16xf32>
      tpu.vector_store %arg6[%swap3A_59, %swap3A_60], %swap3A_63 {strides = array<i32>} : memref<128x128xf32, #tpu.memory_space<vmem>>, vector<1x16xf32>,
      %broadcast_in_dim3A_64 = arith.constant 1.000000e+00 : f32
      %broadcast_in_dim3A_65 = vector.broadcast %broadcast_in_dim3A_64 : f32 to vector<16xf32>
      %swap3A_66 = arith.index_cast %scan3A_23 : i32 to index
      %swap3A_67 = arith.constant 48 : index
      %swap3A_68 = tpu.vector_load %arg5[%swap3A_66, %swap3A_67] {strides = array<i32>} : memref<128x128xf32, #tpu.memory_space<vmem>>, vector<1x16xf32>,
      %swap3A_69 = vector.shape_cast %swap3A_68 : vector<1x16xf32> to vector<16xf32>
      %swap3A_70 = vector.shape_cast %broadcast_in_dim3A_65 : vector<16xf32> to vector<1x16xf32>
      tpu.vector_store %arg5[%swap3A_66, %swap3A_67], %swap3A_70 {strides = array<i32>} : memref<128x128xf32, #tpu.memory_space<vmem>>, vector<1x16xf32>,
      %broadcast_in_dim3A_71 = arith.constant 0.000000e+00 : f32
      %broadcast_in_dim3A_72 = vector.broadcast %broadcast_in_dim3A_71 : f32 to vector<16xf32>
      %swap3A_73 = arith.index_cast %scan3A_23 : i32 to index
      %swap3A_74 = arith.constant 48 : index
      %swap3A_75 = tpu.vector_load %arg6[%swap3A_73, %swap3A_74] {strides = array<i32>} : memref<128x128xf32, #tpu.memory_space<vmem>>, vector<1x16xf32>,
      %swap3A_76 = vector.shape_cast %swap3A_75 : vector<1x16xf32> to vector<16xf32>
      %swap3A_77 = vector.shape_cast %broadcast_in_dim3A_72 : vector<16xf32> to vector<1x16xf32>
      tpu.vector_store %arg6[%swap3A_73, %swap3A_74], %swap3A_77 {strides = array<i32>} : memref<128x128xf32, #tpu.memory_space<vmem>>, vector<1x16xf32>,
      %broadcast_in_dim3A_78 = arith.constant 1.000000e+00 : f32
      %broadcast_in_dim3A_79 = vector.broadcast %broadcast_in_dim3A_78 : f32 to vector<16xf32>
      %swap3A_80 = arith.index_cast %scan3A_23 : i32 to index
      %swap3A_81 = arith.constant 64 : index
      %swap3A_82 = tpu.vector_load %arg5[%swap3A_80, %swap3A_81] {strides = array<i32>} : memref<128x128xf32, #tpu.memory_space<vmem>>, vector<1x16xf32>,
      %swap3A_83 = vector.shape_cast %swap3A_82 : vector<1x16xf32> to vector<16xf32>
      %swap3A_84 = vector.shape_cast %broadcast_in_dim3A_79 : vector<16xf32> to vector<1x16xf32>
      tpu.vector_store %arg5[%swap3A_80, %swap3A_81], %swap3A_84 {strides = array<i32>} : memref<128x128xf32, #tpu.memory_space<vmem>>, vector<1x16xf32>,
      %broadcast_in_dim3A_85 = arith.constant 0.000000e+00 : f32
      %broadcast_in_dim3A_86 = vector.broadcast %broadcast_in_dim3A_85 : f32 to vector<16xf32>
      %swap3A_87 = arith.index_cast %scan3A_23 : i32 to index
      %swap3A_88 = arith.constant 64 : index
      %swap3A_89 = tpu.vector_load %arg6[%swap3A_87, %swap3A_88] {strides = array<i32>} : memref<128x128xf32, #tpu.memory_space<vmem>>, vector<1x16xf32>,
      %swap3A_90 = vector.shape_cast %swap3A_89 : vector<1x16xf32> to vector<16xf32>
      %swap3A_91 = vector.shape_cast %broadcast_in_dim3A_86 : vector<16xf32> to vector<1x16xf32>
      tpu.vector_store %arg6[%swap3A_87, %swap3A_88], %swap3A_91 {strides = array<i32>} : memref<128x128xf32, #tpu.memory_space<vmem>>, vector<1x16xf32>,
      %broadcast_in_dim3A_92 = arith.constant 1.000000e+00 : f32
      %broadcast_in_dim3A_93 = vector.broadcast %broadcast_in_dim3A_92 : f32 to vector<16xf32>
      %swap3A_94 = arith.index_cast %scan3A_23 : i32 to index
      %swap3A_95 = arith.constant 80 : index
      %swap3A_96 = tpu.vector_load %arg5[%swap3A_94, %swap3A_95] {strides = array<i32>} : memref<128x128xf32, #tpu.memory_space<vmem>>, vector<1x16xf32>,
      %swap3A_97 = vector.shape_cast %swap3A_96 : vector<1x16xf32> to vector<16xf32>
      %swap3A_98 = vector.shape_cast %broadcast_in_dim3A_93 : vector<16xf32> to vector<1x16xf32>
      tpu.vector_store %arg5[%swap3A_94, %swap3A_95], %swap3A_98 {strides = array<i32>} : memref<128x128xf32, #tpu.memory_space<vmem>>, vector<1x16xf32>,
      %broadcast_in_dim3A_99 = arith.constant 0.000000e+00 : f32
      %broadcast_in_dim3A_100 = vector.broadcast %broadcast_in_dim3A_99 : f32 to vector<16xf32>
      %swap3A_101 = arith.index_cast %scan3A_23 : i32 to index
      %swap3A_102 = arith.constant 80 : index
      %swap3A_103 = tpu.vector_load %arg6[%swap3A_101, %swap3A_102] {strides = array<i32>} : memref<128x128xf32, #tpu.memory_space<vmem>>, vector<1x16xf32>,
      %swap3A_104 = vector.shape_cast %swap3A_103 : vector<1x16xf32> to vector<16xf32>
      %swap3A_105 = vector.shape_cast %broadcast_in_dim3A_100 : vector<16xf32> to vector<1x16xf32>
      tpu.vector_store %arg6[%swap3A_101, %swap3A_102], %swap3A_105 {strides = array<i32>} : memref<128x128xf32, #tpu.memory_space<vmem>>, vector<1x16xf32>,
      %broadcast_in_dim3A_106 = arith.constant 1.000000e+00 : f32
      %broadcast_in_dim3A_107 = vector.broadcast %broadcast_in_dim3A_106 : f32 to vector<16xf32>
      %swap3A_108 = arith.index_cast %scan3A_23 : i32 to index
      %swap3A_109 = arith.constant 96 : index
      %swap3A_110 = tpu.vector_load %arg5[%swap3A_108, %swap3A_109] {strides = array<i32>} : memref<128x128xf32, #tpu.memory_space<vmem>>, vector<1x16xf32>,
      %swap3A_111 = vector.shape_cast %swap3A_110 : vector<1x16xf32> to vector<16xf32>
      %swap3A_112 = vector.shape_cast %broadcast_in_dim3A_107 : vector<16xf32> to vector<1x16xf32>
      tpu.vector_store %arg5[%swap3A_108, %swap3A_109], %swap3A_112 {strides = array<i32>} : memref<128x128xf32, #tpu.memory_space<vmem>>, vector<1x16xf32>,
      %broadcast_in_dim3A_113 = arith.constant 0.000000e+00 : f32
      %broadcast_in_dim3A_114 = vector.broadcast %broadcast_in_dim3A_113 : f32 to vector<16xf32>
      %swap3A_115 = arith.index_cast %scan3A_23 : i32 to index
      %swap3A_116 = arith.constant 96 : index
      %swap3A_117 = tpu.vector_load %arg6[%swap3A_115, %swap3A_116] {strides = array<i32>} : memref<128x128xf32, #tpu.memory_space<vmem>>, vector<1x16xf32>,
      %swap3A_118 = vector.shape_cast %swap3A_117 : vector<1x16xf32> to vector<16xf32>
      %swap3A_119 = vector.shape_cast %broadcast_in_dim3A_114 : vector<16xf32> to vector<1x16xf32>
      tpu.vector_store %arg6[%swap3A_115, %swap3A_116], %swap3A_119 {strides = array<i32>} : memref<128x128xf32, #tpu.memory_space<vmem>>, vector<1x16xf32>,
      %broadcast_in_dim3A_120 = arith.constant 1.000000e+00 : f32
      %broadcast_in_dim3A_121 = vector.broadcast %broadcast_in_dim3A_120 : f32 to vector<16xf32>
      %swap3A_122 = arith.index_cast %scan3A_23 : i32 to index
      %swap3A_123 = arith.constant 112 : index
      %swap3A_124 = tpu.vector_load %arg5[%swap3A_122, %swap3A_123] {strides = array<i32>} : memref<128x128xf32, #tpu.memory_space<vmem>>, vector<1x16xf32>,
      %swap3A_125 = vector.shape_cast %swap3A_124 : vector<1x16xf32> to vector<16xf32>
      %swap3A_126 = vector.shape_cast %broadcast_in_dim3A_121 : vector<16xf32> to vector<1x16xf32>
      tpu.vector_store %arg5[%swap3A_122, %swap3A_123], %swap3A_126 {strides = array<i32>} : memref<128x128xf32, #tpu.memory_space<vmem>>, vector<1x16xf32>,
      %broadcast_in_dim3A_127 = arith.constant 0.000000e+00 : f32
      %broadcast_in_dim3A_128 = vector.broadcast %broadcast_in_dim3A_127 : f32 to vector<16xf32>
      %swap3A_129 = arith.index_cast %scan3A_23 : i32 to index
      %swap3A_130 = arith.constant 112 : index
      %swap3A_131 = tpu.vector_load %arg6[%swap3A_129, %swap3A_130] {strides = array<i32>} : memref<128x128xf32, #tpu.memory_space<vmem>>, vector<1x16xf32>,
      %swap3A_132 = vector.shape_cast %swap3A_131 : vector<1x16xf32> to vector<16xf32>
      %swap3A_133 = vector.shape_cast %broadcast_in_dim3A_128 : vector<16xf32> to vector<1x16xf32>
      tpu.vector_store %arg6[%swap3A_129, %swap3A_130], %swap3A_133 {strides = array<i32>} : memref<128x128xf32, #tpu.memory_space<vmem>>, vector<1x16xf32>,
    }
    %scan3A_9 = arith.constant 128 : i32
    %scan3A_10 = arith.constant 0 : i32
    %scan3A_11 = arith.constant 0 : i32
    %scan3A_12 = arith.constant 5 : i32
    %scan3A_13 = arith.addi %scan3A_11, %scan3A_12 : i32
    %scan3A_14 = arith.constant 1 : i32
    scf.for %scan3A_23 = %scan3A_11 to %scan3A_13 step %scan3A_14  : i32 {
      %mul3A_24 = arith.constant 128 : i32
      %mul3A_25 = arith.muli %scan3A_23, %mul3A_24 : i32
      %add3A_26 = arith.addi %mul3A_4, %mul3A_25 : i32
      "tpu.region"() ({
        %run_scoped3A_27 = tpu.sem_alloc : memref<!tpu.dma_semaphore, #tpu.memory_space<semaphore_mem>>
        %dma_start3A = arith.constant 0 : i32
        %dma_start3A_28 = tpu.memref_slice %arg7[%add3A_26, %dma_start3A] : memref<10240x128xf32, #tpu.memory_space<vmem_shared>> -> memref<128x128xf32, #tpu.memory_space<vmem_shared>>
        %dma_start3A_29 = arith.constant 0 : i32
        %dma_start3A_30 = tpu.memref_slice %arg7[%add3A_26, %dma_start3A_29] : memref<10240x128xf32, #tpu.memory_space<vmem_shared>> -> memref<128x128xf32, #tpu.memory_space<vmem_shared>>
        tpu.enqueue_dma source(%arg6 : memref<128x128xf32, #tpu.memory_space<vmem>>) target(%dma_start3A_30 : memref<128x128xf32, #tpu.memory_space<vmem_shared>>) target_semaphore(%run_scoped3A_27 : memref<!tpu.dma_semaphore, #tpu.memory_space<semaphore_mem>>)
        %dma_wait3A = arith.constant 0 : i32
        %dma_wait3A_31 = tpu.memref_slice %arg7[%add3A_26, %dma_wait3A] : memref<10240x128xf32, #tpu.memory_space<vmem_shared>> -> memref<128x128xf32, #tpu.memory_space<vmem_shared>>
        %dma_wait3A_32 = arith.constant 0 : i32
        %dma_wait3A_33 = tpu.memref_slice %arg7[%add3A_26, %dma_wait3A_32] : memref<10240x128xf32, #tpu.memory_space<vmem_shared>> -> memref<128x128xf32, #tpu.memory_space<vmem_shared>>
        tpu.wait_dma2 semaphore(%run_scoped3A_27 : memref<!tpu.dma_semaphore, #tpu.memory_space<semaphore_mem>>) src(%arg6 : memref<128x128xf32, #tpu.memory_space<vmem>>) dst(%dma_wait3A_33 : memref<128x128xf32, #tpu.memory_space<vmem_shared>>)
        tpu.yield
      }) : () -> ()
    }
    %scan3A_15 = arith.constant 5 : i32
    %barrier3A = arith.constant 0 : index
    tpu.barrier barrier_id(%barrier3A)
    %run_scoped3A = arith.constant 1 : i32
    "tpu.region"() ({
      %run_scoped3A_23 = tpu.sem_alloc : memref<!tpu.dma_semaphore, #tpu.memory_space<semaphore_mem>>
      %dma_start3A = arith.constant 0 : i32
      %dma_start3A_24 = tpu.memref_slice %arg2[%run_scoped3A, %mul3A_2, %dma_start3A] : memref<2x2560x128xi32, #tpu.memory_space<hbm>> -> memref<1x80x128xi32, #tpu.memory_space<hbm>>
      %dma_start3A_25 = tpu.memref_squeeze %dma_start3A_24 : memref<1x80x128xi32, #tpu.memory_space<hbm>> -> memref<80x128xi32, #tpu.memory_space<hbm>>
      %dma_start3A_26 = arith.constant 0 : i32
      %dma_start3A_27 = tpu.memref_slice %arg2[%run_scoped3A, %mul3A_2, %dma_start3A_26] : memref<2x2560x128xi32, #tpu.memory_space<hbm>> -> memref<1x80x128xi32, #tpu.memory_space<hbm>>
      %dma_start3A_28 = tpu.memref_squeeze %dma_start3A_27 : memref<1x80x128xi32, #tpu.memory_space<hbm>> -> memref<80x128xi32, #tpu.memory_space<hbm>>
      tpu.enqueue_dma source(%dma_start3A_28 : memref<80x128xi32, #tpu.memory_space<hbm>>) target(%arg4 : memref<80x128xi32, #tpu.memory_space<vmem>>) target_semaphore(%run_scoped3A_23 : memref<!tpu.dma_semaphore, #tpu.memory_space<semaphore_mem>>)
      %dma_wait3A = arith.constant 0 : i32
      %dma_wait3A_29 = tpu.memref_slice %arg2[%run_scoped3A, %mul3A_2, %dma_wait3A] : memref<2x2560x128xi32, #tpu.memory_space<hbm>> -> memref<1x80x128xi32, #tpu.memory_space<hbm>>
      %dma_wait3A_30 = tpu.memref_squeeze %dma_wait3A_29 : memref<1x80x128xi32, #tpu.memory_space<hbm>> -> memref<80x128xi32, #tpu.memory_space<hbm>>
      %dma_wait3A_31 = arith.constant 0 : i32
      %dma_wait3A_32 = tpu.memref_slice %arg2[%run_scoped3A, %mul3A_2, %dma_wait3A_31] : memref<2x2560x128xi32, #tpu.memory_space<hbm>> -> memref<1x80x128xi32, #tpu.memory_space<hbm>>
      %dma_wait3A_33 = tpu.memref_squeeze %dma_wait3A_32 : memref<1x80x128xi32, #tpu.memory_space<hbm>> -> memref<80x128xi32, #tpu.memory_space<hbm>>
      tpu.wait_dma2 semaphore(%run_scoped3A_23 : memref<!tpu.dma_semaphore, #tpu.memory_space<semaphore_mem>>) src(%dma_wait3A_33 : memref<80x128xi32, #tpu.memory_space<hbm>>) dst(%arg4 : memref<80x128xi32, #tpu.memory_space<vmem>>)
      tpu.yield
    }) : () -> ()
    %scan3A_16 = arith.constant 0 : i32
    %scan3A_17 = arith.constant 0 : i32
    %scan3A_18 = arith.constant 80 : i32
    %scan3A_19 = arith.addi %scan3A_17, %scan3A_18 : i32
    %scan3A_20 = arith.constant 1 : i32
    scf.for %scan3A_23 = %scan3A_17 to %scan3A_19 step %scan3A_20  : i32 {
      "tpu.region"() ({
        %run_scoped3A_24 = tpu.sem_alloc : memref<!tpu.dma_semaphore, #tpu.memory_space<semaphore_mem>>
        %dma_start3A = arith.constant 0 : i32
        %dma_start3A_25 = tpu.memref_slice %arg4[%scan3A_23, %dma_start3A] : memref<80x128xi32, #tpu.memory_space<vmem>> -> memref<1x128xi32, #tpu.memory_space<vmem>>
        %dma_start3A_26 = tpu.memref_squeeze %dma_start3A_25 : memref<1x128xi32, #tpu.memory_space<vmem>> -> memref<128xi32, #tpu.memory_space<vmem>>
        %dma_start3A_27 = arith.constant 0 : i32
        %dma_start3A_28 = arith.constant 0 : i32
        %dma_start3A_29 = tpu.memref_slice %arg7[%dma_start3A_27, %dma_start3A_28] : memref<10240x128xf32, #tpu.memory_space<vmem_shared>> -> memref<10240x128xf32, #tpu.memory_space<vmem_shared>>
        tpu.enqueue_indirect_dma source(%arg5 : memref<128x128xf32, #tpu.memory_space<vmem>>) target(%dma_start3A_29 : memref<10240x128xf32, #tpu.memory_space<vmem_shared>>) offsets(%dma_start3A_26 : memref<128xi32, #tpu.memory_space<vmem>>) semaphore(%run_scoped3A_24 : memref<!tpu.dma_semaphore, #tpu.memory_space<semaphore_mem>>) {add = true}
        %dma_wait3A = arith.constant 0 : i32
        %dma_wait3A_30 = tpu.memref_slice %arg4[%scan3A_23, %dma_wait3A] : memref<80x128xi32, #tpu.memory_space<vmem>> -> memref<1x128xi32, #tpu.memory_space<vmem>>
        %dma_wait3A_31 = tpu.memref_squeeze %dma_wait3A_30 : memref<1x128xi32, #tpu.memory_space<vmem>> -> memref<128xi32, #tpu.memory_space<vmem>>
        %dma_wait3A_32 = arith.constant 0 : i32
        %dma_wait3A_33 = arith.constant 0 : i32
        %dma_wait3A_34 = tpu.memref_slice %arg7[%dma_wait3A_32, %dma_wait3A_33] : memref<10240x128xf32, #tpu.memory_space<vmem_shared>> -> memref<10240x128xf32, #tpu.memory_space<vmem_shared>>
        tpu.wait_indirect_dma semaphore(%run_scoped3A_24 : memref<!tpu.dma_semaphore, #tpu.memory_space<semaphore_mem>>) src(%arg5 : memref<128x128xf32, #tpu.memory_space<vmem>>) dst(%dma_wait3A_34 : memref<10240x128xf32, #tpu.memory_space<vmem_shared>>)
        tpu.yield
      }) : () -> ()
    }
    %scan3A_21 = arith.constant 80 : i32
    %barrier3A_22 = arith.constant 0 : index
    tpu.barrier barrier_id(%barrier3A_22)
    "tpu.region"() ({
      %run_scoped3A_23 = tpu.sem_alloc : memref<!tpu.dma_semaphore, #tpu.memory_space<semaphore_mem>>
      %dma_start3A = arith.constant 0 : i32
      %dma_start3A_24 = tpu.memref_slice %arg3[%arg0, %mul3A_4, %dma_start3A] : memref<2x10240x128xf32, #tpu.memory_space<hbm>> -> memref<1x640x128xf32, #tpu.memory_space<hbm>>
      %dma_start3A_25 = tpu.memref_squeeze %dma_start3A_24 : memref<1x640x128xf32, #tpu.memory_space<hbm>> -> memref<640x128xf32, #tpu.memory_space<hbm>>
      %dma_start3A_26 = arith.constant 0 : i32
      %dma_start3A_27 = tpu.memref_slice %arg7[%mul3A_4, %dma_start3A_26] : memref<10240x128xf32, #tpu.memory_space<vmem_shared>> -> memref<640x128xf32, #tpu.memory_space<vmem_shared>>
      tpu.enqueue_dma source(%dma_start3A_27 : memref<640x128xf32, #tpu.memory_space<vmem_shared>>) target(%dma_start3A_25 : memref<640x128xf32, #tpu.memory_space<hbm>>) target_semaphore(%run_scoped3A_23 : memref<!tpu.dma_semaphore, #tpu.memory_space<semaphore_mem>>)
      %dma_wait3A = arith.constant 0 : i32
      %dma_wait3A_28 = tpu.memref_slice %arg3[%arg0, %mul3A_4, %dma_wait3A] : memref<2x10240x128xf32, #tpu.memory_space<hbm>> -> memref<1x640x128xf32, #tpu.memory_space<hbm>>
      %dma_wait3A_29 = tpu.memref_squeeze %dma_wait3A_28 : memref<1x640x128xf32, #tpu.memory_space<hbm>> -> memref<640x128xf32, #tpu.memory_space<hbm>>
      %dma_wait3A_30 = arith.constant 0 : i32
      %dma_wait3A_31 = tpu.memref_slice %arg7[%mul3A_4, %dma_wait3A_30] : memref<10240x128xf32, #tpu.memory_space<vmem_shared>> -> memref<640x128xf32, #tpu.memory_space<vmem_shared>>
      tpu.wait_dma2 semaphore(%run_scoped3A_23 : memref<!tpu.dma_semaphore, #tpu.memory_space<semaphore_mem>>) src(%dma_wait3A_31 : memref<640x128xf32, #tpu.memory_space<vmem_shared>>) dst(%dma_wait3A_29 : memref<640x128xf32, #tpu.memory_space<hbm>>)
      tpu.yield
    }) : () -> ()
    return
  }
}

#map = affine_map<(d0, d1) -> (0, 0)>
#map1 = affine_map<(d0, d1) -> (0, 0, 0)>
module attributes {stable_mosaic.version = 14 : i64} {
  func.func @_scat_kernel(%arg0: i32, %arg1: i32, %arg2: memref<10240x128xf32, #tpu.memory_space<hbm>>, %arg3: memref<2x2560x128xi32, #tpu.memory_space<hbm>>, %arg4: memref<2x10240x128xf32, #tpu.memory_space<hbm>>, %arg5: memref<8x128xi32, #tpu.memory_space<vmem>>, %arg6: memref<8x128xi32, #tpu.memory_space<vmem>>, %arg7: memref<128x128xf32, #tpu.memory_space<vmem>>, %arg8: memref<128x128xf32, #tpu.memory_space<vmem>>, %arg9: memref<10240x128xf32, #tpu.memory_space<vmem_shared>>, %arg10: memref<!tpu.dma_semaphore, #tpu.memory_space<semaphore_mem>>, %arg11: memref<!tpu.dma_semaphore, #tpu.memory_space<semaphore_mem>>) attributes {dimension_semantics = [#tpu.dimension_semantics<core_parallel>, #tpu.dimension_semantics<subcore_parallel>], iteration_bounds = array<i64: 2, 16>, scalar_prefetch = 0 : i64, scratch_operands = 7 : i64, tpu.core_type = #tpu.core_type<sc_vector_subcore>, window_params = [{transform_indices = #map}, {transform_indices = #map1}, {transform_indices = #map1}]} {
    %mul3A = arith.constant 16 : i32
    %mul3A_0 = arith.muli %arg0, %mul3A : i32
    %add3A = arith.addi %mul3A_0, %arg1 : i32
    %mul3A_1 = arith.constant 80 : i32
    %mul3A_2 = arith.muli %add3A, %mul3A_1 : i32
    %mul3A_3 = arith.constant 640 : i32
    %mul3A_4 = arith.muli %arg1, %mul3A_3 : i32
    %scan3A = arith.constant 0 : i32
    %scan3A_5 = arith.constant 0 : i32
    %scan3A_6 = arith.constant 128 : i32
    %scan3A_7 = arith.addi %scan3A_5, %scan3A_6 : i32
    %scan3A_8 = arith.constant 1 : i32
    scf.for %scan3A_23 = %scan3A_5 to %scan3A_7 step %scan3A_8  : i32 {
      %broadcast_in_dim3A = arith.constant 0.000000e+00 : f32
      %broadcast_in_dim3A_24 = vector.broadcast %broadcast_in_dim3A : f32 to vector<16xf32>
      %swap3A = arith.index_cast %scan3A_23 : i32 to index
      %swap3A_25 = arith.constant 0 : index
      %swap3A_26 = tpu.vector_load %arg7[%swap3A, %swap3A_25] {strides = array<i32>} : memref<128x128xf32, #tpu.memory_space<vmem>>, vector<1x16xf32>,
      %swap3A_27 = vector.shape_cast %swap3A_26 : vector<1x16xf32> to vector<16xf32>
      %swap3A_28 = vector.shape_cast %broadcast_in_dim3A_24 : vector<16xf32> to vector<1x16xf32>
      tpu.vector_store %arg7[%swap3A, %swap3A_25], %swap3A_28 {strides = array<i32>} : memref<128x128xf32, #tpu.memory_space<vmem>>, vector<1x16xf32>,
      %broadcast_in_dim3A_29 = arith.constant 0.000000e+00 : f32
      %broadcast_in_dim3A_30 = vector.broadcast %broadcast_in_dim3A_29 : f32 to vector<16xf32>
      %swap3A_31 = arith.index_cast %scan3A_23 : i32 to index
      %swap3A_32 = arith.constant 16 : index
      %swap3A_33 = tpu.vector_load %arg7[%swap3A_31, %swap3A_32] {strides = array<i32>} : memref<128x128xf32, #tpu.memory_space<vmem>>, vector<1x16xf32>,
      %swap3A_34 = vector.shape_cast %swap3A_33 : vector<1x16xf32> to vector<16xf32>
      %swap3A_35 = vector.shape_cast %broadcast_in_dim3A_30 : vector<16xf32> to vector<1x16xf32>
      tpu.vector_store %arg7[%swap3A_31, %swap3A_32], %swap3A_35 {strides = array<i32>} : memref<128x128xf32, #tpu.memory_space<vmem>>, vector<1x16xf32>,
      %broadcast_in_dim3A_36 = arith.constant 0.000000e+00 : f32
      %broadcast_in_dim3A_37 = vector.broadcast %broadcast_in_dim3A_36 : f32 to vector<16xf32>
      %swap3A_38 = arith.index_cast %scan3A_23 : i32 to index
      %swap3A_39 = arith.constant 32 : index
      %swap3A_40 = tpu.vector_load %arg7[%swap3A_38, %swap3A_39] {strides = array<i32>} : memref<128x128xf32, #tpu.memory_space<vmem>>, vector<1x16xf32>,
      %swap3A_41 = vector.shape_cast %swap3A_40 : vector<1x16xf32> to vector<16xf32>
      %swap3A_42 = vector.shape_cast %broadcast_in_dim3A_37 : vector<16xf32> to vector<1x16xf32>
      tpu.vector_store %arg7[%swap3A_38, %swap3A_39], %swap3A_42 {strides = array<i32>} : memref<128x128xf32, #tpu.memory_space<vmem>>, vector<1x16xf32>,
      %broadcast_in_dim3A_43 = arith.constant 0.000000e+00 : f32
      %broadcast_in_dim3A_44 = vector.broadcast %broadcast_in_dim3A_43 : f32 to vector<16xf32>
      %swap3A_45 = arith.index_cast %scan3A_23 : i32 to index
      %swap3A_46 = arith.constant 48 : index
      %swap3A_47 = tpu.vector_load %arg7[%swap3A_45, %swap3A_46] {strides = array<i32>} : memref<128x128xf32, #tpu.memory_space<vmem>>, vector<1x16xf32>,
      %swap3A_48 = vector.shape_cast %swap3A_47 : vector<1x16xf32> to vector<16xf32>
      %swap3A_49 = vector.shape_cast %broadcast_in_dim3A_44 : vector<16xf32> to vector<1x16xf32>
      tpu.vector_store %arg7[%swap3A_45, %swap3A_46], %swap3A_49 {strides = array<i32>} : memref<128x128xf32, #tpu.memory_space<vmem>>, vector<1x16xf32>,
      %broadcast_in_dim3A_50 = arith.constant 0.000000e+00 : f32
      %broadcast_in_dim3A_51 = vector.broadcast %broadcast_in_dim3A_50 : f32 to vector<16xf32>
      %swap3A_52 = arith.index_cast %scan3A_23 : i32 to index
      %swap3A_53 = arith.constant 64 : index
      %swap3A_54 = tpu.vector_load %arg7[%swap3A_52, %swap3A_53] {strides = array<i32>} : memref<128x128xf32, #tpu.memory_space<vmem>>, vector<1x16xf32>,
      %swap3A_55 = vector.shape_cast %swap3A_54 : vector<1x16xf32> to vector<16xf32>
      %swap3A_56 = vector.shape_cast %broadcast_in_dim3A_51 : vector<16xf32> to vector<1x16xf32>
      tpu.vector_store %arg7[%swap3A_52, %swap3A_53], %swap3A_56 {strides = array<i32>} : memref<128x128xf32, #tpu.memory_space<vmem>>, vector<1x16xf32>,
      %broadcast_in_dim3A_57 = arith.constant 0.000000e+00 : f32
      %broadcast_in_dim3A_58 = vector.broadcast %broadcast_in_dim3A_57 : f32 to vector<16xf32>
      %swap3A_59 = arith.index_cast %scan3A_23 : i32 to index
      %swap3A_60 = arith.constant 80 : index
      %swap3A_61 = tpu.vector_load %arg7[%swap3A_59, %swap3A_60] {strides = array<i32>} : memref<128x128xf32, #tpu.memory_space<vmem>>, vector<1x16xf32>,
      %swap3A_62 = vector.shape_cast %swap3A_61 : vector<1x16xf32> to vector<16xf32>
      %swap3A_63 = vector.shape_cast %broadcast_in_dim3A_58 : vector<16xf32> to vector<1x16xf32>
      tpu.vector_store %arg7[%swap3A_59, %swap3A_60], %swap3A_63 {strides = array<i32>} : memref<128x128xf32, #tpu.memory_space<vmem>>, vector<1x16xf32>,
      %broadcast_in_dim3A_64 = arith.constant 0.000000e+00 : f32
      %broadcast_in_dim3A_65 = vector.broadcast %broadcast_in_dim3A_64 : f32 to vector<16xf32>
      %swap3A_66 = arith.index_cast %scan3A_23 : i32 to index
      %swap3A_67 = arith.constant 96 : index
      %swap3A_68 = tpu.vector_load %arg7[%swap3A_66, %swap3A_67] {strides = array<i32>} : memref<128x128xf32, #tpu.memory_space<vmem>>, vector<1x16xf32>,
      %swap3A_69 = vector.shape_cast %swap3A_68 : vector<1x16xf32> to vector<16xf32>
      %swap3A_70 = vector.shape_cast %broadcast_in_dim3A_65 : vector<16xf32> to vector<1x16xf32>
      tpu.vector_store %arg7[%swap3A_66, %swap3A_67], %swap3A_70 {strides = array<i32>} : memref<128x128xf32, #tpu.memory_space<vmem>>, vector<1x16xf32>,
      %broadcast_in_dim3A_71 = arith.constant 0.000000e+00 : f32
      %broadcast_in_dim3A_72 = vector.broadcast %broadcast_in_dim3A_71 : f32 to vector<16xf32>
      %swap3A_73 = arith.index_cast %scan3A_23 : i32 to index
      %swap3A_74 = arith.constant 112 : index
      %swap3A_75 = tpu.vector_load %arg7[%swap3A_73, %swap3A_74] {strides = array<i32>} : memref<128x128xf32, #tpu.memory_space<vmem>>, vector<1x16xf32>,
      %swap3A_76 = vector.shape_cast %swap3A_75 : vector<1x16xf32> to vector<16xf32>
      %swap3A_77 = vector.shape_cast %broadcast_in_dim3A_72 : vector<16xf32> to vector<1x16xf32>
      tpu.vector_store %arg7[%swap3A_73, %swap3A_74], %swap3A_77 {strides = array<i32>} : memref<128x128xf32, #tpu.memory_space<vmem>>, vector<1x16xf32>,
    }
    %scan3A_9 = arith.constant 128 : i32
    %scan3A_10 = arith.constant 0 : i32
    %scan3A_11 = arith.constant 0 : i32
    %scan3A_12 = arith.constant 5 : i32
    %scan3A_13 = arith.addi %scan3A_11, %scan3A_12 : i32
    %scan3A_14 = arith.constant 1 : i32
    scf.for %scan3A_23 = %scan3A_11 to %scan3A_13 step %scan3A_14  : i32 {
      %mul3A_24 = arith.constant 128 : i32
      %mul3A_25 = arith.muli %scan3A_23, %mul3A_24 : i32
      %add3A_26 = arith.addi %mul3A_4, %mul3A_25 : i32
      "tpu.region"() ({
        %run_scoped3A = tpu.sem_alloc : memref<!tpu.dma_semaphore, #tpu.memory_space<semaphore_mem>>
        %dma_start3A = arith.constant 0 : i32
        %dma_start3A_27 = tpu.memref_slice %arg9[%add3A_26, %dma_start3A] : memref<10240x128xf32, #tpu.memory_space<vmem_shared>> -> memref<128x128xf32, #tpu.memory_space<vmem_shared>>
        %dma_start3A_28 = arith.constant 0 : i32
        %dma_start3A_29 = tpu.memref_slice %arg9[%add3A_26, %dma_start3A_28] : memref<10240x128xf32, #tpu.memory_space<vmem_shared>> -> memref<128x128xf32, #tpu.memory_space<vmem_shared>>
        tpu.enqueue_dma source(%arg7 : memref<128x128xf32, #tpu.memory_space<vmem>>) target(%dma_start3A_29 : memref<128x128xf32, #tpu.memory_space<vmem_shared>>) target_semaphore(%run_scoped3A : memref<!tpu.dma_semaphore, #tpu.memory_space<semaphore_mem>>)
        %dma_wait3A = arith.constant 0 : i32
        %dma_wait3A_30 = tpu.memref_slice %arg9[%add3A_26, %dma_wait3A] : memref<10240x128xf32, #tpu.memory_space<vmem_shared>> -> memref<128x128xf32, #tpu.memory_space<vmem_shared>>
        %dma_wait3A_31 = arith.constant 0 : i32
        %dma_wait3A_32 = tpu.memref_slice %arg9[%add3A_26, %dma_wait3A_31] : memref<10240x128xf32, #tpu.memory_space<vmem_shared>> -> memref<128x128xf32, #tpu.memory_space<vmem_shared>>
        tpu.wait_dma2 semaphore(%run_scoped3A : memref<!tpu.dma_semaphore, #tpu.memory_space<semaphore_mem>>) src(%arg7 : memref<128x128xf32, #tpu.memory_space<vmem>>) dst(%dma_wait3A_32 : memref<128x128xf32, #tpu.memory_space<vmem_shared>>)
        tpu.yield
      }) : () -> ()
    }
    %scan3A_15 = arith.constant 5 : i32
    %barrier3A = arith.constant 0 : index
    tpu.barrier barrier_id(%barrier3A)
    %scan3A_16 = arith.constant 0 : i32
    %scan3A_17 = arith.constant 0 : i32
    %scan3A_18 = arith.constant 10 : i32
    %scan3A_19 = arith.addi %scan3A_17, %scan3A_18 : i32
    %scan3A_20 = arith.constant 1 : i32
    scf.for %scan3A_23 = %scan3A_17 to %scan3A_19 step %scan3A_20  : i32 {
      %mul3A_24 = arith.constant 8 : i32
      %mul3A_25 = arith.muli %scan3A_23, %mul3A_24 : i32
      %add3A_26 = arith.addi %mul3A_2, %mul3A_25 : i32
      %run_scoped3A = arith.constant 0 : i32
      "tpu.region"() ({
        %run_scoped3A_250 = tpu.sem_alloc : memref<!tpu.dma_semaphore, #tpu.memory_space<semaphore_mem>>
        %dma_start3A_251 = arith.constant 0 : i32
        %dma_start3A_252 = tpu.memref_slice %arg3[%run_scoped3A, %add3A_26, %dma_start3A_251] : memref<2x2560x128xi32, #tpu.memory_space<hbm>> -> memref<1x8x128xi32, #tpu.memory_space<hbm>>
        %dma_start3A_253 = tpu.memref_squeeze %dma_start3A_252 : memref<1x8x128xi32, #tpu.memory_space<hbm>> -> memref<8x128xi32, #tpu.memory_space<hbm>>
        %dma_start3A_254 = arith.constant 0 : i32
        %dma_start3A_255 = tpu.memref_slice %arg3[%run_scoped3A, %add3A_26, %dma_start3A_254] : memref<2x2560x128xi32, #tpu.memory_space<hbm>> -> memref<1x8x128xi32, #tpu.memory_space<hbm>>
        %dma_start3A_256 = tpu.memref_squeeze %dma_start3A_255 : memref<1x8x128xi32, #tpu.memory_space<hbm>> -> memref<8x128xi32, #tpu.memory_space<hbm>>
        tpu.enqueue_dma source(%dma_start3A_256 : memref<8x128xi32, #tpu.memory_space<hbm>>) target(%arg5 : memref<8x128xi32, #tpu.memory_space<vmem>>) target_semaphore(%run_scoped3A_250 : memref<!tpu.dma_semaphore, #tpu.memory_space<semaphore_mem>>)
        %dma_wait3A_257 = arith.constant 0 : i32
        %dma_wait3A_258 = tpu.memref_slice %arg3[%run_scoped3A, %add3A_26, %dma_wait3A_257] : memref<2x2560x128xi32, #tpu.memory_space<hbm>> -> memref<1x8x128xi32, #tpu.memory_space<hbm>>
        %dma_wait3A_259 = tpu.memref_squeeze %dma_wait3A_258 : memref<1x8x128xi32, #tpu.memory_space<hbm>> -> memref<8x128xi32, #tpu.memory_space<hbm>>
        %dma_wait3A_260 = arith.constant 0 : i32
        %dma_wait3A_261 = tpu.memref_slice %arg3[%run_scoped3A, %add3A_26, %dma_wait3A_260] : memref<2x2560x128xi32, #tpu.memory_space<hbm>> -> memref<1x8x128xi32, #tpu.memory_space<hbm>>
        %dma_wait3A_262 = tpu.memref_squeeze %dma_wait3A_261 : memref<1x8x128xi32, #tpu.memory_space<hbm>> -> memref<8x128xi32, #tpu.memory_space<hbm>>
        tpu.wait_dma2 semaphore(%run_scoped3A_250 : memref<!tpu.dma_semaphore, #tpu.memory_space<semaphore_mem>>) src(%dma_wait3A_262 : memref<8x128xi32, #tpu.memory_space<hbm>>) dst(%arg5 : memref<8x128xi32, #tpu.memory_space<vmem>>)
        tpu.yield
      }) : () -> ()
      %run_scoped3A_27 = arith.constant 1 : i32
      "tpu.region"() ({
        %run_scoped3A_250 = tpu.sem_alloc : memref<!tpu.dma_semaphore, #tpu.memory_space<semaphore_mem>>
        %dma_start3A_251 = arith.constant 0 : i32
        %dma_start3A_252 = tpu.memref_slice %arg3[%run_scoped3A_27, %add3A_26, %dma_start3A_251] : memref<2x2560x128xi32, #tpu.memory_space<hbm>> -> memref<1x8x128xi32, #tpu.memory_space<hbm>>
        %dma_start3A_253 = tpu.memref_squeeze %dma_start3A_252 : memref<1x8x128xi32, #tpu.memory_space<hbm>> -> memref<8x128xi32, #tpu.memory_space<hbm>>
        %dma_start3A_254 = arith.constant 0 : i32
        %dma_start3A_255 = tpu.memref_slice %arg3[%run_scoped3A_27, %add3A_26, %dma_start3A_254] : memref<2x2560x128xi32, #tpu.memory_space<hbm>> -> memref<1x8x128xi32, #tpu.memory_space<hbm>>
        %dma_start3A_256 = tpu.memref_squeeze %dma_start3A_255 : memref<1x8x128xi32, #tpu.memory_space<hbm>> -> memref<8x128xi32, #tpu.memory_space<hbm>>
        tpu.enqueue_dma source(%dma_start3A_256 : memref<8x128xi32, #tpu.memory_space<hbm>>) target(%arg6 : memref<8x128xi32, #tpu.memory_space<vmem>>) target_semaphore(%run_scoped3A_250 : memref<!tpu.dma_semaphore, #tpu.memory_space<semaphore_mem>>)
        %dma_wait3A_257 = arith.constant 0 : i32
        %dma_wait3A_258 = tpu.memref_slice %arg3[%run_scoped3A_27, %add3A_26, %dma_wait3A_257] : memref<2x2560x128xi32, #tpu.memory_space<hbm>> -> memref<1x8x128xi32, #tpu.memory_space<hbm>>
        %dma_wait3A_259 = tpu.memref_squeeze %dma_wait3A_258 : memref<1x8x128xi32, #tpu.memory_space<hbm>> -> memref<8x128xi32, #tpu.memory_space<hbm>>
        %dma_wait3A_260 = arith.constant 0 : i32
        %dma_wait3A_261 = tpu.memref_slice %arg3[%run_scoped3A_27, %add3A_26, %dma_wait3A_260] : memref<2x2560x128xi32, #tpu.memory_space<hbm>> -> memref<1x8x128xi32, #tpu.memory_space<hbm>>
        %dma_wait3A_262 = tpu.memref_squeeze %dma_wait3A_261 : memref<1x8x128xi32, #tpu.memory_space<hbm>> -> memref<8x128xi32, #tpu.memory_space<hbm>>
        tpu.wait_dma2 semaphore(%run_scoped3A_250 : memref<!tpu.dma_semaphore, #tpu.memory_space<semaphore_mem>>) src(%dma_wait3A_262 : memref<8x128xi32, #tpu.memory_space<hbm>>) dst(%arg6 : memref<8x128xi32, #tpu.memory_space<vmem>>)
        tpu.yield
      }) : () -> ()
      %dma_start3A = arith.constant 0 : i32
      %dma_start3A_28 = arith.constant 0 : i32
      %dma_start3A_29 = tpu.memref_slice %arg5[%dma_start3A, %dma_start3A_28] : memref<8x128xi32, #tpu.memory_space<vmem>> -> memref<1x128xi32, #tpu.memory_space<vmem>>
      %dma_start3A_30 = tpu.memref_squeeze %dma_start3A_29 : memref<1x128xi32, #tpu.memory_space<vmem>> -> memref<128xi32, #tpu.memory_space<vmem>>
      %dma_start3A_31 = arith.constant 0 : i32
      %dma_start3A_32 = arith.constant 0 : i32
      %dma_start3A_33 = tpu.memref_slice %arg2[%dma_start3A_31, %dma_start3A_32] : memref<10240x128xf32, #tpu.memory_space<hbm>> -> memref<10240x128xf32, #tpu.memory_space<hbm>>
      tpu.enqueue_indirect_dma source(%dma_start3A_33 : memref<10240x128xf32, #tpu.memory_space<hbm>>) target(%arg7 : memref<128x128xf32, #tpu.memory_space<vmem>>) offsets(%dma_start3A_30 : memref<128xi32, #tpu.memory_space<vmem>>) semaphore(%arg10 : memref<!tpu.dma_semaphore, #tpu.memory_space<semaphore_mem>>)
      %dma_wait3A = arith.constant 0 : i32
      %dma_wait3A_34 = arith.constant 0 : i32
      %dma_wait3A_35 = tpu.memref_slice %arg5[%dma_wait3A, %dma_wait3A_34] : memref<8x128xi32, #tpu.memory_space<vmem>> -> memref<1x128xi32, #tpu.memory_space<vmem>>
      %dma_wait3A_36 = tpu.memref_squeeze %dma_wait3A_35 : memref<1x128xi32, #tpu.memory_space<vmem>> -> memref<128xi32, #tpu.memory_space<vmem>>
      %dma_wait3A_37 = arith.constant 0 : i32
      %dma_wait3A_38 = arith.constant 0 : i32
      %dma_wait3A_39 = tpu.memref_slice %arg2[%dma_wait3A_37, %dma_wait3A_38] : memref<10240x128xf32, #tpu.memory_space<hbm>> -> memref<10240x128xf32, #tpu.memory_space<hbm>>
      tpu.wait_indirect_dma semaphore(%arg10 : memref<!tpu.dma_semaphore, #tpu.memory_space<semaphore_mem>>) src(%dma_wait3A_39 : memref<10240x128xf32, #tpu.memory_space<hbm>>) dst(%arg7 : memref<128x128xf32, #tpu.memory_space<vmem>>)
      %dma_start3A_40 = arith.constant 0 : i32
      %dma_start3A_41 = arith.constant 0 : i32
      %dma_start3A_42 = tpu.memref_slice %arg6[%dma_start3A_40, %dma_start3A_41] : memref<8x128xi32, #tpu.memory_space<vmem>> -> memref<1x128xi32, #tpu.memory_space<vmem>>
      %dma_start3A_43 = tpu.memref_squeeze %dma_start3A_42 : memref<1x128xi32, #tpu.memory_space<vmem>> -> memref<128xi32, #tpu.memory_space<vmem>>
      %dma_start3A_44 = arith.constant 0 : i32
      %dma_start3A_45 = arith.constant 0 : i32
      %dma_start3A_46 = tpu.memref_slice %arg9[%dma_start3A_44, %dma_start3A_45] : memref<10240x128xf32, #tpu.memory_space<vmem_shared>> -> memref<10240x128xf32, #tpu.memory_space<vmem_shared>>
      tpu.enqueue_indirect_dma source(%arg7 : memref<128x128xf32, #tpu.memory_space<vmem>>) target(%dma_start3A_46 : memref<10240x128xf32, #tpu.memory_space<vmem_shared>>) offsets(%dma_start3A_43 : memref<128xi32, #tpu.memory_space<vmem>>) semaphore(%arg11 : memref<!tpu.dma_semaphore, #tpu.memory_space<semaphore_mem>>) {add = true}
      %dma_start3A_47 = arith.constant 1 : i32
      %dma_start3A_48 = arith.constant 0 : i32
      %dma_start3A_49 = tpu.memref_slice %arg5[%dma_start3A_47, %dma_start3A_48] : memref<8x128xi32, #tpu.memory_space<vmem>> -> memref<1x128xi32, #tpu.memory_space<vmem>>
      %dma_start3A_50 = tpu.memref_squeeze %dma_start3A_49 : memref<1x128xi32, #tpu.memory_space<vmem>> -> memref<128xi32, #tpu.memory_space<vmem>>
      %dma_start3A_51 = arith.constant 0 : i32
      %dma_start3A_52 = arith.constant 0 : i32
      %dma_start3A_53 = tpu.memref_slice %arg2[%dma_start3A_51, %dma_start3A_52] : memref<10240x128xf32, #tpu.memory_space<hbm>> -> memref<10240x128xf32, #tpu.memory_space<hbm>>
      tpu.enqueue_indirect_dma source(%dma_start3A_53 : memref<10240x128xf32, #tpu.memory_space<hbm>>) target(%arg8 : memref<128x128xf32, #tpu.memory_space<vmem>>) offsets(%dma_start3A_50 : memref<128xi32, #tpu.memory_space<vmem>>) semaphore(%arg10 : memref<!tpu.dma_semaphore, #tpu.memory_space<semaphore_mem>>)
      %dma_wait3A_54 = arith.constant 1 : i32
      %dma_wait3A_55 = arith.constant 0 : i32
      %dma_wait3A_56 = tpu.memref_slice %arg5[%dma_wait3A_54, %dma_wait3A_55] : memref<8x128xi32, #tpu.memory_space<vmem>> -> memref<1x128xi32, #tpu.memory_space<vmem>>
      %dma_wait3A_57 = tpu.memref_squeeze %dma_wait3A_56 : memref<1x128xi32, #tpu.memory_space<vmem>> -> memref<128xi32, #tpu.memory_space<vmem>>
      %dma_wait3A_58 = arith.constant 0 : i32
      %dma_wait3A_59 = arith.constant 0 : i32
      %dma_wait3A_60 = tpu.memref_slice %arg2[%dma_wait3A_58, %dma_wait3A_59] : memref<10240x128xf32, #tpu.memory_space<hbm>> -> memref<10240x128xf32, #tpu.memory_space<hbm>>
      tpu.wait_indirect_dma semaphore(%arg10 : memref<!tpu.dma_semaphore, #tpu.memory_space<semaphore_mem>>) src(%dma_wait3A_60 : memref<10240x128xf32, #tpu.memory_space<hbm>>) dst(%arg8 : memref<128x128xf32, #tpu.memory_space<vmem>>)
      %dma_start3A_61 = arith.constant 1 : i32
      %dma_start3A_62 = arith.constant 0 : i32
      %dma_start3A_63 = tpu.memref_slice %arg6[%dma_start3A_61, %dma_start3A_62] : memref<8x128xi32, #tpu.memory_space<vmem>> -> memref<1x128xi32, #tpu.memory_space<vmem>>
      %dma_start3A_64 = tpu.memref_squeeze %dma_start3A_63 : memref<1x128xi32, #tpu.memory_space<vmem>> -> memref<128xi32, #tpu.memory_space<vmem>>
      %dma_start3A_65 = arith.constant 0 : i32
      %dma_start3A_66 = arith.constant 0 : i32
      %dma_start3A_67 = tpu.memref_slice %arg9[%dma_start3A_65, %dma_start3A_66] : memref<10240x128xf32, #tpu.memory_space<vmem_shared>> -> memref<10240x128xf32, #tpu.memory_space<vmem_shared>>
      tpu.enqueue_indirect_dma source(%arg8 : memref<128x128xf32, #tpu.memory_space<vmem>>) target(%dma_start3A_67 : memref<10240x128xf32, #tpu.memory_space<vmem_shared>>) offsets(%dma_start3A_64 : memref<128xi32, #tpu.memory_space<vmem>>) semaphore(%arg11 : memref<!tpu.dma_semaphore, #tpu.memory_space<semaphore_mem>>) {add = true}
      %dma_wait3A_68 = arith.constant 0 : i32
      %dma_wait3A_69 = arith.constant 0 : i32
      %dma_wait3A_70 = tpu.memref_slice %arg6[%dma_wait3A_68, %dma_wait3A_69] : memref<8x128xi32, #tpu.memory_space<vmem>> -> memref<1x128xi32, #tpu.memory_space<vmem>>
      %dma_wait3A_71 = tpu.memref_squeeze %dma_wait3A_70 : memref<1x128xi32, #tpu.memory_space<vmem>> -> memref<128xi32, #tpu.memory_space<vmem>>
      %dma_wait3A_72 = arith.constant 0 : i32
      %dma_wait3A_73 = arith.constant 0 : i32
      %dma_wait3A_74 = tpu.memref_slice %arg9[%dma_wait3A_72, %dma_wait3A_73] : memref<10240x128xf32, #tpu.memory_space<vmem_shared>> -> memref<10240x128xf32, #tpu.memory_space<vmem_shared>>
      tpu.wait_indirect_dma semaphore(%arg11 : memref<!tpu.dma_semaphore, #tpu.memory_space<semaphore_mem>>) src(%arg7 : memref<128x128xf32, #tpu.memory_space<vmem>>) dst(%dma_wait3A_74 : memref<10240x128xf32, #tpu.memory_space<vmem_shared>>)
      %dma_start3A_75 = arith.constant 2 : i32
      %dma_start3A_76 = arith.constant 0 : i32
      %dma_start3A_77 = tpu.memref_slice %arg5[%dma_start3A_75, %dma_start3A_76] : memref<8x128xi32, #tpu.memory_space<vmem>> -> memref<1x128xi32, #tpu.memory_space<vmem>>
      %dma_start3A_78 = tpu.memref_squeeze %dma_start3A_77 : memref<1x128xi32, #tpu.memory_space<vmem>> -> memref<128xi32, #tpu.memory_space<vmem>>
      %dma_start3A_79 = arith.constant 0 : i32
      %dma_start3A_80 = arith.constant 0 : i32
      %dma_start3A_81 = tpu.memref_slice %arg2[%dma_start3A_79, %dma_start3A_80] : memref<10240x128xf32, #tpu.memory_space<hbm>> -> memref<10240x128xf32, #tpu.memory_space<hbm>>
      tpu.enqueue_indirect_dma source(%dma_start3A_81 : memref<10240x128xf32, #tpu.memory_space<hbm>>) target(%arg7 : memref<128x128xf32, #tpu.memory_space<vmem>>) offsets(%dma_start3A_78 : memref<128xi32, #tpu.memory_space<vmem>>) semaphore(%arg10 : memref<!tpu.dma_semaphore, #tpu.memory_space<semaphore_mem>>)
      %dma_wait3A_82 = arith.constant 2 : i32
      %dma_wait3A_83 = arith.constant 0 : i32
      %dma_wait3A_84 = tpu.memref_slice %arg5[%dma_wait3A_82, %dma_wait3A_83] : memref<8x128xi32, #tpu.memory_space<vmem>> -> memref<1x128xi32, #tpu.memory_space<vmem>>
      %dma_wait3A_85 = tpu.memref_squeeze %dma_wait3A_84 : memref<1x128xi32, #tpu.memory_space<vmem>> -> memref<128xi32, #tpu.memory_space<vmem>>
      %dma_wait3A_86 = arith.constant 0 : i32
      %dma_wait3A_87 = arith.constant 0 : i32
      %dma_wait3A_88 = tpu.memref_slice %arg2[%dma_wait3A_86, %dma_wait3A_87] : memref<10240x128xf32, #tpu.memory_space<hbm>> -> memref<10240x128xf32, #tpu.memory_space<hbm>>
      tpu.wait_indirect_dma semaphore(%arg10 : memref<!tpu.dma_semaphore, #tpu.memory_space<semaphore_mem>>) src(%dma_wait3A_88 : memref<10240x128xf32, #tpu.memory_space<hbm>>) dst(%arg7 : memref<128x128xf32, #tpu.memory_space<vmem>>)
      %dma_start3A_89 = arith.constant 2 : i32
      %dma_start3A_90 = arith.constant 0 : i32
      %dma_start3A_91 = tpu.memref_slice %arg6[%dma_start3A_89, %dma_start3A_90] : memref<8x128xi32, #tpu.memory_space<vmem>> -> memref<1x128xi32, #tpu.memory_space<vmem>>
      %dma_start3A_92 = tpu.memref_squeeze %dma_start3A_91 : memref<1x128xi32, #tpu.memory_space<vmem>> -> memref<128xi32, #tpu.memory_space<vmem>>
      %dma_start3A_93 = arith.constant 0 : i32
      %dma_start3A_94 = arith.constant 0 : i32
      %dma_start3A_95 = tpu.memref_slice %arg9[%dma_start3A_93, %dma_start3A_94] : memref<10240x128xf32, #tpu.memory_space<vmem_shared>> -> memref<10240x128xf32, #tpu.memory_space<vmem_shared>>
      tpu.enqueue_indirect_dma source(%arg7 : memref<128x128xf32, #tpu.memory_space<vmem>>) target(%dma_start3A_95 : memref<10240x128xf32, #tpu.memory_space<vmem_shared>>) offsets(%dma_start3A_92 : memref<128xi32, #tpu.memory_space<vmem>>) semaphore(%arg11 : memref<!tpu.dma_semaphore, #tpu.memory_space<semaphore_mem>>) {add = true}
      %dma_wait3A_96 = arith.constant 1 : i32
      %dma_wait3A_97 = arith.constant 0 : i32
      %dma_wait3A_98 = tpu.memref_slice %arg6[%dma_wait3A_96, %dma_wait3A_97] : memref<8x128xi32, #tpu.memory_space<vmem>> -> memref<1x128xi32, #tpu.memory_space<vmem>>
      %dma_wait3A_99 = tpu.memref_squeeze %dma_wait3A_98 : memref<1x128xi32, #tpu.memory_space<vmem>> -> memref<128xi32, #tpu.memory_space<vmem>>
      %dma_wait3A_100 = arith.constant 0 : i32
      %dma_wait3A_101 = arith.constant 0 : i32
      %dma_wait3A_102 = tpu.memref_slice %arg9[%dma_wait3A_100, %dma_wait3A_101] : memref<10240x128xf32, #tpu.memory_space<vmem_shared>> -> memref<10240x128xf32, #tpu.memory_space<vmem_shared>>
      tpu.wait_indirect_dma semaphore(%arg11 : memref<!tpu.dma_semaphore, #tpu.memory_space<semaphore_mem>>) src(%arg8 : memref<128x128xf32, #tpu.memory_space<vmem>>) dst(%dma_wait3A_102 : memref<10240x128xf32, #tpu.memory_space<vmem_shared>>)
      %dma_start3A_103 = arith.constant 3 : i32
      %dma_start3A_104 = arith.constant 0 : i32
      %dma_start3A_105 = tpu.memref_slice %arg5[%dma_start3A_103, %dma_start3A_104] : memref<8x128xi32, #tpu.memory_space<vmem>> -> memref<1x128xi32, #tpu.memory_space<vmem>>
      %dma_start3A_106 = tpu.memref_squeeze %dma_start3A_105 : memref<1x128xi32, #tpu.memory_space<vmem>> -> memref<128xi32, #tpu.memory_space<vmem>>
      %dma_start3A_107 = arith.constant 0 : i32
      %dma_start3A_108 = arith.constant 0 : i32
      %dma_start3A_109 = tpu.memref_slice %arg2[%dma_start3A_107, %dma_start3A_108] : memref<10240x128xf32, #tpu.memory_space<hbm>> -> memref<10240x128xf32, #tpu.memory_space<hbm>>
      tpu.enqueue_indirect_dma source(%dma_start3A_109 : memref<10240x128xf32, #tpu.memory_space<hbm>>) target(%arg8 : memref<128x128xf32, #tpu.memory_space<vmem>>) offsets(%dma_start3A_106 : memref<128xi32, #tpu.memory_space<vmem>>) semaphore(%arg10 : memref<!tpu.dma_semaphore, #tpu.memory_space<semaphore_mem>>)
      %dma_wait3A_110 = arith.constant 3 : i32
      %dma_wait3A_111 = arith.constant 0 : i32
      %dma_wait3A_112 = tpu.memref_slice %arg5[%dma_wait3A_110, %dma_wait3A_111] : memref<8x128xi32, #tpu.memory_space<vmem>> -> memref<1x128xi32, #tpu.memory_space<vmem>>
      %dma_wait3A_113 = tpu.memref_squeeze %dma_wait3A_112 : memref<1x128xi32, #tpu.memory_space<vmem>> -> memref<128xi32, #tpu.memory_space<vmem>>
      %dma_wait3A_114 = arith.constant 0 : i32
      %dma_wait3A_115 = arith.constant 0 : i32
      %dma_wait3A_116 = tpu.memref_slice %arg2[%dma_wait3A_114, %dma_wait3A_115] : memref<10240x128xf32, #tpu.memory_space<hbm>> -> memref<10240x128xf32, #tpu.memory_space<hbm>>
      tpu.wait_indirect_dma semaphore(%arg10 : memref<!tpu.dma_semaphore, #tpu.memory_space<semaphore_mem>>) src(%dma_wait3A_116 : memref<10240x128xf32, #tpu.memory_space<hbm>>) dst(%arg8 : memref<128x128xf32, #tpu.memory_space<vmem>>)
      %dma_start3A_117 = arith.constant 3 : i32
      %dma_start3A_118 = arith.constant 0 : i32
      %dma_start3A_119 = tpu.memref_slice %arg6[%dma_start3A_117, %dma_start3A_118] : memref<8x128xi32, #tpu.memory_space<vmem>> -> memref<1x128xi32, #tpu.memory_space<vmem>>
      %dma_start3A_120 = tpu.memref_squeeze %dma_start3A_119 : memref<1x128xi32, #tpu.memory_space<vmem>> -> memref<128xi32, #tpu.memory_space<vmem>>
      %dma_start3A_121 = arith.constant 0 : i32
      %dma_start3A_122 = arith.constant 0 : i32
      %dma_start3A_123 = tpu.memref_slice %arg9[%dma_start3A_121, %dma_start3A_122] : memref<10240x128xf32, #tpu.memory_space<vmem_shared>> -> memref<10240x128xf32, #tpu.memory_space<vmem_shared>>
      tpu.enqueue_indirect_dma source(%arg8 : memref<128x128xf32, #tpu.memory_space<vmem>>) target(%dma_start3A_123 : memref<10240x128xf32, #tpu.memory_space<vmem_shared>>) offsets(%dma_start3A_120 : memref<128xi32, #tpu.memory_space<vmem>>) semaphore(%arg11 : memref<!tpu.dma_semaphore, #tpu.memory_space<semaphore_mem>>) {add = true}
      %dma_wait3A_124 = arith.constant 2 : i32
      %dma_wait3A_125 = arith.constant 0 : i32
      %dma_wait3A_126 = tpu.memref_slice %arg6[%dma_wait3A_124, %dma_wait3A_125] : memref<8x128xi32, #tpu.memory_space<vmem>> -> memref<1x128xi32, #tpu.memory_space<vmem>>
      %dma_wait3A_127 = tpu.memref_squeeze %dma_wait3A_126 : memref<1x128xi32, #tpu.memory_space<vmem>> -> memref<128xi32, #tpu.memory_space<vmem>>
      %dma_wait3A_128 = arith.constant 0 : i32
      %dma_wait3A_129 = arith.constant 0 : i32
      %dma_wait3A_130 = tpu.memref_slice %arg9[%dma_wait3A_128, %dma_wait3A_129] : memref<10240x128xf32, #tpu.memory_space<vmem_shared>> -> memref<10240x128xf32, #tpu.memory_space<vmem_shared>>
      tpu.wait_indirect_dma semaphore(%arg11 : memref<!tpu.dma_semaphore, #tpu.memory_space<semaphore_mem>>) src(%arg7 : memref<128x128xf32, #tpu.memory_space<vmem>>) dst(%dma_wait3A_130 : memref<10240x128xf32, #tpu.memory_space<vmem_shared>>)
      %dma_start3A_131 = arith.constant 4 : i32
      %dma_start3A_132 = arith.constant 0 : i32
      %dma_start3A_133 = tpu.memref_slice %arg5[%dma_start3A_131, %dma_start3A_132] : memref<8x128xi32, #tpu.memory_space<vmem>> -> memref<1x128xi32, #tpu.memory_space<vmem>>
      %dma_start3A_134 = tpu.memref_squeeze %dma_start3A_133 : memref<1x128xi32, #tpu.memory_space<vmem>> -> memref<128xi32, #tpu.memory_space<vmem>>
      %dma_start3A_135 = arith.constant 0 : i32
      %dma_start3A_136 = arith.constant 0 : i32
      %dma_start3A_137 = tpu.memref_slice %arg2[%dma_start3A_135, %dma_start3A_136] : memref<10240x128xf32, #tpu.memory_space<hbm>> -> memref<10240x128xf32, #tpu.memory_space<hbm>>
      tpu.enqueue_indirect_dma source(%dma_start3A_137 : memref<10240x128xf32, #tpu.memory_space<hbm>>) target(%arg7 : memref<128x128xf32, #tpu.memory_space<vmem>>) offsets(%dma_start3A_134 : memref<128xi32, #tpu.memory_space<vmem>>) semaphore(%arg10 : memref<!tpu.dma_semaphore, #tpu.memory_space<semaphore_mem>>)
      %dma_wait3A_138 = arith.constant 4 : i32
      %dma_wait3A_139 = arith.constant 0 : i32
      %dma_wait3A_140 = tpu.memref_slice %arg5[%dma_wait3A_138, %dma_wait3A_139] : memref<8x128xi32, #tpu.memory_space<vmem>> -> memref<1x128xi32, #tpu.memory_space<vmem>>
      %dma_wait3A_141 = tpu.memref_squeeze %dma_wait3A_140 : memref<1x128xi32, #tpu.memory_space<vmem>> -> memref<128xi32, #tpu.memory_space<vmem>>
      %dma_wait3A_142 = arith.constant 0 : i32
      %dma_wait3A_143 = arith.constant 0 : i32
      %dma_wait3A_144 = tpu.memref_slice %arg2[%dma_wait3A_142, %dma_wait3A_143] : memref<10240x128xf32, #tpu.memory_space<hbm>> -> memref<10240x128xf32, #tpu.memory_space<hbm>>
      tpu.wait_indirect_dma semaphore(%arg10 : memref<!tpu.dma_semaphore, #tpu.memory_space<semaphore_mem>>) src(%dma_wait3A_144 : memref<10240x128xf32, #tpu.memory_space<hbm>>) dst(%arg7 : memref<128x128xf32, #tpu.memory_space<vmem>>)
      %dma_start3A_145 = arith.constant 4 : i32
      %dma_start3A_146 = arith.constant 0 : i32
      %dma_start3A_147 = tpu.memref_slice %arg6[%dma_start3A_145, %dma_start3A_146] : memref<8x128xi32, #tpu.memory_space<vmem>> -> memref<1x128xi32, #tpu.memory_space<vmem>>
      %dma_start3A_148 = tpu.memref_squeeze %dma_start3A_147 : memref<1x128xi32, #tpu.memory_space<vmem>> -> memref<128xi32, #tpu.memory_space<vmem>>
      %dma_start3A_149 = arith.constant 0 : i32
      %dma_start3A_150 = arith.constant 0 : i32
      %dma_start3A_151 = tpu.memref_slice %arg9[%dma_start3A_149, %dma_start3A_150] : memref<10240x128xf32, #tpu.memory_space<vmem_shared>> -> memref<10240x128xf32, #tpu.memory_space<vmem_shared>>
      tpu.enqueue_indirect_dma source(%arg7 : memref<128x128xf32, #tpu.memory_space<vmem>>) target(%dma_start3A_151 : memref<10240x128xf32, #tpu.memory_space<vmem_shared>>) offsets(%dma_start3A_148 : memref<128xi32, #tpu.memory_space<vmem>>) semaphore(%arg11 : memref<!tpu.dma_semaphore, #tpu.memory_space<semaphore_mem>>) {add = true}
      %dma_wait3A_152 = arith.constant 3 : i32
      %dma_wait3A_153 = arith.constant 0 : i32
      %dma_wait3A_154 = tpu.memref_slice %arg6[%dma_wait3A_152, %dma_wait3A_153] : memref<8x128xi32, #tpu.memory_space<vmem>> -> memref<1x128xi32, #tpu.memory_space<vmem>>
      %dma_wait3A_155 = tpu.memref_squeeze %dma_wait3A_154 : memref<1x128xi32, #tpu.memory_space<vmem>> -> memref<128xi32, #tpu.memory_space<vmem>>
      %dma_wait3A_156 = arith.constant 0 : i32
      %dma_wait3A_157 = arith.constant 0 : i32
      %dma_wait3A_158 = tpu.memref_slice %arg9[%dma_wait3A_156, %dma_wait3A_157] : memref<10240x128xf32, #tpu.memory_space<vmem_shared>> -> memref<10240x128xf32, #tpu.memory_space<vmem_shared>>
      tpu.wait_indirect_dma semaphore(%arg11 : memref<!tpu.dma_semaphore, #tpu.memory_space<semaphore_mem>>) src(%arg8 : memref<128x128xf32, #tpu.memory_space<vmem>>) dst(%dma_wait3A_158 : memref<10240x128xf32, #tpu.memory_space<vmem_shared>>)
      %dma_start3A_159 = arith.constant 5 : i32
      %dma_start3A_160 = arith.constant 0 : i32
      %dma_start3A_161 = tpu.memref_slice %arg5[%dma_start3A_159, %dma_start3A_160] : memref<8x128xi32, #tpu.memory_space<vmem>> -> memref<1x128xi32, #tpu.memory_space<vmem>>
      %dma_start3A_162 = tpu.memref_squeeze %dma_start3A_161 : memref<1x128xi32, #tpu.memory_space<vmem>> -> memref<128xi32, #tpu.memory_space<vmem>>
      %dma_start3A_163 = arith.constant 0 : i32
      %dma_start3A_164 = arith.constant 0 : i32
      %dma_start3A_165 = tpu.memref_slice %arg2[%dma_start3A_163, %dma_start3A_164] : memref<10240x128xf32, #tpu.memory_space<hbm>> -> memref<10240x128xf32, #tpu.memory_space<hbm>>
      tpu.enqueue_indirect_dma source(%dma_start3A_165 : memref<10240x128xf32, #tpu.memory_space<hbm>>) target(%arg8 : memref<128x128xf32, #tpu.memory_space<vmem>>) offsets(%dma_start3A_162 : memref<128xi32, #tpu.memory_space<vmem>>) semaphore(%arg10 : memref<!tpu.dma_semaphore, #tpu.memory_space<semaphore_mem>>)
      %dma_wait3A_166 = arith.constant 5 : i32
      %dma_wait3A_167 = arith.constant 0 : i32
      %dma_wait3A_168 = tpu.memref_slice %arg5[%dma_wait3A_166, %dma_wait3A_167] : memref<8x128xi32, #tpu.memory_space<vmem>> -> memref<1x128xi32, #tpu.memory_space<vmem>>
      %dma_wait3A_169 = tpu.memref_squeeze %dma_wait3A_168 : memref<1x128xi32, #tpu.memory_space<vmem>> -> memref<128xi32, #tpu.memory_space<vmem>>
      %dma_wait3A_170 = arith.constant 0 : i32
      %dma_wait3A_171 = arith.constant 0 : i32
      %dma_wait3A_172 = tpu.memref_slice %arg2[%dma_wait3A_170, %dma_wait3A_171] : memref<10240x128xf32, #tpu.memory_space<hbm>> -> memref<10240x128xf32, #tpu.memory_space<hbm>>
      tpu.wait_indirect_dma semaphore(%arg10 : memref<!tpu.dma_semaphore, #tpu.memory_space<semaphore_mem>>) src(%dma_wait3A_172 : memref<10240x128xf32, #tpu.memory_space<hbm>>) dst(%arg8 : memref<128x128xf32, #tpu.memory_space<vmem>>)
      %dma_start3A_173 = arith.constant 5 : i32
      %dma_start3A_174 = arith.constant 0 : i32
      %dma_start3A_175 = tpu.memref_slice %arg6[%dma_start3A_173, %dma_start3A_174] : memref<8x128xi32, #tpu.memory_space<vmem>> -> memref<1x128xi32, #tpu.memory_space<vmem>>
      %dma_start3A_176 = tpu.memref_squeeze %dma_start3A_175 : memref<1x128xi32, #tpu.memory_space<vmem>> -> memref<128xi32, #tpu.memory_space<vmem>>
      %dma_start3A_177 = arith.constant 0 : i32
      %dma_start3A_178 = arith.constant 0 : i32
      %dma_start3A_179 = tpu.memref_slice %arg9[%dma_start3A_177, %dma_start3A_178] : memref<10240x128xf32, #tpu.memory_space<vmem_shared>> -> memref<10240x128xf32, #tpu.memory_space<vmem_shared>>
      tpu.enqueue_indirect_dma source(%arg8 : memref<128x128xf32, #tpu.memory_space<vmem>>) target(%dma_start3A_179 : memref<10240x128xf32, #tpu.memory_space<vmem_shared>>) offsets(%dma_start3A_176 : memref<128xi32, #tpu.memory_space<vmem>>) semaphore(%arg11 : memref<!tpu.dma_semaphore, #tpu.memory_space<semaphore_mem>>) {add = true}
      %dma_wait3A_180 = arith.constant 4 : i32
      %dma_wait3A_181 = arith.constant 0 : i32
      %dma_wait3A_182 = tpu.memref_slice %arg6[%dma_wait3A_180, %dma_wait3A_181] : memref<8x128xi32, #tpu.memory_space<vmem>> -> memref<1x128xi32, #tpu.memory_space<vmem>>
      %dma_wait3A_183 = tpu.memref_squeeze %dma_wait3A_182 : memref<1x128xi32, #tpu.memory_space<vmem>> -> memref<128xi32, #tpu.memory_space<vmem>>
      %dma_wait3A_184 = arith.constant 0 : i32
      %dma_wait3A_185 = arith.constant 0 : i32
      %dma_wait3A_186 = tpu.memref_slice %arg9[%dma_wait3A_184, %dma_wait3A_185] : memref<10240x128xf32, #tpu.memory_space<vmem_shared>> -> memref<10240x128xf32, #tpu.memory_space<vmem_shared>>
      tpu.wait_indirect_dma semaphore(%arg11 : memref<!tpu.dma_semaphore, #tpu.memory_space<semaphore_mem>>) src(%arg7 : memref<128x128xf32, #tpu.memory_space<vmem>>) dst(%dma_wait3A_186 : memref<10240x128xf32, #tpu.memory_space<vmem_shared>>)
      %dma_start3A_187 = arith.constant 6 : i32
      %dma_start3A_188 = arith.constant 0 : i32
      %dma_start3A_189 = tpu.memref_slice %arg5[%dma_start3A_187, %dma_start3A_188] : memref<8x128xi32, #tpu.memory_space<vmem>> -> memref<1x128xi32, #tpu.memory_space<vmem>>
      %dma_start3A_190 = tpu.memref_squeeze %dma_start3A_189 : memref<1x128xi32, #tpu.memory_space<vmem>> -> memref<128xi32, #tpu.memory_space<vmem>>
      %dma_start3A_191 = arith.constant 0 : i32
      %dma_start3A_192 = arith.constant 0 : i32
      %dma_start3A_193 = tpu.memref_slice %arg2[%dma_start3A_191, %dma_start3A_192] : memref<10240x128xf32, #tpu.memory_space<hbm>> -> memref<10240x128xf32, #tpu.memory_space<hbm>>
      tpu.enqueue_indirect_dma source(%dma_start3A_193 : memref<10240x128xf32, #tpu.memory_space<hbm>>) target(%arg7 : memref<128x128xf32, #tpu.memory_space<vmem>>) offsets(%dma_start3A_190 : memref<128xi32, #tpu.memory_space<vmem>>) semaphore(%arg10 : memref<!tpu.dma_semaphore, #tpu.memory_space<semaphore_mem>>)
      %dma_wait3A_194 = arith.constant 6 : i32
      %dma_wait3A_195 = arith.constant 0 : i32
      %dma_wait3A_196 = tpu.memref_slice %arg5[%dma_wait3A_194, %dma_wait3A_195] : memref<8x128xi32, #tpu.memory_space<vmem>> -> memref<1x128xi32, #tpu.memory_space<vmem>>
      %dma_wait3A_197 = tpu.memref_squeeze %dma_wait3A_196 : memref<1x128xi32, #tpu.memory_space<vmem>> -> memref<128xi32, #tpu.memory_space<vmem>>
      %dma_wait3A_198 = arith.constant 0 : i32
      %dma_wait3A_199 = arith.constant 0 : i32
      %dma_wait3A_200 = tpu.memref_slice %arg2[%dma_wait3A_198, %dma_wait3A_199] : memref<10240x128xf32, #tpu.memory_space<hbm>> -> memref<10240x128xf32, #tpu.memory_space<hbm>>
      tpu.wait_indirect_dma semaphore(%arg10 : memref<!tpu.dma_semaphore, #tpu.memory_space<semaphore_mem>>) src(%dma_wait3A_200 : memref<10240x128xf32, #tpu.memory_space<hbm>>) dst(%arg7 : memref<128x128xf32, #tpu.memory_space<vmem>>)
      %dma_start3A_201 = arith.constant 6 : i32
      %dma_start3A_202 = arith.constant 0 : i32
      %dma_start3A_203 = tpu.memref_slice %arg6[%dma_start3A_201, %dma_start3A_202] : memref<8x128xi32, #tpu.memory_space<vmem>> -> memref<1x128xi32, #tpu.memory_space<vmem>>
      %dma_start3A_204 = tpu.memref_squeeze %dma_start3A_203 : memref<1x128xi32, #tpu.memory_space<vmem>> -> memref<128xi32, #tpu.memory_space<vmem>>
      %dma_start3A_205 = arith.constant 0 : i32
      %dma_start3A_206 = arith.constant 0 : i32
      %dma_start3A_207 = tpu.memref_slice %arg9[%dma_start3A_205, %dma_start3A_206] : memref<10240x128xf32, #tpu.memory_space<vmem_shared>> -> memref<10240x128xf32, #tpu.memory_space<vmem_shared>>
      tpu.enqueue_indirect_dma source(%arg7 : memref<128x128xf32, #tpu.memory_space<vmem>>) target(%dma_start3A_207 : memref<10240x128xf32, #tpu.memory_space<vmem_shared>>) offsets(%dma_start3A_204 : memref<128xi32, #tpu.memory_space<vmem>>) semaphore(%arg11 : memref<!tpu.dma_semaphore, #tpu.memory_space<semaphore_mem>>) {add = true}
      %dma_wait3A_208 = arith.constant 5 : i32
      %dma_wait3A_209 = arith.constant 0 : i32
      %dma_wait3A_210 = tpu.memref_slice %arg6[%dma_wait3A_208, %dma_wait3A_209] : memref<8x128xi32, #tpu.memory_space<vmem>> -> memref<1x128xi32, #tpu.memory_space<vmem>>
      %dma_wait3A_211 = tpu.memref_squeeze %dma_wait3A_210 : memref<1x128xi32, #tpu.memory_space<vmem>> -> memref<128xi32, #tpu.memory_space<vmem>>
      %dma_wait3A_212 = arith.constant 0 : i32
      %dma_wait3A_213 = arith.constant 0 : i32
      %dma_wait3A_214 = tpu.memref_slice %arg9[%dma_wait3A_212, %dma_wait3A_213] : memref<10240x128xf32, #tpu.memory_space<vmem_shared>> -> memref<10240x128xf32, #tpu.memory_space<vmem_shared>>
      tpu.wait_indirect_dma semaphore(%arg11 : memref<!tpu.dma_semaphore, #tpu.memory_space<semaphore_mem>>) src(%arg8 : memref<128x128xf32, #tpu.memory_space<vmem>>) dst(%dma_wait3A_214 : memref<10240x128xf32, #tpu.memory_space<vmem_shared>>)
      %dma_start3A_215 = arith.constant 7 : i32
      %dma_start3A_216 = arith.constant 0 : i32
      %dma_start3A_217 = tpu.memref_slice %arg5[%dma_start3A_215, %dma_start3A_216] : memref<8x128xi32, #tpu.memory_space<vmem>> -> memref<1x128xi32, #tpu.memory_space<vmem>>
      %dma_start3A_218 = tpu.memref_squeeze %dma_start3A_217 : memref<1x128xi32, #tpu.memory_space<vmem>> -> memref<128xi32, #tpu.memory_space<vmem>>
      %dma_start3A_219 = arith.constant 0 : i32
      %dma_start3A_220 = arith.constant 0 : i32
      %dma_start3A_221 = tpu.memref_slice %arg2[%dma_start3A_219, %dma_start3A_220] : memref<10240x128xf32, #tpu.memory_space<hbm>> -> memref<10240x128xf32, #tpu.memory_space<hbm>>
      tpu.enqueue_indirect_dma source(%dma_start3A_221 : memref<10240x128xf32, #tpu.memory_space<hbm>>) target(%arg8 : memref<128x128xf32, #tpu.memory_space<vmem>>) offsets(%dma_start3A_218 : memref<128xi32, #tpu.memory_space<vmem>>) semaphore(%arg10 : memref<!tpu.dma_semaphore, #tpu.memory_space<semaphore_mem>>)
      %dma_wait3A_222 = arith.constant 7 : i32
      %dma_wait3A_223 = arith.constant 0 : i32
      %dma_wait3A_224 = tpu.memref_slice %arg5[%dma_wait3A_222, %dma_wait3A_223] : memref<8x128xi32, #tpu.memory_space<vmem>> -> memref<1x128xi32, #tpu.memory_space<vmem>>
      %dma_wait3A_225 = tpu.memref_squeeze %dma_wait3A_224 : memref<1x128xi32, #tpu.memory_space<vmem>> -> memref<128xi32, #tpu.memory_space<vmem>>
      %dma_wait3A_226 = arith.constant 0 : i32
      %dma_wait3A_227 = arith.constant 0 : i32
      %dma_wait3A_228 = tpu.memref_slice %arg2[%dma_wait3A_226, %dma_wait3A_227] : memref<10240x128xf32, #tpu.memory_space<hbm>> -> memref<10240x128xf32, #tpu.memory_space<hbm>>
      tpu.wait_indirect_dma semaphore(%arg10 : memref<!tpu.dma_semaphore, #tpu.memory_space<semaphore_mem>>) src(%dma_wait3A_228 : memref<10240x128xf32, #tpu.memory_space<hbm>>) dst(%arg8 : memref<128x128xf32, #tpu.memory_space<vmem>>)
      %dma_start3A_229 = arith.constant 7 : i32
      %dma_start3A_230 = arith.constant 0 : i32
      %dma_start3A_231 = tpu.memref_slice %arg6[%dma_start3A_229, %dma_start3A_230] : memref<8x128xi32, #tpu.memory_space<vmem>> -> memref<1x128xi32, #tpu.memory_space<vmem>>
      %dma_start3A_232 = tpu.memref_squeeze %dma_start3A_231 : memref<1x128xi32, #tpu.memory_space<vmem>> -> memref<128xi32, #tpu.memory_space<vmem>>
      %dma_start3A_233 = arith.constant 0 : i32
      %dma_start3A_234 = arith.constant 0 : i32
      %dma_start3A_235 = tpu.memref_slice %arg9[%dma_start3A_233, %dma_start3A_234] : memref<10240x128xf32, #tpu.memory_space<vmem_shared>> -> memref<10240x128xf32, #tpu.memory_space<vmem_shared>>
      tpu.enqueue_indirect_dma source(%arg8 : memref<128x128xf32, #tpu.memory_space<vmem>>) target(%dma_start3A_235 : memref<10240x128xf32, #tpu.memory_space<vmem_shared>>) offsets(%dma_start3A_232 : memref<128xi32, #tpu.memory_space<vmem>>) semaphore(%arg11 : memref<!tpu.dma_semaphore, #tpu.memory_space<semaphore_mem>>) {add = true}
      %dma_wait3A_236 = arith.constant 6 : i32
      %dma_wait3A_237 = arith.constant 0 : i32
      %dma_wait3A_238 = tpu.memref_slice %arg6[%dma_wait3A_236, %dma_wait3A_237] : memref<8x128xi32, #tpu.memory_space<vmem>> -> memref<1x128xi32, #tpu.memory_space<vmem>>
      %dma_wait3A_239 = tpu.memref_squeeze %dma_wait3A_238 : memref<1x128xi32, #tpu.memory_space<vmem>> -> memref<128xi32, #tpu.memory_space<vmem>>
      %dma_wait3A_240 = arith.constant 0 : i32
      %dma_wait3A_241 = arith.constant 0 : i32
      %dma_wait3A_242 = tpu.memref_slice %arg9[%dma_wait3A_240, %dma_wait3A_241] : memref<10240x128xf32, #tpu.memory_space<vmem_shared>> -> memref<10240x128xf32, #tpu.memory_space<vmem_shared>>
      tpu.wait_indirect_dma semaphore(%arg11 : memref<!tpu.dma_semaphore, #tpu.memory_space<semaphore_mem>>) src(%arg7 : memref<128x128xf32, #tpu.memory_space<vmem>>) dst(%dma_wait3A_242 : memref<10240x128xf32, #tpu.memory_space<vmem_shared>>)
      %dma_wait3A_243 = arith.constant 7 : i32
      %dma_wait3A_244 = arith.constant 0 : i32
      %dma_wait3A_245 = tpu.memref_slice %arg6[%dma_wait3A_243, %dma_wait3A_244] : memref<8x128xi32, #tpu.memory_space<vmem>> -> memref<1x128xi32, #tpu.memory_space<vmem>>
      %dma_wait3A_246 = tpu.memref_squeeze %dma_wait3A_245 : memref<1x128xi32, #tpu.memory_space<vmem>> -> memref<128xi32, #tpu.memory_space<vmem>>
      %dma_wait3A_247 = arith.constant 0 : i32
      %dma_wait3A_248 = arith.constant 0 : i32
      %dma_wait3A_249 = tpu.memref_slice %arg9[%dma_wait3A_247, %dma_wait3A_248] : memref<10240x128xf32, #tpu.memory_space<vmem_shared>> -> memref<10240x128xf32, #tpu.memory_space<vmem_shared>>
      tpu.wait_indirect_dma semaphore(%arg11 : memref<!tpu.dma_semaphore, #tpu.memory_space<semaphore_mem>>) src(%arg8 : memref<128x128xf32, #tpu.memory_space<vmem>>) dst(%dma_wait3A_249 : memref<10240x128xf32, #tpu.memory_space<vmem_shared>>)
    }
    %scan3A_21 = arith.constant 10 : i32
    %barrier3A_22 = arith.constant 0 : index
    tpu.barrier barrier_id(%barrier3A_22)
    "tpu.region"() ({
      %run_scoped3A = tpu.sem_alloc : memref<!tpu.dma_semaphore, #tpu.memory_space<semaphore_mem>>
      %dma_start3A = arith.constant 0 : i32
      %dma_start3A_23 = tpu.memref_slice %arg4[%arg0, %mul3A_4, %dma_start3A] : memref<2x10240x128xf32, #tpu.memory_space<hbm>> -> memref<1x640x128xf32, #tpu.memory_space<hbm>>
      %dma_start3A_24 = tpu.memref_squeeze %dma_start3A_23 : memref<1x640x128xf32, #tpu.memory_space<hbm>> -> memref<640x128xf32, #tpu.memory_space<hbm>>
      %dma_start3A_25 = arith.constant 0 : i32
      %dma_start3A_26 = tpu.memref_slice %arg9[%mul3A_4, %dma_start3A_25] : memref<10240x128xf32, #tpu.memory_space<vmem_shared>> -> memref<640x128xf32, #tpu.memory_space<vmem_shared>>
      tpu.enqueue_dma source(%dma_start3A_26 : memref<640x128xf32, #tpu.memory_space<vmem_shared>>) target(%dma_start3A_24 : memref<640x128xf32, #tpu.memory_space<hbm>>) target_semaphore(%run_scoped3A : memref<!tpu.dma_semaphore, #tpu.memory_space<semaphore_mem>>)
      %dma_wait3A = arith.constant 0 : i32
      %dma_wait3A_27 = tpu.memref_slice %arg4[%arg0, %mul3A_4, %dma_wait3A] : memref<2x10240x128xf32, #tpu.memory_space<hbm>> -> memref<1x640x128xf32, #tpu.memory_space<hbm>>
      %dma_wait3A_28 = tpu.memref_squeeze %dma_wait3A_27 : memref<1x640x128xf32, #tpu.memory_space<hbm>> -> memref<640x128xf32, #tpu.memory_space<hbm>>
      %dma_wait3A_29 = arith.constant 0 : i32
      %dma_wait3A_30 = tpu.memref_slice %arg9[%mul3A_4, %dma_wait3A_29] : memref<10240x128xf32, #tpu.memory_space<vmem_shared>> -> memref<640x128xf32, #tpu.memory_space<vmem_shared>>
      tpu.wait_dma2 semaphore(%run_scoped3A : memref<!tpu.dma_semaphore, #tpu.memory_space<semaphore_mem>>) src(%dma_wait3A_30 : memref<640x128xf32, #tpu.memory_space<vmem_shared>>) dst(%dma_wait3A_28 : memref<640x128xf32, #tpu.memory_space<hbm>>)
      tpu.yield
    }) : () -> ()
    return
  }
}

module attributes {stable_mosaic.version = 14 : i64} {
  func.func @_tc1_body(%arg0: i32, %arg1: memref<2048x128xf32, #tpu.memory_space<vmem>>, %arg2: memref<128x128xf32, #tpu.memory_space<vmem>>, %arg3: memref<2x2048x128xf32, #tpu.memory_space<vmem>>, %arg4: memref<2048x128xf32, #tpu.memory_space<vmem>>, %arg5: memref<2048x1xf32, #tpu.memory_space<vmem>>) attributes {dimension_semantics = [#tpu.dimension_semantics<arbitrary>], iteration_bounds = array<i64: 5>, scalar_prefetch = 0 : i64, scratch_operands = 0 : i64, tpu.core_type = #tpu.core_type<tc>, window_params = [{transform_indices = @transform_0, window_bounds = array<i64: 2048, 128>}, {pipeline_mode = #tpu.pipeline_mode<synchronous>, transform_indices = @transform_1, window_bounds = array<i64: 128, 128>}, {transform_indices = @transform_2, window_bounds = array<i64: 2, 2048, 128>}, {transform_indices = @transform_3, window_bounds = array<i64: 2048, 128>}, {transform_indices = @transform_4, window_bounds = array<i64: 2048, 1>}]} {
    %get3A = arith.constant 0 : index
    %get3A_0 = arith.constant 0 : index
    %get3A_1 = arith.constant 0 : index
    %get3A_2 = vector.load %arg3[%get3A, %get3A_0, %get3A_1] : memref<2x2048x128xf32, #tpu.memory_space<vmem>>, vector<2x2048x128xf32>
    %slice3A = vector.extract_strided_slice %get3A_2 {offsets = [0, 0, 0], sizes = [1, 2048, 1], strides = [1, 1, 1]} : vector<2x2048x128xf32> to vector<1x2048x1xf32>
    %squeeze3A = vector.shape_cast %slice3A : vector<1x2048x1xf32> to vector<2048x1xf32>
    %slice3A_3 = vector.extract_strided_slice %get3A_2 {offsets = [1, 0, 0], sizes = [1, 2048, 1], strides = [1, 1, 1]} : vector<2x2048x128xf32> to vector<1x2048x1xf32>
    %squeeze3A_4 = vector.shape_cast %slice3A_3 : vector<1x2048x1xf32> to vector<2048x1xf32>
    %add3A = arith.addf %squeeze3A, %squeeze3A_4 : vector<2048x1xf32>
    %add3A_5 = arith.constant 1.000000e+00 : f32
    %add3A_6 = vector.broadcast %add3A_5 : f32 to vector<2048x1xf32>
    %add3A_7 = arith.addf %add3A, %add3A_6 : vector<2048x1xf32>
    %rsqrt3A = math.rsqrt %add3A_7 : vector<2048x1xf32>
    %get3A_8 = arith.constant 0 : index
    %get3A_9 = arith.constant 0 : index
    %get3A_10 = vector.load %arg1[%get3A_8, %get3A_9] : memref<2048x128xf32, #tpu.memory_space<vmem>>, vector<2048x128xf32>
    %get3A_11 = arith.constant 0 : index
    %get3A_12 = arith.constant 0 : index
    %get3A_13 = vector.load %arg2[%get3A_11, %get3A_12] : memref<128x128xf32, #tpu.memory_space<vmem>>, vector<128x128xf32>
    %dot_general3A = arith.constant dense<0.000000e+00> : vector<2048x128xf32>
    %dot_general3A_14 = tpu.matmul %get3A_10, %get3A_13, %dot_general3A {dimension_numbers = #tpu.dot_dimension_numbers<[1], [0], [0], [1], [0, 0, 1, 1], [], []>, transpose_lhs_hint = false} : vector<2048x128xf32>, vector<128x128xf32>, vector<2048x128xf32> -> vector<2048x128xf32>
    %mul3A = vector.broadcast %rsqrt3A : vector<2048x1xf32> to vector<2048x128xf32>
    %mul3A_15 = arith.mulf %dot_general3A_14, %mul3A : vector<2048x128xf32>
    %swap3A = arith.constant 0 : index
    %swap3A_16 = arith.constant 0 : index
    %swap3A_17 = vector.load %arg4[%swap3A, %swap3A_16] : memref<2048x128xf32, #tpu.memory_space<vmem>>, vector<2048x128xf32>
    tpu.vector_store %arg4[%swap3A, %swap3A_16], %mul3A_15 {strides = array<i32>} : memref<2048x128xf32, #tpu.memory_space<vmem>>, vector<2048x128xf32>,
    %swap3A_18 = arith.constant 0 : index
    %swap3A_19 = arith.constant 0 : index
    %swap3A_20 = vector.load %arg5[%swap3A_18, %swap3A_19] : memref<2048x1xf32, #tpu.memory_space<vmem>>, vector<2048x1xf32>
    tpu.vector_store %arg5[%swap3A_18, %swap3A_19], %rsqrt3A {strides = array<i32>} : memref<2048x1xf32, #tpu.memory_space<vmem>>, vector<2048x1xf32>,
    return
  }
  func.func @transform_0(%arg0: i32) -> (i32, i32) {
    %c0_i32 = arith.constant 0 : i32
    %c0_i32_0 = arith.constant 0 : i32
    return %arg0, %c0_i32 : i32, i32
  }
  func.func @transform_1(%arg0: i32) -> (i32, i32) {
    %c0_i32 = arith.constant 0 : i32
    %c0_i32_0 = arith.constant 0 : i32
    %c0_i32_1 = arith.constant 0 : i32
    return %c0_i32, %c0_i32_0 : i32, i32
  }
  func.func @transform_2(%arg0: i32) -> (i32, i32, i32) {
    %c0_i32 = arith.constant 0 : i32
    %c0_i32_0 = arith.constant 0 : i32
    %c0_i32_1 = arith.constant 0 : i32
    return %c0_i32, %arg0, %c0_i32_0 : i32, i32, i32
  }
  func.func @transform_3(%arg0: i32) -> (i32, i32) {
    %c0_i32 = arith.constant 0 : i32
    %c0_i32_0 = arith.constant 0 : i32
    return %arg0, %c0_i32 : i32, i32
  }
  func.func @transform_4(%arg0: i32) -> (i32, i32) {
    %c0_i32 = arith.constant 0 : i32
    %c0_i32_0 = arith.constant 0 : i32
    return %arg0, %c0_i32 : i32, i32
  }
}

module attributes {stable_mosaic.version = 14 : i64} {
  func.func @_tc2_body(%arg0: i32, %arg1: memref<2x2048x128xf32, #tpu.memory_space<vmem>>, %arg2: memref<2048x128xf32, #tpu.memory_space<vmem>>, %arg3: memref<2048x1xf32, #tpu.memory_space<vmem>>, %arg4: memref<128x128xf32, #tpu.memory_space<vmem>>, %arg5: memref<1x128xf32, #tpu.memory_space<vmem>>, %arg6: memref<2048x128xf32, #tpu.memory_space<vmem>>) attributes {dimension_semantics = [#tpu.dimension_semantics<arbitrary>], iteration_bounds = array<i64: 5>, scalar_prefetch = 0 : i64, scratch_operands = 0 : i64, tpu.core_type = #tpu.core_type<tc>, window_params = [{transform_indices = @transform_0, window_bounds = array<i64: 2, 2048, 128>}, {transform_indices = @transform_1, window_bounds = array<i64: 2048, 128>}, {transform_indices = @transform_2, window_bounds = array<i64: 2048, 1>}, {pipeline_mode = #tpu.pipeline_mode<synchronous>, transform_indices = @transform_3, window_bounds = array<i64: 128, 128>}, {pipeline_mode = #tpu.pipeline_mode<synchronous>, transform_indices = @transform_4, window_bounds = array<i64: 1, 128>}, {transform_indices = @transform_5, window_bounds = array<i64: 2048, 128>}]} {
    %get3A = arith.constant 0 : index
    %get3A_0 = arith.constant 0 : index
    %get3A_1 = arith.constant 0 : index
    %get3A_2 = vector.load %arg1[%get3A, %get3A_0, %get3A_1] : memref<2x2048x128xf32, #tpu.memory_space<vmem>>, vector<2x2048x128xf32>
    %get3A_3 = arith.constant 0 : index
    %get3A_4 = arith.constant 0 : index
    %get3A_5 = vector.load %arg3[%get3A_3, %get3A_4] : memref<2048x1xf32, #tpu.memory_space<vmem>>, vector<2048x1xf32>
    %slice3A = vector.extract_strided_slice %get3A_2 {offsets = [0, 0, 0], sizes = [1, 2048, 128], strides = [1, 1, 1]} : vector<2x2048x128xf32> to vector<1x2048x128xf32>
    %squeeze3A = vector.shape_cast %slice3A : vector<1x2048x128xf32> to vector<2048x128xf32>
    %slice3A_6 = vector.extract_strided_slice %get3A_2 {offsets = [1, 0, 0], sizes = [1, 2048, 128], strides = [1, 1, 1]} : vector<2x2048x128xf32> to vector<1x2048x128xf32>
    %squeeze3A_7 = vector.shape_cast %slice3A_6 : vector<1x2048x128xf32> to vector<2048x128xf32>
    %add3A = arith.addf %squeeze3A, %squeeze3A_7 : vector<2048x128xf32>
    %get3A_8 = arith.constant 0 : index
    %get3A_9 = arith.constant 0 : index
    %get3A_10 = vector.load %arg2[%get3A_8, %get3A_9] : memref<2048x128xf32, #tpu.memory_space<vmem>>, vector<2048x128xf32>
    %add3A_11 = arith.addf %add3A, %get3A_10 : vector<2048x128xf32>
    %mul3A = vector.broadcast %get3A_5 : vector<2048x1xf32> to vector<2048x128xf32>
    %mul3A_12 = arith.mulf %add3A_11, %mul3A : vector<2048x128xf32>
    %get3A_13 = arith.constant 0 : index
    %get3A_14 = arith.constant 0 : index
    %get3A_15 = vector.load %arg5[%get3A_13, %get3A_14] : memref<1x128xf32, #tpu.memory_space<vmem>>, vector<1x128xf32>
    %add3A_16 = vector.broadcast %get3A_15 : vector<1x128xf32> to vector<2048x128xf32>
    %add3A_17 = arith.addf %mul3A_12, %add3A_16 : vector<2048x128xf32>
    %max3A = arith.constant 0.000000e+00 : f32
    %max3A_18 = vector.broadcast %max3A : f32 to vector<2048x128xf32>
    %max3A_19 = arith.maximumf %add3A_17, %max3A_18 : vector<2048x128xf32>
    %get3A_20 = arith.constant 0 : index
    %get3A_21 = arith.constant 0 : index
    %get3A_22 = vector.load %arg4[%get3A_20, %get3A_21] : memref<128x128xf32, #tpu.memory_space<vmem>>, vector<128x128xf32>
    %dot_general3A = arith.constant dense<0.000000e+00> : vector<2048x128xf32>
    %dot_general3A_23 = tpu.matmul %max3A_19, %get3A_22, %dot_general3A {dimension_numbers = #tpu.dot_dimension_numbers<[1], [0], [0], [1], [0, 0, 1, 1], [], []>, transpose_lhs_hint = false} : vector<2048x128xf32>, vector<128x128xf32>, vector<2048x128xf32> -> vector<2048x128xf32>
    %mul3A_24 = vector.broadcast %get3A_5 : vector<2048x1xf32> to vector<2048x128xf32>
    %mul3A_25 = arith.mulf %dot_general3A_23, %mul3A_24 : vector<2048x128xf32>
    %swap3A = arith.constant 0 : index
    %swap3A_26 = arith.constant 0 : index
    %swap3A_27 = vector.load %arg6[%swap3A, %swap3A_26] : memref<2048x128xf32, #tpu.memory_space<vmem>>, vector<2048x128xf32>
    tpu.vector_store %arg6[%swap3A, %swap3A_26], %mul3A_25 {strides = array<i32>} : memref<2048x128xf32, #tpu.memory_space<vmem>>, vector<2048x128xf32>,
    return
  }
  func.func @transform_0(%arg0: i32) -> (i32, i32, i32) {
    %c0_i32 = arith.constant 0 : i32
    %c0_i32_0 = arith.constant 0 : i32
    %c0_i32_1 = arith.constant 0 : i32
    return %c0_i32, %arg0, %c0_i32_0 : i32, i32, i32
  }
  func.func @transform_1(%arg0: i32) -> (i32, i32) {
    %c0_i32 = arith.constant 0 : i32
    %c0_i32_0 = arith.constant 0 : i32
    return %arg0, %c0_i32 : i32, i32
  }
  func.func @transform_2(%arg0: i32) -> (i32, i32) {
    %c0_i32 = arith.constant 0 : i32
    %c0_i32_0 = arith.constant 0 : i32
    return %arg0, %c0_i32 : i32, i32
  }
  func.func @transform_3(%arg0: i32) -> (i32, i32) {
    %c0_i32 = arith.constant 0 : i32
    %c0_i32_0 = arith.constant 0 : i32
    %c0_i32_1 = arith.constant 0 : i32
    return %c0_i32, %c0_i32_0 : i32, i32
  }
  func.func @transform_4(%arg0: i32) -> (i32, i32) {
    %c0_i32 = arith.constant 0 : i32
    %c0_i32_0 = arith.constant 0 : i32
    %c0_i32_1 = arith.constant 0 : i32
    return %c0_i32, %c0_i32_0 : i32, i32
  }
  func.func @transform_5(%arg0: i32) -> (i32, i32) {
    %c0_i32 = arith.constant 0 : i32
    %c0_i32_0 = arith.constant 0 : i32
    return %arg0, %c0_i32 : i32, i32
  }
}

module attributes {stable_mosaic.version = 14 : i64} {
  func.func @_tc3_body(%arg0: i32, %arg1: memref<2x2000x128xf32, #tpu.memory_space<vmem>>, %arg2: memref<2000x128xf32, #tpu.memory_space<vmem>>, %arg3: memref<2000x1xf32, #tpu.memory_space<vmem>>, %arg4: memref<1x128xf32, #tpu.memory_space<vmem>>, %arg5: memref<2000x128xf32, #tpu.memory_space<vmem>>) attributes {dimension_semantics = [#tpu.dimension_semantics<arbitrary>], iteration_bounds = array<i64: 5>, scalar_prefetch = 0 : i64, scratch_operands = 0 : i64, tpu.core_type = #tpu.core_type<tc>, window_params = [{transform_indices = @transform_0, window_bounds = array<i64: 2, 2000, 128>}, {transform_indices = @transform_1, window_bounds = array<i64: 2000, 128>}, {transform_indices = @transform_2, window_bounds = array<i64: 2000, 1>}, {pipeline_mode = #tpu.pipeline_mode<synchronous>, transform_indices = @transform_3, window_bounds = array<i64: 1, 128>}, {transform_indices = @transform_4, window_bounds = array<i64: 2000, 128>}]} {
    %get3A = arith.constant 0 : index
    %get3A_0 = arith.constant 0 : index
    %get3A_1 = arith.constant 0 : index
    %get3A_2 = vector.load %arg1[%get3A, %get3A_0, %get3A_1] : memref<2x2000x128xf32, #tpu.memory_space<vmem>>, vector<2x2000x128xf32>
    %slice3A = vector.extract_strided_slice %get3A_2 {offsets = [0, 0, 0], sizes = [1, 2000, 128], strides = [1, 1, 1]} : vector<2x2000x128xf32> to vector<1x2000x128xf32>
    %squeeze3A = vector.shape_cast %slice3A : vector<1x2000x128xf32> to vector<2000x128xf32>
    %slice3A_3 = vector.extract_strided_slice %get3A_2 {offsets = [1, 0, 0], sizes = [1, 2000, 128], strides = [1, 1, 1]} : vector<2x2000x128xf32> to vector<1x2000x128xf32>
    %squeeze3A_4 = vector.shape_cast %slice3A_3 : vector<1x2000x128xf32> to vector<2000x128xf32>
    %add3A = arith.addf %squeeze3A, %squeeze3A_4 : vector<2000x128xf32>
    %get3A_5 = arith.constant 0 : index
    %get3A_6 = arith.constant 0 : index
    %get3A_7 = vector.load %arg2[%get3A_5, %get3A_6] : memref<2000x128xf32, #tpu.memory_space<vmem>>, vector<2000x128xf32>
    %add3A_8 = arith.addf %add3A, %get3A_7 : vector<2000x128xf32>
    %get3A_9 = arith.constant 0 : index
    %get3A_10 = arith.constant 0 : index
    %get3A_11 = vector.load %arg3[%get3A_9, %get3A_10] : memref<2000x1xf32, #tpu.memory_space<vmem>>, vector<2000x1xf32>
    %mul3A = vector.broadcast %get3A_11 : vector<2000x1xf32> to vector<2000x128xf32>
    %mul3A_12 = arith.mulf %add3A_8, %mul3A : vector<2000x128xf32>
    %get3A_13 = arith.constant 0 : index
    %get3A_14 = arith.constant 0 : index
    %get3A_15 = vector.load %arg4[%get3A_13, %get3A_14] : memref<1x128xf32, #tpu.memory_space<vmem>>, vector<1x128xf32>
    %add3A_16 = vector.broadcast %get3A_15 : vector<1x128xf32> to vector<2000x128xf32>
    %add3A_17 = arith.addf %mul3A_12, %add3A_16 : vector<2000x128xf32>
    %swap3A = arith.constant 0 : index
    %swap3A_18 = arith.constant 0 : index
    %swap3A_19 = vector.load %arg5[%swap3A, %swap3A_18] : memref<2000x128xf32, #tpu.memory_space<vmem>>, vector<2000x128xf32>
    tpu.vector_store %arg5[%swap3A, %swap3A_18], %add3A_17 {strides = array<i32>} : memref<2000x128xf32, #tpu.memory_space<vmem>>, vector<2000x128xf32>,
    return
  }
  func.func @transform_0(%arg0: i32) -> (i32, i32, i32) {
    %c0_i32 = arith.constant 0 : i32
    %c0_i32_0 = arith.constant 0 : i32
    %c0_i32_1 = arith.constant 0 : i32
    return %c0_i32, %arg0, %c0_i32_0 : i32, i32, i32
  }
  func.func @transform_1(%arg0: i32) -> (i32, i32) {
    %c0_i32 = arith.constant 0 : i32
    %c0_i32_0 = arith.constant 0 : i32
    return %arg0, %c0_i32 : i32, i32
  }
  func.func @transform_2(%arg0: i32) -> (i32, i32) {
    %c0_i32 = arith.constant 0 : i32
    %c0_i32_0 = arith.constant 0 : i32
    return %arg0, %c0_i32 : i32, i32
  }
  func.func @transform_3(%arg0: i32) -> (i32, i32) {
    %c0_i32 = arith.constant 0 : i32
    %c0_i32_0 = arith.constant 0 : i32
    %c0_i32_1 = arith.constant 0 : i32
    return %c0_i32, %c0_i32_0 : i32, i32
  }
  func.func @transform_4(%arg0: i32) -> (i32, i32) {
    %c0_i32 = arith.constant 0 : i32
    %c0_i32_0 = arith.constant 0 : i32
    return %arg0, %c0_i32 : i32, i32
  }
}

</mosaic_0001>

<sc_bundles>
// kernel: kernel.11.cloned.1.call-start
scs
__scs_entry_jumppad:
0x0: {  	(pc) =	sbr.rel $0x88, $3  }
0x1: {  	(tag) =	ssettag $0x0;
	lr =	simm.s32 $0x1  }
0x2: {  	[smem:$0x3F9B] =	sst lr;
	_ =	strace $0xD0000000  }
0x3: {  	_ = 	snop  }
0x4: {  	_ = 	snop  }
0x5: {  	_ = 	snop  }
0x6: {  	_ = 	snop  }
0x7: {  	_ = 	snop  }
__scs_overlays_trampoline_lowered:
0x8: {  	[smem:$0x3FAA] =	sst s0  }
0x9: {  	[smem:$0x3FAB] =	sst s1  }
0xa: {  	[smem:$0x3FAC] =	sst s2  }
0xb: {  	[smem:$0x3FAD] =	sst s3  }
0xc: {  	[smem:$0x3FAE] =	sst s4  }
0xd: {  	[smem:$0x3FAF] =	sst s5  }
0xe: {  	[smem:$0x3FB0] =	sst s6  }
0xf: {  	[smem:$0x3FB1] =	sst s7  }
0x10: {  	[smem:$0x3FB2] =	sst s8  }
0x11: {  	[smem:$0x3FB3] =	sst s9;
	s0 =	simm.s32 @!p0 $0x0  }
0x12: {  	s1 =	sld [smem:$0x3F99];
	s0 =	simm.s32 @p0 $0x1  }
0x13: {  	[smem:$0x3FB4] =	sst s0;
	s0 =	simm.s32 @!p1 $0x0  }
0x14: {  	s2 =	sld [smem:$0x3F98];
	s0 =	simm.s32 @p1 $0x1  }
0x15: {  	[smem:$0x3FB5] =	sst s0;
	s0 =	simm.s32 @!p2 $0x0  }
0x16: {  	s3 =	sld [smem:$0x3FDB];
	s0 =	simm.s32 @p2 $0x1  }
0x17: {  	s4 =	simm.s32 $0x1BF5;
	[smem:$0x3FB7] =	sst s0  }
0x18: {  	s0 =	sld [smem:$0x3F9A];
	_ =	swait.ge [sflag:s4], $0x0  }
0x19: {  	s7 =	sld [smem:$0x3F9B]  }
0x1a: {  	s8 =	sadd.s32 $0xFFFFE003, lr  }
0x1b: {  	s9 =	sadd.s32 $0xFFFFFEF7, lr;
	s5 =	simm.s32 $0xFFFFFFFF;
	p2 =	slt.u32 s8, $0xFFFFF086  }
0x1c: {  	p1 =	slt.u32 s9, $0xF7A;
	s5 =	simm.s32 @!p2 $0x0  }
0x1d: {  	s5 =	simm.s32 @p1 $0x1;
	p0 =	seq.s32 s7, s2  }
0x1e: {  	s7 =	smul.u32 @!p0 $0xF7A, s2;
	p2 =	seq.s32 @!p0 s5, $0x0  }
0x1f: {  	s9 =	smul.u32 $0xF7A, s1;
	s8 =	simm.s32 @!p0 $0x1BF5;
	p2 =	por !p2, p0  }
0x20: {  	[sflag:s8] =	ssyncset.s32 @!p0 $0xFFFFF086;
	s6 =	sadd.s32 @!p0 s3, s7;
	s7 =	simm.s32 @!p0 $0x108  }
0x21: {  	s3 =	sadd.s32 s3, s9;
	s6 =	sadd.s32 @!p0 $0x88, s6;
	s7 =	simm.s32 @p2 $0x1082  }
0x22: {  	[simem:s7], [sflag:s8] =	dma.local @!p0 [hbm:s6], $0xF7A  }
0x23: {  	s9 =	sor.u32 $0xD0000000, s2;
	s6 =	simm.s32 $0x108;
	_ =	swait.ge @!p0 [sflag:s8], $0x0  }
0x24: {  	s3 =	sadd.s32 $0x88, s3;
	s6 =	simm.s32 @!p1 $0x1082;
	[sflag:s4] =	ssyncset.s32 $0xFFFFF086  }
0x25: {  	[simem:s6], [sflag:s4] =	dma.local [hbm:s3], $0xF7A  }
0x26: {  	[smem:$0x3F9B] =	sst s1;
	(tag) =	ssettag s2;
	_ =	strace s9  }
0x27: {  	s1 =	sld [smem:$0x3FAB]  }
0x28: {  	s2 =	sld [smem:$0x3FAC]  }
0x29: {  	s4 =	sld [smem:$0x3FAE]  }
0x2a: {  	p0 =	seq.s32 s5, $0x0;
	s5 =	sld [smem:$0x3FAF]  }
0x2b: {  	s6 =	sld [smem:$0x3FB0]  }
0x2c: {  	s7 =	sld [smem:$0x3FB1]  }
0x2d: {  	s3 =	simm.s32 $0x108;
	s8 =	sld [smem:$0x3FB2]  }
0x2e: {  	s3 =	simm.s32 @!p0 $0x1082;
	s9 =	sld [smem:$0x3FB3]  }
0x2f: {  	lr =	sadd.s32 s0, s3;
	s0 =	sld [smem:$0x3FAA]  }
0x30: {  	s3 =	sld [smem:$0x3FAD]  }
0x31: {  	[smem:$0x3FB6] =	sst s10  }
0x32: {  	s10 =	sld [smem:$0x3FB4];
	_ =	sdelay $0x3  }
0x33: {  	p0 =	seq.s32 s10, $0x1;
	s10 =	sld [smem:$0x3FB6];
	_ =	sdelay $0x3  }
0x34: {  	[smem:$0x3FB6] =	sst s10  }
0x35: {  	s10 =	sld [smem:$0x3FB5];
	_ =	sdelay $0x3  }
0x36: {  	p1 =	seq.s32 s10, $0x1;
	s10 =	sld [smem:$0x3FB6];
	_ =	sdelay $0x3  }
0x37: {  	[smem:$0x3FB6] =	sst s10  }
0x38: {  	s10 =	sld [smem:$0x3FB7]  }
0x39: {  	_ = 	snop;
	(pc) =	sbr.ind lr, $3  }
0x3a: {  	_ = 	snop  }
0x3b: {  	_ = 	snop  }
0x3c: {  	p2 =	seq.s32 s10, $0x1;
	s10 =	sld [smem:$0x3FB6]  }
0x3d: {  	_ =	shalt  }
0x3e: {  	_ =	shalt  }
0x3f: {  	_ =	shalt  }
0x40: {  	_ =	shalt  }
0x41: {  	_ =	shalt  }
0x42: {  	_ =	shalt  }
0x43: {  	_ =	shalt  }
0x44: {  	_ =	shalt  }
0x45: {  	_ =	shalt  }
0x46: {  	_ =	shalt  }
0x47: {  	_ =	shalt  }
0x48: {  	_ =	shalt  }
0x49: {  	_ =	shalt  }
0x4a: {  	_ =	shalt  }
0x4b: {  	_ =	shalt  }
0x4c: {  	_ =	shalt  }
0x4d: {  	_ =	shalt  }
0x4e: {  	_ =	shalt  }
0x4f: {  	_ =	shalt  }
0x50: {  	_ =	shalt  }
0x51: {  	_ =	shalt  }
0x52: {  	_ =	shalt  }
0x53: {  	_ =	shalt  }
0x54: {  	_ =	shalt  }
0x55: {  	_ =	shalt  }
0x56: {  	_ =	shalt  }
0x57: {  	_ =	shalt  }
0x58: {  	_ =	shalt  }
0x59: {  	_ =	shalt  }
0x5a: {  	_ =	shalt  }
0x5b: {  	_ =	shalt  }
0x5c: {  	_ =	shalt  }
0x5d: {  	_ =	shalt  }
0x5e: {  	_ =	shalt  }
0x5f: {  	_ =	shalt  }
0x60: {  	_ =	shalt  }
0x61: {  	_ =	shalt  }
0x62: {  	_ =	shalt  }
0x63: {  	_ =	shalt  }
0x64: {  	_ =	shalt  }
0x65: {  	_ =	shalt  }
0x66: {  	_ =	shalt  }
0x67: {  	_ =	shalt  }
0x68: {  	_ =	shalt  }
0x69: {  	_ =	shalt  }
0x6a: {  	_ =	shalt  }
0x6b: {  	_ =	shalt  }
0x6c: {  	_ =	shalt  }
0x6d: {  	_ =	shalt  }
0x6e: {  	_ =	shalt  }
0x6f: {  	_ =	shalt  }
0x70: {  	_ =	shalt  }
0x71: {  	_ =	shalt  }
0x72: {  	_ =	shalt  }
0x73: {  	_ =	shalt  }
0x74: {  	_ =	shalt  }
0x75: {  	_ =	shalt  }
0x76: {  	_ =	shalt  }
0x77: {  	_ =	shalt  }
0x78: {  	_ =	shalt  }
0x79: {  	_ =	shalt  }
0x7a: {  	_ =	shalt  }
0x7b: {  	_ =	shalt  }
0x7c: {  	_ =	shalt  }
0x7d: {  	_ =	shalt  }
0x7e: {  	_ =	shalt  }
0x7f: {  	_ =	shalt  }
0x80: {  	_ =	shalt  }
0x81: {  	_ =	shalt  }
0x82: {  	_ =	shalt  }
0x83: {  	_ =	shalt  }
0x84: {  	_ =	shalt  }
0x85: {  	_ =	shalt  }
0x86: {  	_ =	shalt  }
0x87: {  	_ =	shalt  }
.Lfunc_end0:
.L_simem_size_0:
called_computation.1_lowered:
.L_overlay_start_0:
0x88: {  	s2 =	sld [smem:$0x3FD9]  }
0x89: {  	s3 =	sld [smem:$0x3FFE];
	_ =	sdelay $0x1  }
0x8a: {  	s1 =	srdreg.scid  }
0x8b: {  	s0 =	sand.u32 $0x1, s1  }
0x8c: {  	s17 =	sshll.u32 s0, $0xA;
	s2 =	sadd.s32 s3, s2  }
0x8d: {  	s2 =	sadd.s32 s2, s17  }
0x8e: {  	[smem:$0x3FC2] =	sst s2  }
0x8f: {  	_ = 	snop  }
0x90: {  	s2 =	sld [smem:$0x3FD0];
	(tm) =	ssettm $0x1  }
0x91: {  	s18 =	sld [smem:$0x3FFB];
	_ =	sdelay $0x3  }
0x92: {  	_ =	strace s18  }
0x93: {  	s3 =	sld [smem:$0x3FFC];
	_ =	sdelay $0x3  }
0x94: {  	_ =	strace s3  }
0x95: {  	s3 =	sld [smem:$0x3FFD];
	_ =	sdelay $0x3  }
0x96: {  	_ =	strace s3  }
0x97: {  	_ =	strace $0x8FFFFFFF  }
0x98: {  	s19 =	sld [smem:$0x3FDB];
	_ =	sdelay $0x1  }
0x99: {  	s4 =	simm.s32 $_scs_section_size  }
0x9a: {  	s5 =	simm.s32 $_size__tile_overlayer_lowered;
	s6 =	simm.s32 $_tile_overlayer_lowered  }
0x9b: {  	s22 =	simm.s32 $0x1BFF;
	s21 =	sshll.u32 s6, $0x1;
	s3 =	sadd.s32 s4, s19  }
0x9c: {  	s7 =	simm.s32 $0x0;
	s20 =	sshll.u32 s5, $0x1;
	s5 =	sadd.s32 s21, s3  }
0x9d: {  	[timem:s7], [sflag:s22] =	dma.local [hbm:s5], s20  }
0x9e: {  	_ =	swait.ge [sflag:s22], s20  }
0x9f: {  	s4 =	ssub.s32 $0x0, s20;
	[sflag:s22] =	ssyncset.done $0x0  }
0xa0: {  	[sflag:s22] =	ssyncadd.s32 s4;
	_ =	sdelay $0x1  }
0xa1: {  	s23 =	simm.s32 $0x1B8B  }
0xa2: {  	_ =	swait.ge [sflag:s23], $0x1  }
0xa3: {  	[sflag:s23] =	ssyncset.done $0x0  }
0xa4: {  	s25 =	simm.s32 $0x1B8E;
	s24 =	sld [smem:$0x3FFE];
	[sflag:s23] =	ssyncadd.s32 $0xFFFFFFFF  }
0xa5: {  	s26 =	simm.s32 $execute0_lowered;
	[smem:$0x3FD2] =	sst s25  }
0xa6: {  	s5 =	sshll.u32 s26, $0x1;
	_ =	strace $0x80000049;
	[dreg:$0x1] =	wrdreg $0xFFFFFFFF  }
0xa7: {  	s28 =	simm.s32 $_size_execute0_lowered;
	s3 =	sadd.s32 s3, s5;
	[dreg:$0x0] =	wrdreg $0x0  }
0xa8: {  	s5 =	sshll.u32 s28, $0x1;
	[dreg:$0x2] =	wrdreg s3  }
0xa9: {  	[dreg:$0x3] =	wrdreg s5  }
0xaa: {  	[dreg:$0x4] =	wrdreg $0xC0  }
0xab: {  	_ =	task [dreg:s7], $0x5FFFF  }
0xac: {  	[dreg:$0x1] =	wrdreg $0xFFFFFFFF  }
0xad: {  	[dreg:$0x0] =	wrdreg $0x60  }
0xae: {  	[dreg:$0x2] =	wrdreg s24  }
0xaf: {  	[dreg:$0x3] =	wrdreg s2  }
0xb0: {  	[dreg:$0x4] =	wrdreg $0x88000  }
0xb1: {  	[dreg:$0x5] =	wrdreg $0x9  }
0xb2: {  	_ =	task.clear_ibuf [dreg:s7], $0x6FFFF;
	_ =	strace $0x90000049  }
0xb3: {  	s29 =	simm.s32 $0x9;
	_ =	strace $0x8000004B  }
0xb4: {  	_ =	swait.ge [sflag:s29], $0x1  }
0xb5: {  	[sflag:s29] =	ssyncadd.s32 $0xFFFFFFFF  }
0xb6: {  	_ =	strace $0x9000004B  }
0xb7: {  	_ =	sfence  }
0xb8: {  	s30 =	sld [smem:$0x0];
	_ =	sdelay $0x2  }
0xb9: {  	s31 =	sshll.u32 s1, $0xD;
	s1 =	sshrl.u32 s1, $0x2  }
0xba: {  	s3 =	sand.u32 $0x4000, s31;
	s1 =	sadd.s32 s1, s30  }
0xbb: {  	s0 =	sor.u32 s3, s0;
	s1 =	sshll.u32 s1, $0x11  }
0xbc: {  	s0 =	sor.u32 s1, s0  }
0xbd: {  	s0 =	sadd.s32 $0x8F2B, s0  }
0xbe: {  	[sflag:s0] =	ssyncadd.remote.s32 $0x1  }
0xbf: {  	_ =	sfence.sel $0xFFFF  }
0xc0: {  	[dreg:$0x0] =	wrdreg $0xFFFFFFFF;
	(pc) =	sbr.abs _section_cstart, $3  }
0xc1: {  	[dreg:$0x1] =	wrdreg $0xFFFFFFFF  }
0xc2: {  	_ =	task.clear_ibuf [dreg:s7], $0x2FFFF;
	_ =	strace $0x9FFFFFFF  }
0xc3: {  	(tm) =	ssettm $0x7FFFFFFF  }
tec
execute0_lowered:
.L_overlay_start_1:
0x0: {  	(tag) =	ssettag $0x1  }
0x1: {  	s0 =	rddreg [dreg:$0x0]  }
0x2: {  	s1 =	rddreg [dreg:$0x1];
	s3 =	srdreg.scid  }
0x3: {  	s2 =	rddreg [dreg:$0x2];
	s9 =	stileid.u32;
	s13 =	simm.s32 $0x800  }
0x4: {  	s14 =	simm.s32 $0x3;
	s15 =	simm.s32 $0x400;
	s16 =	simm.s32 $0x80  }
0x5: {  	s17 =	simm.s32 $0x1;
	s18 =	simm.s32 $0x4800;
	s19 =	simm.s32 $0x480  }
0x6: {  	s20 =	simm.s32 $0x2;
	s21 =	simm.s32 $0x100;
	s5 =	smul.u32 $0x14000, s9  }
0x7: {  	s28 =	simm.s32 $0x280;
	s29 =	simm.s32 $0x680;
	s7 =	smul.u32 $0x50000, s9  }
0x8: {  	s30 =	simm.s32 $0x300;
	s6 =	sand.u32 $0x1, s3;
	s24 =	smul.u32 $0x500, s9  }
0x9: {  	s31 =	simm.s32 $0x700;
	s3 =	simm.s32 $0x0;
	s4 =	smul.u32 $0x140000, s6  }
0xa: {  	[smem:$0x7FF] =	sst s3;
	s8 =	ssub.s32 $0x2, s6;
	s6 =	smul.u32 $0x5000, s6  }
0xb: {  	_ =	strace $0x8000004A;
	s22 =	sshrl.u32 s8, $0x1;
	s7 =	sshrl.u32 s7, $0x2  }
0xc: {  	s5 =	sadd.s32 s5, s4;
	s4 =	sadd.s32 $0x2E00, s0;
	s8 =	ssub.s32 s8, s22  }
0xd: {  	s1 =	sadd.s32 s6, s1;
	s22 =	simm.s32 $0x500;
	s5 =	sshrl.u32 s5, $0x3  }
0xe: {  	s6 =	simm.s32 $0x0;
	s23 =	smax.u32 s8, $0x1;
	s0 =	sadd.s32 s5, s0  }
0xf: {  	s5 =	sadd.s32 s7, s2;
	[dreg:$0x5] =	wrdreg s23;
	s0 =	sadd.s32 $0x2AE00, s0  }
0x10: {  	s12 =	sadd.s32 s24, s1;
	s7 =	sadd.s32 $0x4000, s5;
	[dreg:$0x4] =	wrdreg s0  }
0x11: {  	s24 =	simm.s32 $0x580;
	s25 =	sadd.s32 $0x8000, s5;
	[dreg:$0x6] =	wrdreg s7  }
0x12: {  	s1 =	simm.s32 $0x780;
	s26 =	sadd.s32 $0xC000, s5;
	[dreg:$0x7] =	wrdreg s25  }
0x13: {  	s23 =	simm.s32 $0x180;
	s11 =	sadd.s32 $0x10000, s5;
	[dreg:$0x8] =	wrdreg s26  }
0x14: {  	v0 =	vimm.f32 $0.0e+00;
	s25 =	simm.s32 $0x200;
	s26 =	simm.s32 $0x600;
	s0 =	simm.s32 $0x380  }
.LBB2_1:
0x15: {  	s7 =	simm.s32 $0x0;
	s8 =	simm.s32 $0x200  }
.LBB2_2:
0x16: {  	p0 =	sne.s32 s8, $0xFE00;
	[tilespmem:s7+$0x870] =	vst v0  }
0x17: {  	[tilespmem:s7+$0x800] =	vst v0  }
0x18: {  	[tilespmem:s7+$0x810] =	vst v0  }
.Ltmp0:
0x19: {  	[tilespmem:s7+$0x820] =	vst v0;
	(pc) =	sbr.rel @p0 .LBB2_2-.Ltmp0, $4  }
0x1a: {  	[tilespmem:s7+$0x830] =	vst v0  }
0x1b: {  	[tilespmem:s7+$0x840] =	vst v0  }
0x1c: {  	[tilespmem:s7+$0x850] =	vst v0  }
0x1d: {  	[tilespmem:s7+$0x860] =	vst v0;
	s7 =	sshra.s32 s8, $0x2;
	s8 =	sadd.s32 $0x200, s8  }
0x1e: {  	[tilespmem:s7+$0x870] =	vst v0  }
0x1f: {  	[tilespmem:s7+$0x800] =	vst v0  }
0x20: {  	[tilespmem:s7+$0x810] =	vst v0  }
0x21: {  	[tilespmem:s7+$0x820] =	vst v0  }
0x22: {  	[tilespmem:s7+$0x830] =	vst v0  }
0x23: {  	[tilespmem:s7+$0x840] =	vst v0  }
0x24: {  	[tilespmem:s7+$0x850] =	vst v0  }
0x25: {  	[tilespmem:s7+$0x860] =	vst v0  }
0x26: {  	[spmem:s5] =	stream.linear.scatter [tilespmem:s13], [sflag:$0x3], $0x4000, $0x38;
	[tilespmem:$0x1C800] =	vst v63  }
0x27: {  	_ =	swait.ge [sflag:s14], $0x4000  }
0x28: {  	[sflag:s14] =	ssyncset.done $0x0  }
0x29: {  	s10 =	rddreg [dreg:$0x6];
	[sflag:s14] =	ssyncadd.s32 $0xFFFFC000  }
0x2a: {  	[spmem:s10] =	stream.linear.scatter [tilespmem:s13], [sflag:$0x3], $0x4000, $0x38;
	[tilespmem:$0x1C800] =	vst v63  }
0x2b: {  	_ =	swait.ge [sflag:s14], $0x4000  }
0x2c: {  	[sflag:s14] =	ssyncset.done $0x0  }
0x2d: {  	s8 =	rddreg [dreg:$0x7];
	[sflag:s14] =	ssyncadd.s32 $0xFFFFC000  }
0x2e: {  	[spmem:s8] =	stream.linear.scatter [tilespmem:s13], [sflag:$0x3], $0x4000, $0x38;
	[tilespmem:$0x1C800] =	vst v63  }
0x2f: {  	_ =	swait.ge [sflag:s14], $0x4000  }
0x30: {  	[sflag:s14] =	ssyncset.done $0x0  }
0x31: {  	s9 =	rddreg [dreg:$0x8];
	[sflag:s14] =	ssyncadd.s32 $0xFFFFC000  }
0x32: {  	[spmem:s9] =	stream.linear.scatter [tilespmem:s13], [sflag:$0x3], $0x4000, $0x38;
	[tilespmem:$0x1C800] =	vst v63  }
0x33: {  	_ =	swait.ge [sflag:s14], $0x4000  }
0x34: {  	[sflag:s14] =	ssyncset.done $0x0  }
0x35: {  	[sflag:s14] =	ssyncadd.s32 $0xFFFFC000  }
0x36: {  	[spmem:s11] =	stream.linear.scatter [tilespmem:s13], [sflag:$0x3], $0x4000, $0x38;
	[tilespmem:$0x1C800] =	vst v63  }
0x37: {  	_ =	swait.ge [sflag:s14], $0x4000  }
0x38: {  	[sflag:s14] =	ssyncset.done $0x0  }
0x39: {  	[sflag:s14] =	ssyncadd.s32 $0xFFFFC000  }
0x3a: {  	s10 =	sadd.s32 $0x0, s12;
	[bflag:$0x0] =	sbarrier.arrive $0xFFFF  }
0x3b: {  	[tilespmem:s3], [sflag:$0x3] =	stream.linear.gather [hbm4b:s10+s3], $0x400, $0x38;
	[tilespmem:$0x1C800] =	vst v63  }
0x3c: {  	_ =	swait.ge [sflag:s14], $0x400  }
0x3d: {  	[sflag:s14] =	ssyncset.done $0x0  }
0x3e: {  	s7 =	sadd.s32 $0xA000, s10;
	[sflag:s14] =	ssyncadd.s32 $0xFFFFFC00  }
0x3f: {  	[tilespmem:s15], [sflag:$0x3] =	stream.linear.gather [hbm4b:s7+s3], $0x400, $0x38;
	[tilespmem:$0x1C800] =	vst v63  }
0x40: {  	_ =	swait.ge [sflag:s14], $0x400  }
0x41: {  	[sflag:s14] =	ssyncset.done $0x0  }
0x42: {  	[sflag:s14] =	ssyncadd.s32 $0xFFFFFC00  }
0x43: {  	[tilespmem:s13], [sflag:$0x1] =	stream.indirect.gather [hbm4b:s4+s16], $0x80, s3, s16, $0xb8;
	[tilespmem:$0x1C800] =	vst v63  }
0x44: {  	_ =	swait.ge [sflag:s17], $0x4000  }
0x45: {  	[sflag:s17] =	ssyncset.done $0x0  }
0x46: {  	[sflag:s17] =	ssyncadd.s32 $0xFFFFC000  }
0x47: {  	[spmem:s2] =	stream.indirect.scatter.add.f32 [tilespmem:s13], [sflag:$0x2], $0x80, s15, s16, $0xb8;
	[tilespmem:$0x1C800] =	vst v63  }
0x48: {  	_ = 	snop  }
0x49: {  	[tilespmem:s18], [sflag:$0x1] =	stream.indirect.gather [hbm4b:s4+s16], $0x80, s16, s16, $0xb8;
	[tilespmem:$0x1C800] =	vst v63  }
0x4a: {  	_ =	swait.ge [sflag:s17], $0x4000  }
0x4b: {  	[sflag:s17] =	ssyncset.done $0x0  }
0x4c: {  	[sflag:s17] =	ssyncadd.s32 $0xFFFFC000  }
0x4d: {  	[spmem:s2] =	stream.indirect.scatter.add.f32 [tilespmem:s18], [sflag:$0x2], $0x80, s19, s16, $0xb8;
	[tilespmem:$0x1C800] =	vst v63  }
0x4e: {  	_ =	swait.ge [sflag:s20], $0x4000  }
0x4f: {  	[sflag:s20] =	ssyncset.done $0x0  }
0x50: {  	[sflag:s20] =	ssyncadd.s32 $0xFFFFC000  }
0x51: {  	[tilespmem:s13], [sflag:$0x1] =	stream.indirect.gather [hbm4b:s4+s16], $0x80, s21, s16, $0xb8;
	[tilespmem:$0x1C800] =	vst v63  }
0x52: {  	_ =	swait.ge [sflag:s17], $0x4000  }
0x53: {  	[sflag:s17] =	ssyncset.done $0x0  }
0x54: {  	[sflag:s17] =	ssyncadd.s32 $0xFFFFC000  }
0x55: {  	[spmem:s2] =	stream.indirect.scatter.add.f32 [tilespmem:s13], [sflag:$0x2], $0x80, s22, s16, $0xb8;
	[tilespmem:$0x1C800] =	vst v63  }
0x56: {  	_ =	swait.ge [sflag:s20], $0x4000  }
0x57: {  	[sflag:s20] =	ssyncset.done $0x0  }
0x58: {  	[sflag:s20] =	ssyncadd.s32 $0xFFFFC000  }
0x59: {  	[tilespmem:s18], [sflag:$0x1] =	stream.indirect.gather [hbm4b:s4+s16], $0x80, s23, s16, $0xb8;
	[tilespmem:$0x1C800] =	vst v63  }
0x5a: {  	_ =	swait.ge [sflag:s17], $0x4000  }
0x5b: {  	[sflag:s17] =	ssyncset.done $0x0  }
0x5c: {  	[sflag:s17] =	ssyncadd.s32 $0xFFFFC000  }
0x5d: {  	[spmem:s2] =	stream.indirect.scatter.add.f32 [tilespmem:s18], [sflag:$0x2], $0x80, s24, s16, $0xb8;
	[tilespmem:$0x1C800] =	vst v63  }
0x5e: {  	_ =	swait.ge [sflag:s20], $0x4000  }
0x5f: {  	[sflag:s20] =	ssyncset.done $0x0  }
0x60: {  	[sflag:s20] =	ssyncadd.s32 $0xFFFFC000  }
0x61: {  	[tilespmem:s13], [sflag:$0x1] =	stream.indirect.gather [hbm4b:s4+s16], $0x80, s25, s16, $0xb8;
	[tilespmem:$0x1C800] =	vst v63  }
0x62: {  	_ =	swait.ge [sflag:s17], $0x4000  }
0x63: {  	[sflag:s17] =	ssyncset.done $0x0  }
0x64: {  	[sflag:s17] =	ssyncadd.s32 $0xFFFFC000  }
0x65: {  	[spmem:s2] =	stream.indirect.scatter.add.f32 [tilespmem:s13], [sflag:$0x2], $0x80, s26, s16, $0xb8;
	[tilespmem:$0x1C800] =	vst v63  }
0x66: {  	_ =	swait.ge [sflag:s20], $0x4000  }
0x67: {  	[sflag:s20] =	ssyncset.done $0x0  }
0x68: {  	[sflag:s20] =	ssyncadd.s32 $0xFFFFC000  }
0x69: {  	[tilespmem:s18], [sflag:$0x1] =	stream.indirect.gather [hbm4b:s4+s16], $0x80, s28, s16, $0xb8;
	[tilespmem:$0x1C800] =	vst v63  }
0x6a: {  	_ =	swait.ge [sflag:s17], $0x4000  }
0x6b: {  	[sflag:s17] =	ssyncset.done $0x0  }
0x6c: {  	[sflag:s17] =	ssyncadd.s32 $0xFFFFC000  }
0x6d: {  	[spmem:s2] =	stream.indirect.scatter.add.f32 [tilespmem:s18], [sflag:$0x2], $0x80, s29, s16, $0xb8;
	[tilespmem:$0x1C800] =	vst v63  }
0x6e: {  	_ =	swait.ge [sflag:s20], $0x4000  }
0x6f: {  	[sflag:s20] =	ssyncset.done $0x0  }
0x70: {  	[sflag:s20] =	ssyncadd.s32 $0xFFFFC000  }
0x71: {  	[tilespmem:s13], [sflag:$0x1] =	stream.indirect.gather [hbm4b:s4+s16], $0x80, s30, s16, $0xb8;
	[tilespmem:$0x1C800] =	vst v63  }
0x72: {  	_ =	swait.ge [sflag:s17], $0x4000  }
0x73: {  	[sflag:s17] =	ssyncset.done $0x0  }
0x74: {  	[sflag:s17] =	ssyncadd.s32 $0xFFFFC000  }
0x75: {  	[spmem:s2] =	stream.indirect.scatter.add.f32 [tilespmem:s13], [sflag:$0x2], $0x80, s31, s16, $0xb8;
	[tilespmem:$0x1C800] =	vst v63  }
0x76: {  	_ =	swait.ge [sflag:s20], $0x4000  }
0x77: {  	[sflag:s20] =	ssyncset.done $0x0  }
0x78: {  	[sflag:s20] =	ssyncadd.s32 $0xFFFFC000  }
0x79: {  	[tilespmem:s18], [sflag:$0x1] =	stream.indirect.gather [hbm4b:s4+s16], $0x80, s0, s16, $0xb8;
	[tilespmem:$0x1C800] =	vst v63  }
0x7a: {  	_ =	swait.ge [sflag:s17], $0x4000  }
0x7b: {  	[sflag:s17] =	ssyncset.done $0x0  }
0x7c: {  	[sflag:s17] =	ssyncadd.s32 $0xFFFFC000  }
0x7d: {  	[spmem:s2] =	stream.indirect.scatter.add.f32 [tilespmem:s18], [sflag:$0x2], $0x80, s1, s16, $0xb8;
	[tilespmem:$0x1C800] =	vst v63  }
0x7e: {  	_ =	swait.ge [sflag:s20], $0x4000  }
0x7f: {  	[sflag:s20] =	ssyncset.done $0x0  }
0x80: {  	[sflag:s20] =	ssyncadd.s32 $0xFFFFC000  }
0x81: {  	_ =	swait.ge [sflag:s20], $0x4000  }
0x82: {  	s8 =	simm.s32 $0x100;
	s7 =	simm.s32 $0x80;
	[sflag:s20] =	ssyncset.done $0x0  }
.LBB2_4:
0x83: {  	s10 =	sadd.s32 s7, s12  }
0x84: {  	[sflag:s20] =	ssyncadd.s32 $0xFFFFC000;
	s7 =	smov.u32 s8;
	s9 =	sadd.s32 $0x80, s8  }
0x85: {  	[tilespmem:s3], [sflag:$0x3] =	stream.linear.gather [hbm4b:s10+s3], $0x400, $0x38;
	[tilespmem:$0x1C800] =	vst v63  }
0x86: {  	p0 =	sne.s32 s8, $0x480;
	_ =	swait.ge [sflag:s14], $0x400  }
0x87: {  	[sflag:s14] =	ssyncset.done $0x0  }
0x88: {  	s8 =	sadd.s32 $0xA000, s10;
	[sflag:s14] =	ssyncadd.s32 $0xFFFFFC00  }
0x89: {  	[tilespmem:s15], [sflag:$0x3] =	stream.linear.gather [hbm4b:s8+s3], $0x400, $0x38;
	[tilespmem:$0x1C800] =	vst v63  }
0x8a: {  	_ =	swait.ge [sflag:s14], $0x400  }
0x8b: {  	[sflag:s14] =	ssyncset.done $0x0  }
0x8c: {  	[sflag:s14] =	ssyncadd.s32 $0xFFFFFC00  }
0x8d: {  	[tilespmem:s13], [sflag:$0x1] =	stream.indirect.gather [hbm4b:s4+s16], $0x80, s3, s16, $0xb8;
	[tilespmem:$0x1C800] =	vst v63  }
0x8e: {  	_ =	swait.ge [sflag:s17], $0x4000  }
0x8f: {  	[sflag:s17] =	ssyncset.done $0x0  }
0x90: {  	[sflag:s17] =	ssyncadd.s32 $0xFFFFC000  }
0x91: {  	[spmem:s2] =	stream.indirect.scatter.add.f32 [tilespmem:s13], [sflag:$0x2], $0x80, s15, s16, $0xb8;
	[tilespmem:$0x1C800] =	vst v63  }
0x92: {  	_ = 	snop  }
0x93: {  	[tilespmem:s18], [sflag:$0x1] =	stream.indirect.gather [hbm4b:s4+s16], $0x80, s16, s16, $0xb8;
	[tilespmem:$0x1C800] =	vst v63  }
0x94: {  	_ =	swait.ge [sflag:s17], $0x4000  }
0x95: {  	[sflag:s17] =	ssyncset.done $0x0  }
0x96: {  	[sflag:s17] =	ssyncadd.s32 $0xFFFFC000  }
0x97: {  	[spmem:s2] =	stream.indirect.scatter.add.f32 [tilespmem:s18], [sflag:$0x2], $0x80, s19, s16, $0xb8;
	[tilespmem:$0x1C800] =	vst v63  }
0x98: {  	_ =	swait.ge [sflag:s20], $0x4000  }
0x99: {  	[sflag:s20] =	ssyncset.done $0x0  }
0x9a: {  	[sflag:s20] =	ssyncadd.s32 $0xFFFFC000  }
0x9b: {  	[tilespmem:s13], [sflag:$0x1] =	stream.indirect.gather [hbm4b:s4+s16], $0x80, s21, s16, $0xb8;
	[tilespmem:$0x1C800] =	vst v63  }
0x9c: {  	_ =	swait.ge [sflag:s17], $0x4000  }
0x9d: {  	[sflag:s17] =	ssyncset.done $0x0  }
0x9e: {  	[sflag:s17] =	ssyncadd.s32 $0xFFFFC000  }
0x9f: {  	[spmem:s2] =	stream.indirect.scatter.add.f32 [tilespmem:s13], [sflag:$0x2], $0x80, s22, s16, $0xb8;
	[tilespmem:$0x1C800] =	vst v63  }
0xa0: {  	_ =	swait.ge [sflag:s20], $0x4000  }
0xa1: {  	[sflag:s20] =	ssyncset.done $0x0  }
0xa2: {  	[sflag:s20] =	ssyncadd.s32 $0xFFFFC000  }
0xa3: {  	[tilespmem:s18], [sflag:$0x1] =	stream.indirect.gather [hbm4b:s4+s16], $0x80, s23, s16, $0xb8;
	[tilespmem:$0x1C800] =	vst v63  }
0xa4: {  	_ =	swait.ge [sflag:s17], $0x4000  }
0xa5: {  	[sflag:s17] =	ssyncset.done $0x0  }
0xa6: {  	[sflag:s17] =	ssyncadd.s32 $0xFFFFC000  }
0xa7: {  	[spmem:s2] =	stream.indirect.scatter.add.f32 [tilespmem:s18], [sflag:$0x2], $0x80, s24, s16, $0xb8;
	[tilespmem:$0x1C800] =	vst v63  }
0xa8: {  	_ =	swait.ge [sflag:s20], $0x4000  }
0xa9: {  	[sflag:s20] =	ssyncset.done $0x0  }
0xaa: {  	[sflag:s20] =	ssyncadd.s32 $0xFFFFC000  }
0xab: {  	[tilespmem:s13], [sflag:$0x1] =	stream.indirect.gather [hbm4b:s4+s16], $0x80, s25, s16, $0xb8;
	[tilespmem:$0x1C800] =	vst v63  }
0xac: {  	_ =	swait.ge [sflag:s17], $0x4000  }
0xad: {  	[sflag:s17] =	ssyncset.done $0x0  }
0xae: {  	[sflag:s17] =	ssyncadd.s32 $0xFFFFC000  }
0xaf: {  	[spmem:s2] =	stream.indirect.scatter.add.f32 [tilespmem:s13], [sflag:$0x2], $0x80, s26, s16, $0xb8;
	[tilespmem:$0x1C800] =	vst v63  }
0xb0: {  	_ =	swait.ge [sflag:s20], $0x4000  }
0xb1: {  	[sflag:s20] =	ssyncset.done $0x0  }
0xb2: {  	[sflag:s20] =	ssyncadd.s32 $0xFFFFC000  }
0xb3: {  	[tilespmem:s18], [sflag:$0x1] =	stream.indirect.gather [hbm4b:s4+s16], $0x80, s28, s16, $0xb8;
	[tilespmem:$0x1C800] =	vst v63  }
0xb4: {  	_ =	swait.ge [sflag:s17], $0x4000  }
0xb5: {  	[sflag:s17] =	ssyncset.done $0x0  }
0xb6: {  	[sflag:s17] =	ssyncadd.s32 $0xFFFFC000  }
0xb7: {  	[spmem:s2] =	stream.indirect.scatter.add.f32 [tilespmem:s18], [sflag:$0x2], $0x80, s29, s16, $0xb8;
	[tilespmem:$0x1C800] =	vst v63  }
0xb8: {  	_ =	swait.ge [sflag:s20], $0x4000  }
0xb9: {  	[sflag:s20] =	ssyncset.done $0x0  }
0xba: {  	[sflag:s20] =	ssyncadd.s32 $0xFFFFC000  }
0xbb: {  	[tilespmem:s13], [sflag:$0x1] =	stream.indirect.gather [hbm4b:s4+s16], $0x80, s30, s16, $0xb8;
	[tilespmem:$0x1C800] =	vst v63  }
0xbc: {  	_ =	swait.ge [sflag:s17], $0x4000  }
0xbd: {  	[sflag:s17] =	ssyncset.done $0x0  }
0xbe: {  	[sflag:s17] =	ssyncadd.s32 $0xFFFFC000  }
0xbf: {  	[spmem:s2] =	stream.indirect.scatter.add.f32 [tilespmem:s13], [sflag:$0x2], $0x80, s31, s16, $0xb8;
	[tilespmem:$0x1C800] =	vst v63  }
0xc0: {  	_ =	swait.ge [sflag:s20], $0x4000  }
0xc1: {  	[sflag:s20] =	ssyncset.done $0x0  }
0xc2: {  	[sflag:s20] =	ssyncadd.s32 $0xFFFFC000  }
0xc3: {  	[tilespmem:s18], [sflag:$0x1] =	stream.indirect.gather [hbm4b:s4+s16], $0x80, s0, s16, $0xb8;
	[tilespmem:$0x1C800] =	vst v63  }
0xc4: {  	_ =	swait.ge [sflag:s17], $0x4000  }
0xc5: {  	[sflag:s17] =	ssyncset.done $0x0  }
0xc6: {  	[sflag:s17] =	ssyncadd.s32 $0xFFFFC000  }
0xc7: {  	[spmem:s2] =	stream.indirect.scatter.add.f32 [tilespmem:s18], [sflag:$0x2], $0x80, s1, s16, $0xb8;
	[tilespmem:$0x1C800] =	vst v63  }
.Ltmp1:
0xc8: {  	_ =	swait.ge [sflag:s20], $0x4000;
	(pc) =	sbr.rel @p0 .LBB2_4-.Ltmp1, $4  }
0xc9: {  	[sflag:s20] =	ssyncset.done $0x0  }
0xca: {  	[sflag:s20] =	ssyncadd.s32 $0xFFFFC000  }
0xcb: {  	_ =	swait.ge [sflag:s20], $0x4000  }
0xcc: {  	s8 =	smov.u32 s9;
	[sflag:s20] =	ssyncset.done $0x0  }
0xcd: {  	s7 =	sadd.s32 s7, s12;
	[sflag:s20] =	ssyncadd.s32 $0xFFFFC000  }
0xce: {  	[tilespmem:s3], [sflag:$0x3] =	stream.linear.gather [hbm4b:s7+s3], $0x400, $0x38;
	[tilespmem:$0x1C800] =	vst v63  }
0xcf: {  	_ =	swait.ge [sflag:s14], $0x400  }
0xd0: {  	[sflag:s14] =	ssyncset.done $0x0  }
0xd1: {  	s7 =	sadd.s32 $0xA000, s7;
	[sflag:s14] =	ssyncadd.s32 $0xFFFFFC00  }
0xd2: {  	[tilespmem:s15], [sflag:$0x3] =	stream.linear.gather [hbm4b:s7+s3], $0x400, $0x38;
	[tilespmem:$0x1C800] =	vst v63  }
0xd3: {  	_ =	swait.ge [sflag:s14], $0x400  }
0xd4: {  	[sflag:s14] =	ssyncset.done $0x0  }
0xd5: {  	[sflag:s14] =	ssyncadd.s32 $0xFFFFFC00  }
0xd6: {  	[tilespmem:s13], [sflag:$0x1] =	stream.indirect.gather [hbm4b:s4+s16], $0x80, s3, s16, $0xb8;
	[tilespmem:$0x1C800] =	vst v63  }
0xd7: {  	_ =	swait.ge [sflag:s17], $0x4000  }
0xd8: {  	[sflag:s17] =	ssyncset.done $0x0  }
0xd9: {  	[sflag:s17] =	ssyncadd.s32 $0xFFFFC000  }
0xda: {  	[spmem:s2] =	stream.indirect.scatter.add.f32 [tilespmem:s13], [sflag:$0x2], $0x80, s15, s16, $0xb8;
	[tilespmem:$0x1C800] =	vst v63  }
0xdb: {  	_ = 	snop  }
0xdc: {  	[tilespmem:s18], [sflag:$0x1] =	stream.indirect.gather [hbm4b:s4+s16], $0x80, s16, s16, $0xb8;
	[tilespmem:$0x1C800] =	vst v63  }
0xdd: {  	_ =	swait.ge [sflag:s17], $0x4000  }
0xde: {  	[sflag:s17] =	ssyncset.done $0x0  }
0xdf: {  	[sflag:s17] =	ssyncadd.s32 $0xFFFFC000  }
0xe0: {  	[spmem:s2] =	stream.indirect.scatter.add.f32 [tilespmem:s18], [sflag:$0x2], $0x80, s19, s16, $0xb8;
	[tilespmem:$0x1C800] =	vst v63  }
0xe1: {  	_ =	swait.ge [sflag:s20], $0x4000  }
0xe2: {  	[sflag:s20] =	ssyncset.done $0x0  }
0xe3: {  	[sflag:s20] =	ssyncadd.s32 $0xFFFFC000  }
0xe4: {  	[tilespmem:s13], [sflag:$0x1] =	stream.indirect.gather [hbm4b:s4+s16], $0x80, s21, s16, $0xb8;
	[tilespmem:$0x1C800] =	vst v63  }
0xe5: {  	_ =	swait.ge [sflag:s17], $0x4000  }
0xe6: {  	[sflag:s17] =	ssyncset.done $0x0  }
0xe7: {  	[sflag:s17] =	ssyncadd.s32 $0xFFFFC000  }
0xe8: {  	[spmem:s2] =	stream.indirect.scatter.add.f32 [tilespmem:s13], [sflag:$0x2], $0x80, s22, s16, $0xb8;
	[tilespmem:$0x1C800] =	vst v63  }
0xe9: {  	_ =	swait.ge [sflag:s20], $0x4000  }
0xea: {  	[sflag:s20] =	ssyncset.done $0x0  }
0xeb: {  	[sflag:s20] =	ssyncadd.s32 $0xFFFFC000  }
0xec: {  	[tilespmem:s18], [sflag:$0x1] =	stream.indirect.gather [hbm4b:s4+s16], $0x80, s23, s16, $0xb8;
	[tilespmem:$0x1C800] =	vst v63  }
0xed: {  	_ =	swait.ge [sflag:s17], $0x4000  }
0xee: {  	[sflag:s17] =	ssyncset.done $0x0  }
0xef: {  	[sflag:s17] =	ssyncadd.s32 $0xFFFFC000  }
0xf0: {  	[spmem:s2] =	stream.indirect.scatter.add.f32 [tilespmem:s18], [sflag:$0x2], $0x80, s24, s16, $0xb8;
	[tilespmem:$0x1C800] =	vst v63  }
0xf1: {  	_ =	swait.ge [sflag:s20], $0x4000  }
0xf2: {  	[sflag:s20] =	ssyncset.done $0x0  }
0xf3: {  	[sflag:s20] =	ssyncadd.s32 $0xFFFFC000  }
0xf4: {  	[tilespmem:s13], [sflag:$0x1] =	stream.indirect.gather [hbm4b:s4+s16], $0x80, s25, s16, $0xb8;
	[tilespmem:$0x1C800] =	vst v63  }
0xf5: {  	_ =	swait.ge [sflag:s17], $0x4000  }
0xf6: {  	[sflag:s17] =	ssyncset.done $0x0  }
0xf7: {  	[sflag:s17] =	ssyncadd.s32 $0xFFFFC000  }
0xf8: {  	[spmem:s2] =	stream.indirect.scatter.add.f32 [tilespmem:s13], [sflag:$0x2], $0x80, s26, s16, $0xb8;
	[tilespmem:$0x1C800] =	vst v63  }
0xf9: {  	_ =	swait.ge [sflag:s20], $0x4000  }
0xfa: {  	[sflag:s20] =	ssyncset.done $0x0  }
0xfb: {  	[sflag:s20] =	ssyncadd.s32 $0xFFFFC000  }
0xfc: {  	[tilespmem:s18], [sflag:$0x1] =	stream.indirect.gather [hbm4b:s4+s16], $0x80, s28, s16, $0xb8;
	[tilespmem:$0x1C800] =	vst v63  }
0xfd: {  	_ =	swait.ge [sflag:s17], $0x4000  }
0xfe: {  	[sflag:s17] =	ssyncset.done $0x0  }
0xff: {  	[sflag:s17] =	ssyncadd.s32 $0xFFFFC000  }
0x100: {  	[spmem:s2] =	stream.indirect.scatter.add.f32 [tilespmem:s18], [sflag:$0x2], $0x80, s29, s16, $0xb8;
	[tilespmem:$0x1C800] =	vst v63  }
0x101: {  	_ =	swait.ge [sflag:s20], $0x4000  }
0x102: {  	[sflag:s20] =	ssyncset.done $0x0  }
0x103: {  	[sflag:s20] =	ssyncadd.s32 $0xFFFFC000  }
0x104: {  	[tilespmem:s13], [sflag:$0x1] =	stream.indirect.gather [hbm4b:s4+s16], $0x80, s30, s16, $0xb8;
	[tilespmem:$0x1C800] =	vst v63  }
0x105: {  	_ =	swait.ge [sflag:s17], $0x4000  }
0x106: {  	[sflag:s17] =	ssyncset.done $0x0  }
0x107: {  	[sflag:s17] =	ssyncadd.s32 $0xFFFFC000  }
0x108: {  	[spmem:s2] =	stream.indirect.scatter.add.f32 [tilespmem:s13], [sflag:$0x2], $0x80, s31, s16, $0xb8;
	[tilespmem:$0x1C800] =	vst v63  }
0x109: {  	_ =	swait.ge [sflag:s20], $0x4000  }
0x10a: {  	[sflag:s20] =	ssyncset.done $0x0  }
0x10b: {  	[sflag:s20] =	ssyncadd.s32 $0xFFFFC000  }
0x10c: {  	[tilespmem:s18], [sflag:$0x1] =	stream.indirect.gather [hbm4b:s4+s16], $0x80, s0, s16, $0xb8;
	[tilespmem:$0x1C800] =	vst v63  }
0x10d: {  	_ =	swait.ge [sflag:s17], $0x4000  }
0x10e: {  	[sflag:s17] =	ssyncset.done $0x0  }
0x10f: {  	[sflag:s17] =	ssyncadd.s32 $0xFFFFC000  }
0x110: {  	[spmem:s2] =	stream.indirect.scatter.add.f32 [tilespmem:s18], [sflag:$0x2], $0x80, s1, s16, $0xb8;
	[tilespmem:$0x1C800] =	vst v63  }
0x111: {  	_ =	swait.ge [sflag:s20], $0x4000  }
0x112: {  	[sflag:s20] =	ssyncset.done $0x0  }
0x113: {  	[sflag:s20] =	ssyncadd.s32 $0xFFFFC000  }
0x114: {  	_ =	swait.ge [sflag:s20], $0x4000  }
0x115: {  	[sflag:s20] =	ssyncset.done $0x0  }
0x116: {  	s9 =	stileid.u32;
	[sflag:s20] =	ssyncadd.s32 $0xFFFFC000  }
0x117: {  	s7 =	sshll.u32 s9, $0x6;
	[bflag:$0x0] =	sbarrier.arrive $0xFFFF  }
0x118: {  	s8 =	sshrl.u32 s5, $0x3;
	s7 =	sor.u32 $0x1C03, s7;
	s9 =	rddreg [dreg:$0x4]  }
0x119: {  	[hbm:s9], [sflag:s7] =	dma.local [spmem:s8], $0x2800  }
0x11a: {  	_ =	swait.ge [sflag:s14], $0x2800  }
0x11b: {  	s6 =	sadd.s32 $0x1, s6;
	s10 =	rddreg [dreg:$0x5]  }
0x11c: {  	p0 =	sne.s32 s6, s10  }
.Ltmp2:
0x11d: {  	_ = 	snop;
	(pc) =	sbr.rel @p0 .LBB2_1-.Ltmp2, $3  }
0x11e: {  	_ =	sdelay $0x1  }
0x11f: {  	[sflag:s14] =	ssyncset.done $0x0  }
0x120: {  	[sflag:s14] =	ssyncadd.s32 $0xFFFFD800  }
0x121: {  	_ =	sfence.sel $0x180000  }
0x122: {  	[bflag:$0x0] =	sbarrier.arrive $0xFFFF  }
0x123: {  	_ =	strace $0x9000004A  }
0x124: {  	s0 =	stileid.u32;
	[bflag:$0x2] =	sbarrier.arrive $0xFFFF  }
0x125: {  	p0 =	sne.s32 s0, $0x0;
	s0 =	rddreg [dreg:$0x3]  }
0x126: {  	s0 =	sadd.s32 @!p0 $0x100000, s0  }
0x127: {  	[sflag:s0] =	ssyncadd.tile.s32 @!p0 $0x1;
	_ =	shalt  }
.Lfunc_end2:
_tile_overlayer_lowered:
.L_overlay_start_2:
0x128: {  	(tag) =	ssettag $0x2  }
0x129: {  	s0 =	rddreg [dreg:$0x0];
	s2 =	stileid.u32  }
0x12a: {  	s1 =	rddreg [dreg:$0x1];
	p0 =	sne.s32 s2, $0x0  }
0x12b: {  	s3 =	rddreg [dreg:$0x2];
	[bflag:$0x3] =	sbarrier.arrive $0xFFFF;
	s2 =	simm.s32 @!p0 $0x1C03  }
0x12c: {  	[timem:s3], [sflag:s2] =	dma.local @!p0 [hbm:s0], s1  }
0x12d: {  	s0 =	simm.s32 @!p0 $0x3  }
0x12e: {  	_ =	swait.ge @!p0 [sflag:s0], s1  }
0x12f: {  	s1 =	ssub.s32 @!p0 $0x0, s1;
	[sflag:s0] =	ssyncset.done @!p0 $0x0  }
0x130: {  	[sflag:s0] =	ssyncadd.s32 @!p0 s1  }
0x131: {  	[bflag:$0x3] =	sbarrier.arrive $0xFFFF  }
0x132: {  	_ =	shalt  }

// kernel: kernel.14.cloned.1.call-start
scs
__scs_entry_jumppad:
0x0: {  	(pc) =	sbr.rel $0x88, $3  }
0x1: {  	(tag) =	ssettag $0x0;
	lr =	simm.s32 $0x1  }
0x2: {  	[smem:$0x3F9B] =	sst lr;
	_ =	strace $0xD0000000  }
0x3: {  	_ = 	snop  }
0x4: {  	_ = 	snop  }
0x5: {  	_ = 	snop  }
0x6: {  	_ = 	snop  }
0x7: {  	_ = 	snop  }
__scs_overlays_trampoline_lowered:
0x8: {  	[smem:$0x3FAA] =	sst s0  }
0x9: {  	[smem:$0x3FAB] =	sst s1  }
0xa: {  	[smem:$0x3FAC] =	sst s2  }
0xb: {  	[smem:$0x3FAD] =	sst s3  }
0xc: {  	[smem:$0x3FAE] =	sst s4  }
0xd: {  	[smem:$0x3FAF] =	sst s5  }
0xe: {  	[smem:$0x3FB0] =	sst s6  }
0xf: {  	[smem:$0x3FB1] =	sst s7  }
0x10: {  	[smem:$0x3FB2] =	sst s8  }
0x11: {  	[smem:$0x3FB3] =	sst s9;
	s0 =	simm.s32 @!p0 $0x0  }
0x12: {  	s1 =	sld [smem:$0x3F99];
	s0 =	simm.s32 @p0 $0x1  }
0x13: {  	[smem:$0x3FB4] =	sst s0;
	s0 =	simm.s32 @!p1 $0x0  }
0x14: {  	s2 =	sld [smem:$0x3F98];
	s0 =	simm.s32 @p1 $0x1  }
0x15: {  	[smem:$0x3FB5] =	sst s0;
	s0 =	simm.s32 @!p2 $0x0  }
0x16: {  	s3 =	sld [smem:$0x3FDB];
	s0 =	simm.s32 @p2 $0x1  }
0x17: {  	s4 =	simm.s32 $0x1BF5;
	[smem:$0x3FB7] =	sst s0  }
0x18: {  	s0 =	sld [smem:$0x3F9A];
	_ =	swait.ge [sflag:s4], $0x0  }
0x19: {  	s7 =	sld [smem:$0x3F9B]  }
0x1a: {  	s8 =	sadd.s32 $0xFFFFE003, lr  }
0x1b: {  	s9 =	sadd.s32 $0xFFFFFEF7, lr;
	s5 =	simm.s32 $0xFFFFFFFF;
	p2 =	slt.u32 s8, $0xFFFFF086  }
0x1c: {  	p1 =	slt.u32 s9, $0xF7A;
	s5 =	simm.s32 @!p2 $0x0  }
0x1d: {  	s5 =	simm.s32 @p1 $0x1;
	p0 =	seq.s32 s7, s2  }
0x1e: {  	s7 =	smul.u32 @!p0 $0xF7A, s2;
	p2 =	seq.s32 @!p0 s5, $0x0  }
0x1f: {  	s9 =	smul.u32 $0xF7A, s1;
	s8 =	simm.s32 @!p0 $0x1BF5;
	p2 =	por !p2, p0  }
0x20: {  	[sflag:s8] =	ssyncset.s32 @!p0 $0xFFFFF086;
	s6 =	sadd.s32 @!p0 s3, s7;
	s7 =	simm.s32 @!p0 $0x108  }
0x21: {  	s3 =	sadd.s32 s3, s9;
	s6 =	sadd.s32 @!p0 $0x88, s6;
	s7 =	simm.s32 @p2 $0x1082  }
0x22: {  	[simem:s7], [sflag:s8] =	dma.local @!p0 [hbm:s6], $0xF7A  }
0x23: {  	s9 =	sor.u32 $0xD0000000, s2;
	s6 =	simm.s32 $0x108;
	_ =	swait.ge @!p0 [sflag:s8], $0x0  }
0x24: {  	s3 =	sadd.s32 $0x88, s3;
	s6 =	simm.s32 @!p1 $0x1082;
	[sflag:s4] =	ssyncset.s32 $0xFFFFF086  }
0x25: {  	[simem:s6], [sflag:s4] =	dma.local [hbm:s3], $0xF7A  }
0x26: {  	[smem:$0x3F9B] =	sst s1;
	(tag) =	ssettag s2;
	_ =	strace s9  }
0x27: {  	s1 =	sld [smem:$0x3FAB]  }
0x28: {  	s2 =	sld [smem:$0x3FAC]  }
0x29: {  	s4 =	sld [smem:$0x3FAE]  }
0x2a: {  	p0 =	seq.s32 s5, $0x0;
	s5 =	sld [smem:$0x3FAF]  }
0x2b: {  	s6 =	sld [smem:$0x3FB0]  }
0x2c: {  	s7 =	sld [smem:$0x3FB1]  }
0x2d: {  	s3 =	simm.s32 $0x108;
	s8 =	sld [smem:$0x3FB2]  }
0x2e: {  	s3 =	simm.s32 @!p0 $0x1082;
	s9 =	sld [smem:$0x3FB3]  }
0x2f: {  	lr =	sadd.s32 s0, s3;
	s0 =	sld [smem:$0x3FAA]  }
0x30: {  	s3 =	sld [smem:$0x3FAD]  }
0x31: {  	[smem:$0x3FB6] =	sst s10  }
0x32: {  	s10 =	sld [smem:$0x3FB4];
	_ =	sdelay $0x3  }
0x33: {  	p0 =	seq.s32 s10, $0x1;
	s10 =	sld [smem:$0x3FB6];
	_ =	sdelay $0x3  }
0x34: {  	[smem:$0x3FB6] =	sst s10  }
0x35: {  	s10 =	sld [smem:$0x3FB5];
	_ =	sdelay $0x3  }
0x36: {  	p1 =	seq.s32 s10, $0x1;
	s10 =	sld [smem:$0x3FB6];
	_ =	sdelay $0x3  }
0x37: {  	[smem:$0x3FB6] =	sst s10  }
0x38: {  	s10 =	sld [smem:$0x3FB7]  }
0x39: {  	_ = 	snop;
	(pc) =	sbr.ind lr, $3  }
0x3a: {  	_ = 	snop  }
0x3b: {  	_ = 	snop  }
0x3c: {  	p2 =	seq.s32 s10, $0x1;
	s10 =	sld [smem:$0x3FB6]  }
0x3d: {  	_ =	shalt  }
0x3e: {  	_ =	shalt  }
0x3f: {  	_ =	shalt  }
0x40: {  	_ =	shalt  }
0x41: {  	_ =	shalt  }
0x42: {  	_ =	shalt  }
0x43: {  	_ =	shalt  }
0x44: {  	_ =	shalt  }
0x45: {  	_ =	shalt  }
0x46: {  	_ =	shalt  }
0x47: {  	_ =	shalt  }
0x48: {  	_ =	shalt  }
0x49: {  	_ =	shalt  }
0x4a: {  	_ =	shalt  }
0x4b: {  	_ =	shalt  }
0x4c: {  	_ =	shalt  }
0x4d: {  	_ =	shalt  }
0x4e: {  	_ =	shalt  }
0x4f: {  	_ =	shalt  }
0x50: {  	_ =	shalt  }
0x51: {  	_ =	shalt  }
0x52: {  	_ =	shalt  }
0x53: {  	_ =	shalt  }
0x54: {  	_ =	shalt  }
0x55: {  	_ =	shalt  }
0x56: {  	_ =	shalt  }
0x57: {  	_ =	shalt  }
0x58: {  	_ =	shalt  }
0x59: {  	_ =	shalt  }
0x5a: {  	_ =	shalt  }
0x5b: {  	_ =	shalt  }
0x5c: {  	_ =	shalt  }
0x5d: {  	_ =	shalt  }
0x5e: {  	_ =	shalt  }
0x5f: {  	_ =	shalt  }
0x60: {  	_ =	shalt  }
0x61: {  	_ =	shalt  }
0x62: {  	_ =	shalt  }
0x63: {  	_ =	shalt  }
0x64: {  	_ =	shalt  }
0x65: {  	_ =	shalt  }
0x66: {  	_ =	shalt  }
0x67: {  	_ =	shalt  }
0x68: {  	_ =	shalt  }
0x69: {  	_ =	shalt  }
0x6a: {  	_ =	shalt  }
0x6b: {  	_ =	shalt  }
0x6c: {  	_ =	shalt  }
0x6d: {  	_ =	shalt  }
0x6e: {  	_ =	shalt  }
0x6f: {  	_ =	shalt  }
0x70: {  	_ =	shalt  }
0x71: {  	_ =	shalt  }
0x72: {  	_ =	shalt  }
0x73: {  	_ =	shalt  }
0x74: {  	_ =	shalt  }
0x75: {  	_ =	shalt  }
0x76: {  	_ =	shalt  }
0x77: {  	_ =	shalt  }
0x78: {  	_ =	shalt  }
0x79: {  	_ =	shalt  }
0x7a: {  	_ =	shalt  }
0x7b: {  	_ =	shalt  }
0x7c: {  	_ =	shalt  }
0x7d: {  	_ =	shalt  }
0x7e: {  	_ =	shalt  }
0x7f: {  	_ =	shalt  }
0x80: {  	_ =	shalt  }
0x81: {  	_ =	shalt  }
0x82: {  	_ =	shalt  }
0x83: {  	_ =	shalt  }
0x84: {  	_ =	shalt  }
0x85: {  	_ =	shalt  }
0x86: {  	_ =	shalt  }
0x87: {  	_ =	shalt  }
.Lfunc_end0:
.L_simem_size_0:
called_computation.2_lowered:
.L_overlay_start_0:
0x88: {  	s2 =	sld [smem:$0x3FD9]  }
0x89: {  	s3 =	sld [smem:$0x3FFE];
	_ =	sdelay $0x1  }
0x8a: {  	s1 =	srdreg.scid  }
0x8b: {  	s0 =	sand.u32 $0x1, s1  }
0x8c: {  	s17 =	sshll.u32 s0, $0xA;
	s2 =	sadd.s32 s3, s2  }
0x8d: {  	s2 =	sadd.s32 s2, s17  }
0x8e: {  	[smem:$0x3FC2] =	sst s2  }
0x8f: {  	_ = 	snop  }
0x90: {  	s2 =	sld [smem:$0x3FD0];
	(tm) =	ssettm $0x1  }
0x91: {  	s18 =	sld [smem:$0x3FFB];
	_ =	sdelay $0x3  }
0x92: {  	_ =	strace s18  }
0x93: {  	s3 =	sld [smem:$0x3FFC];
	_ =	sdelay $0x3  }
0x94: {  	_ =	strace s3  }
0x95: {  	s3 =	sld [smem:$0x3FFD];
	_ =	sdelay $0x3  }
0x96: {  	_ =	strace s3  }
0x97: {  	_ =	strace $0x8FFFFFFF  }
0x98: {  	s19 =	sld [smem:$0x3FDB];
	_ =	sdelay $0x1  }
0x99: {  	s4 =	simm.s32 $_scs_section_size  }
0x9a: {  	s5 =	simm.s32 $_size__tile_overlayer_lowered;
	s6 =	simm.s32 $_tile_overlayer_lowered  }
0x9b: {  	s22 =	simm.s32 $0x1BFF;
	s21 =	sshll.u32 s6, $0x1;
	s3 =	sadd.s32 s4, s19  }
0x9c: {  	s7 =	simm.s32 $0x0;
	s20 =	sshll.u32 s5, $0x1;
	s5 =	sadd.s32 s21, s3  }
0x9d: {  	[timem:s7], [sflag:s22] =	dma.local [hbm:s5], s20  }
0x9e: {  	_ =	swait.ge [sflag:s22], s20  }
0x9f: {  	s4 =	ssub.s32 $0x0, s20;
	[sflag:s22] =	ssyncset.done $0x0  }
0xa0: {  	[sflag:s22] =	ssyncadd.s32 s4;
	_ =	sdelay $0x1  }
0xa1: {  	s23 =	simm.s32 $0x1B8B  }
0xa2: {  	_ =	swait.ge [sflag:s23], $0x1  }
0xa3: {  	[sflag:s23] =	ssyncset.done $0x0  }
0xa4: {  	s25 =	simm.s32 $0x1B8E;
	s24 =	sld [smem:$0x3FFE];
	[sflag:s23] =	ssyncadd.s32 $0xFFFFFFFF  }
0xa5: {  	s26 =	simm.s32 $execute0_lowered;
	[smem:$0x3FD2] =	sst s25  }
0xa6: {  	s5 =	sshll.u32 s26, $0x1;
	_ =	strace $0x8000004C;
	[dreg:$0x1] =	wrdreg $0xFFFFFFFF  }
0xa7: {  	s28 =	simm.s32 $_size_execute0_lowered;
	s3 =	sadd.s32 s3, s5;
	[dreg:$0x0] =	wrdreg $0x0  }
0xa8: {  	s5 =	sshll.u32 s28, $0x1;
	[dreg:$0x2] =	wrdreg s3  }
0xa9: {  	[dreg:$0x3] =	wrdreg s5  }
0xaa: {  	[dreg:$0x4] =	wrdreg $0xC0  }
0xab: {  	_ =	task [dreg:s7], $0x5FFFF  }
0xac: {  	[dreg:$0x1] =	wrdreg $0xFFFFFFFF  }
0xad: {  	[dreg:$0x0] =	wrdreg $0x60  }
0xae: {  	[dreg:$0x2] =	wrdreg s24  }
0xaf: {  	[dreg:$0x3] =	wrdreg s2  }
0xb0: {  	[dreg:$0x4] =	wrdreg $0x88000  }
0xb1: {  	[dreg:$0x5] =	wrdreg $0x9  }
0xb2: {  	_ =	task.clear_ibuf [dreg:s7], $0x6FFFF;
	_ =	strace $0x9000004C  }
0xb3: {  	s29 =	simm.s32 $0x9;
	_ =	strace $0x8000004E  }
0xb4: {  	_ =	swait.ge [sflag:s29], $0x1  }
0xb5: {  	[sflag:s29] =	ssyncadd.s32 $0xFFFFFFFF  }
0xb6: {  	_ =	strace $0x9000004E  }
0xb7: {  	_ =	sfence  }
0xb8: {  	s30 =	sld [smem:$0x0];
	_ =	sdelay $0x2  }
0xb9: {  	s31 =	sshll.u32 s1, $0xD;
	s1 =	sshrl.u32 s1, $0x2  }
0xba: {  	s3 =	sand.u32 $0x4000, s31;
	s1 =	sadd.s32 s1, s30  }
0xbb: {  	s0 =	sor.u32 s3, s0;
	s1 =	sshll.u32 s1, $0x11  }
0xbc: {  	s0 =	sor.u32 s1, s0  }
0xbd: {  	s0 =	sadd.s32 $0x8F2B, s0  }
0xbe: {  	[sflag:s0] =	ssyncadd.remote.s32 $0x1  }
0xbf: {  	_ =	sfence.sel $0xFFFF  }
0xc0: {  	[dreg:$0x0] =	wrdreg $0xFFFFFFFF;
	(pc) =	sbr.abs _section_cstart, $3  }
0xc1: {  	[dreg:$0x1] =	wrdreg $0xFFFFFFFF  }
0xc2: {  	_ =	task.clear_ibuf [dreg:s7], $0x2FFFF;
	_ =	strace $0x9FFFFFFF  }
0xc3: {  	(tm) =	ssettm $0x7FFFFFFF  }
tec
execute0_lowered:
.L_overlay_start_1:
0x0: {  	(tag) =	ssettag $0x1  }
0x1: {  	s0 =	rddreg [dreg:$0x0]  }
0x2: {  	s1 =	rddreg [dreg:$0x1];
	s3 =	srdreg.scid  }
0x3: {  	s2 =	rddreg [dreg:$0x2];
	s9 =	stileid.u32;
	s13 =	simm.s32 $0x800  }
0x4: {  	s14 =	simm.s32 $0x3;
	s15 =	simm.s32 $0x400;
	s16 =	simm.s32 $0x80  }
0x5: {  	s17 =	simm.s32 $0x1;
	s18 =	simm.s32 $0x4800;
	s19 =	simm.s32 $0x480  }
0x6: {  	s20 =	simm.s32 $0x2;
	s21 =	simm.s32 $0x100;
	s5 =	smul.u32 $0x14000, s9  }
0x7: {  	s28 =	simm.s32 $0x280;
	s29 =	simm.s32 $0x680;
	s7 =	smul.u32 $0x50000, s9  }
0x8: {  	s30 =	simm.s32 $0x300;
	s6 =	sand.u32 $0x1, s3;
	s24 =	smul.u32 $0x500, s9  }
0x9: {  	s31 =	simm.s32 $0x700;
	s3 =	simm.s32 $0x0;
	s4 =	smul.u32 $0x140000, s6  }
0xa: {  	[smem:$0x7FF] =	sst s3;
	s8 =	ssub.s32 $0x2, s6;
	s6 =	smul.u32 $0x5000, s6  }
0xb: {  	_ =	strace $0x8000004D;
	s22 =	sshrl.u32 s8, $0x1;
	s7 =	sshrl.u32 s7, $0x2  }
0xc: {  	s5 =	sadd.s32 s5, s4;
	s4 =	sadd.s32 $0x2E00, s0;
	s8 =	ssub.s32 s8, s22  }
0xd: {  	s1 =	sadd.s32 s6, s1;
	s22 =	simm.s32 $0x500;
	s5 =	sshrl.u32 s5, $0x3  }
0xe: {  	s6 =	simm.s32 $0x0;
	s23 =	smax.u32 s8, $0x1;
	s0 =	sadd.s32 s5, s0  }
0xf: {  	s5 =	sadd.s32 s7, s2;
	[dreg:$0x5] =	wrdreg s23;
	s0 =	sadd.s32 $0x2AE00, s0  }
0x10: {  	s12 =	sadd.s32 s24, s1;
	s7 =	sadd.s32 $0x4000, s5;
	[dreg:$0x4] =	wrdreg s0  }
0x11: {  	s24 =	simm.s32 $0x580;
	s25 =	sadd.s32 $0x8000, s5;
	[dreg:$0x6] =	wrdreg s7  }
0x12: {  	s1 =	simm.s32 $0x780;
	s26 =	sadd.s32 $0xC000, s5;
	[dreg:$0x7] =	wrdreg s25  }
0x13: {  	s23 =	simm.s32 $0x180;
	s11 =	sadd.s32 $0x10000, s5;
	[dreg:$0x8] =	wrdreg s26  }
0x14: {  	v0 =	vimm.f32 $0.0e+00;
	s25 =	simm.s32 $0x200;
	s26 =	simm.s32 $0x600;
	s0 =	simm.s32 $0x380  }
.LBB2_1:
0x15: {  	s7 =	simm.s32 $0x0;
	s8 =	simm.s32 $0x200  }
.LBB2_2:
0x16: {  	p0 =	sne.s32 s8, $0xFE00;
	[tilespmem:s7+$0x870] =	vst v0  }
0x17: {  	[tilespmem:s7+$0x800] =	vst v0  }
0x18: {  	[tilespmem:s7+$0x810] =	vst v0  }
.Ltmp0:
0x19: {  	[tilespmem:s7+$0x820] =	vst v0;
	(pc) =	sbr.rel @p0 .LBB2_2-.Ltmp0, $4  }
0x1a: {  	[tilespmem:s7+$0x830] =	vst v0  }
0x1b: {  	[tilespmem:s7+$0x840] =	vst v0  }
0x1c: {  	[tilespmem:s7+$0x850] =	vst v0  }
0x1d: {  	[tilespmem:s7+$0x860] =	vst v0;
	s7 =	sshra.s32 s8, $0x2;
	s8 =	sadd.s32 $0x200, s8  }
0x1e: {  	[tilespmem:s7+$0x870] =	vst v0  }
0x1f: {  	[tilespmem:s7+$0x800] =	vst v0  }
0x20: {  	[tilespmem:s7+$0x810] =	vst v0  }
0x21: {  	[tilespmem:s7+$0x820] =	vst v0  }
0x22: {  	[tilespmem:s7+$0x830] =	vst v0  }
0x23: {  	[tilespmem:s7+$0x840] =	vst v0  }
0x24: {  	[tilespmem:s7+$0x850] =	vst v0  }
0x25: {  	[tilespmem:s7+$0x860] =	vst v0  }
0x26: {  	[spmem:s5] =	stream.linear.scatter [tilespmem:s13], [sflag:$0x3], $0x4000, $0x38;
	[tilespmem:$0x1C800] =	vst v63  }
0x27: {  	_ =	swait.ge [sflag:s14], $0x4000  }
0x28: {  	[sflag:s14] =	ssyncset.done $0x0  }
0x29: {  	s10 =	rddreg [dreg:$0x6];
	[sflag:s14] =	ssyncadd.s32 $0xFFFFC000  }
0x2a: {  	[spmem:s10] =	stream.linear.scatter [tilespmem:s13], [sflag:$0x3], $0x4000, $0x38;
	[tilespmem:$0x1C800] =	vst v63  }
0x2b: {  	_ =	swait.ge [sflag:s14], $0x4000  }
0x2c: {  	[sflag:s14] =	ssyncset.done $0x0  }
0x2d: {  	s8 =	rddreg [dreg:$0x7];
	[sflag:s14] =	ssyncadd.s32 $0xFFFFC000  }
0x2e: {  	[spmem:s8] =	stream.linear.scatter [tilespmem:s13], [sflag:$0x3], $0x4000, $0x38;
	[tilespmem:$0x1C800] =	vst v63  }
0x2f: {  	_ =	swait.ge [sflag:s14], $0x4000  }
0x30: {  	[sflag:s14] =	ssyncset.done $0x0  }
0x31: {  	s9 =	rddreg [dreg:$0x8];
	[sflag:s14] =	ssyncadd.s32 $0xFFFFC000  }
0x32: {  	[spmem:s9] =	stream.linear.scatter [tilespmem:s13], [sflag:$0x3], $0x4000, $0x38;
	[tilespmem:$0x1C800] =	vst v63  }
0x33: {  	_ =	swait.ge [sflag:s14], $0x4000  }
0x34: {  	[sflag:s14] =	ssyncset.done $0x0  }
0x35: {  	[sflag:s14] =	ssyncadd.s32 $0xFFFFC000  }
0x36: {  	[spmem:s11] =	stream.linear.scatter [tilespmem:s13], [sflag:$0x3], $0x4000, $0x38;
	[tilespmem:$0x1C800] =	vst v63  }
0x37: {  	_ =	swait.ge [sflag:s14], $0x4000  }
0x38: {  	[sflag:s14] =	ssyncset.done $0x0  }
0x39: {  	[sflag:s14] =	ssyncadd.s32 $0xFFFFC000  }
0x3a: {  	s10 =	sadd.s32 $0x0, s12;
	[bflag:$0x0] =	sbarrier.arrive $0xFFFF  }
0x3b: {  	[tilespmem:s3], [sflag:$0x3] =	stream.linear.gather [hbm4b:s10+s3], $0x400, $0x38;
	[tilespmem:$0x1C800] =	vst v63  }
0x3c: {  	_ =	swait.ge [sflag:s14], $0x400  }
0x3d: {  	[sflag:s14] =	ssyncset.done $0x0  }
0x3e: {  	s7 =	sadd.s32 $0xA000, s10;
	[sflag:s14] =	ssyncadd.s32 $0xFFFFFC00  }
0x3f: {  	[tilespmem:s15], [sflag:$0x3] =	stream.linear.gather [hbm4b:s7+s3], $0x400, $0x38;
	[tilespmem:$0x1C800] =	vst v63  }
0x40: {  	_ =	swait.ge [sflag:s14], $0x400  }
0x41: {  	[sflag:s14] =	ssyncset.done $0x0  }
0x42: {  	[sflag:s14] =	ssyncadd.s32 $0xFFFFFC00  }
0x43: {  	[tilespmem:s13], [sflag:$0x1] =	stream.indirect.gather [hbm4b:s4+s16], $0x80, s3, s16, $0xb8;
	[tilespmem:$0x1C800] =	vst v63  }
0x44: {  	_ =	swait.ge [sflag:s17], $0x4000  }
0x45: {  	[sflag:s17] =	ssyncset.done $0x0  }
0x46: {  	[sflag:s17] =	ssyncadd.s32 $0xFFFFC000  }
0x47: {  	[spmem:s2] =	stream.indirect.scatter.add.f32 [tilespmem:s13], [sflag:$0x2], $0x80, s15, s16, $0xb8;
	[tilespmem:$0x1C800] =	vst v63  }
0x48: {  	_ = 	snop  }
0x49: {  	[tilespmem:s18], [sflag:$0x1] =	stream.indirect.gather [hbm4b:s4+s16], $0x80, s16, s16, $0xb8;
	[tilespmem:$0x1C800] =	vst v63  }
0x4a: {  	_ =	swait.ge [sflag:s17], $0x4000  }
0x4b: {  	[sflag:s17] =	ssyncset.done $0x0  }
0x4c: {  	[sflag:s17] =	ssyncadd.s32 $0xFFFFC000  }
0x4d: {  	[spmem:s2] =	stream.indirect.scatter.add.f32 [tilespmem:s18], [sflag:$0x2], $0x80, s19, s16, $0xb8;
	[tilespmem:$0x1C800] =	vst v63  }
0x4e: {  	_ =	swait.ge [sflag:s20], $0x4000  }
0x4f: {  	[sflag:s20] =	ssyncset.done $0x0  }
0x50: {  	[sflag:s20] =	ssyncadd.s32 $0xFFFFC000  }
0x51: {  	[tilespmem:s13], [sflag:$0x1] =	stream.indirect.gather [hbm4b:s4+s16], $0x80, s21, s16, $0xb8;
	[tilespmem:$0x1C800] =	vst v63  }
0x52: {  	_ =	swait.ge [sflag:s17], $0x4000  }
0x53: {  	[sflag:s17] =	ssyncset.done $0x0  }
0x54: {  	[sflag:s17] =	ssyncadd.s32 $0xFFFFC000  }
0x55: {  	[spmem:s2] =	stream.indirect.scatter.add.f32 [tilespmem:s13], [sflag:$0x2], $0x80, s22, s16, $0xb8;
	[tilespmem:$0x1C800] =	vst v63  }
0x56: {  	_ =	swait.ge [sflag:s20], $0x4000  }
0x57: {  	[sflag:s20] =	ssyncset.done $0x0  }
0x58: {  	[sflag:s20] =	ssyncadd.s32 $0xFFFFC000  }
0x59: {  	[tilespmem:s18], [sflag:$0x1] =	stream.indirect.gather [hbm4b:s4+s16], $0x80, s23, s16, $0xb8;
	[tilespmem:$0x1C800] =	vst v63  }
0x5a: {  	_ =	swait.ge [sflag:s17], $0x4000  }
0x5b: {  	[sflag:s17] =	ssyncset.done $0x0  }
0x5c: {  	[sflag:s17] =	ssyncadd.s32 $0xFFFFC000  }
0x5d: {  	[spmem:s2] =	stream.indirect.scatter.add.f32 [tilespmem:s18], [sflag:$0x2], $0x80, s24, s16, $0xb8;
	[tilespmem:$0x1C800] =	vst v63  }
0x5e: {  	_ =	swait.ge [sflag:s20], $0x4000  }
0x5f: {  	[sflag:s20] =	ssyncset.done $0x0  }
0x60: {  	[sflag:s20] =	ssyncadd.s32 $0xFFFFC000  }
0x61: {  	[tilespmem:s13], [sflag:$0x1] =	stream.indirect.gather [hbm4b:s4+s16], $0x80, s25, s16, $0xb8;
	[tilespmem:$0x1C800] =	vst v63  }
0x62: {  	_ =	swait.ge [sflag:s17], $0x4000  }
0x63: {  	[sflag:s17] =	ssyncset.done $0x0  }
0x64: {  	[sflag:s17] =	ssyncadd.s32 $0xFFFFC000  }
0x65: {  	[spmem:s2] =	stream.indirect.scatter.add.f32 [tilespmem:s13], [sflag:$0x2], $0x80, s26, s16, $0xb8;
	[tilespmem:$0x1C800] =	vst v63  }
0x66: {  	_ =	swait.ge [sflag:s20], $0x4000  }
0x67: {  	[sflag:s20] =	ssyncset.done $0x0  }
0x68: {  	[sflag:s20] =	ssyncadd.s32 $0xFFFFC000  }
0x69: {  	[tilespmem:s18], [sflag:$0x1] =	stream.indirect.gather [hbm4b:s4+s16], $0x80, s28, s16, $0xb8;
	[tilespmem:$0x1C800] =	vst v63  }
0x6a: {  	_ =	swait.ge [sflag:s17], $0x4000  }
0x6b: {  	[sflag:s17] =	ssyncset.done $0x0  }
0x6c: {  	[sflag:s17] =	ssyncadd.s32 $0xFFFFC000  }
0x6d: {  	[spmem:s2] =	stream.indirect.scatter.add.f32 [tilespmem:s18], [sflag:$0x2], $0x80, s29, s16, $0xb8;
	[tilespmem:$0x1C800] =	vst v63  }
0x6e: {  	_ =	swait.ge [sflag:s20], $0x4000  }
0x6f: {  	[sflag:s20] =	ssyncset.done $0x0  }
0x70: {  	[sflag:s20] =	ssyncadd.s32 $0xFFFFC000  }
0x71: {  	[tilespmem:s13], [sflag:$0x1] =	stream.indirect.gather [hbm4b:s4+s16], $0x80, s30, s16, $0xb8;
	[tilespmem:$0x1C800] =	vst v63  }
0x72: {  	_ =	swait.ge [sflag:s17], $0x4000  }
0x73: {  	[sflag:s17] =	ssyncset.done $0x0  }
0x74: {  	[sflag:s17] =	ssyncadd.s32 $0xFFFFC000  }
0x75: {  	[spmem:s2] =	stream.indirect.scatter.add.f32 [tilespmem:s13], [sflag:$0x2], $0x80, s31, s16, $0xb8;
	[tilespmem:$0x1C800] =	vst v63  }
0x76: {  	_ =	swait.ge [sflag:s20], $0x4000  }
0x77: {  	[sflag:s20] =	ssyncset.done $0x0  }
0x78: {  	[sflag:s20] =	ssyncadd.s32 $0xFFFFC000  }
0x79: {  	[tilespmem:s18], [sflag:$0x1] =	stream.indirect.gather [hbm4b:s4+s16], $0x80, s0, s16, $0xb8;
	[tilespmem:$0x1C800] =	vst v63  }
0x7a: {  	_ =	swait.ge [sflag:s17], $0x4000  }
0x7b: {  	[sflag:s17] =	ssyncset.done $0x0  }
0x7c: {  	[sflag:s17] =	ssyncadd.s32 $0xFFFFC000  }
0x7d: {  	[spmem:s2] =	stream.indirect.scatter.add.f32 [tilespmem:s18], [sflag:$0x2], $0x80, s1, s16, $0xb8;
	[tilespmem:$0x1C800] =	vst v63  }
0x7e: {  	_ =	swait.ge [sflag:s20], $0x4000  }
0x7f: {  	[sflag:s20] =	ssyncset.done $0x0  }
0x80: {  	[sflag:s20] =	ssyncadd.s32 $0xFFFFC000  }
0x81: {  	_ =	swait.ge [sflag:s20], $0x4000  }
0x82: {  	s8 =	simm.s32 $0x100;
	s7 =	simm.s32 $0x80;
	[sflag:s20] =	ssyncset.done $0x0  }
.LBB2_4:
0x83: {  	s10 =	sadd.s32 s7, s12  }
0x84: {  	[sflag:s20] =	ssyncadd.s32 $0xFFFFC000;
	s7 =	smov.u32 s8;
	s9 =	sadd.s32 $0x80, s8  }
0x85: {  	[tilespmem:s3], [sflag:$0x3] =	stream.linear.gather [hbm4b:s10+s3], $0x400, $0x38;
	[tilespmem:$0x1C800] =	vst v63  }
0x86: {  	p0 =	sne.s32 s8, $0x480;
	_ =	swait.ge [sflag:s14], $0x400  }
0x87: {  	[sflag:s14] =	ssyncset.done $0x0  }
0x88: {  	s8 =	sadd.s32 $0xA000, s10;
	[sflag:s14] =	ssyncadd.s32 $0xFFFFFC00  }
0x89: {  	[tilespmem:s15], [sflag:$0x3] =	stream.linear.gather [hbm4b:s8+s3], $0x400, $0x38;
	[tilespmem:$0x1C800] =	vst v63  }
0x8a: {  	_ =	swait.ge [sflag:s14], $0x400  }
0x8b: {  	[sflag:s14] =	ssyncset.done $0x0  }
0x8c: {  	[sflag:s14] =	ssyncadd.s32 $0xFFFFFC00  }
0x8d: {  	[tilespmem:s13], [sflag:$0x1] =	stream.indirect.gather [hbm4b:s4+s16], $0x80, s3, s16, $0xb8;
	[tilespmem:$0x1C800] =	vst v63  }
0x8e: {  	_ =	swait.ge [sflag:s17], $0x4000  }
0x8f: {  	[sflag:s17] =	ssyncset.done $0x0  }
0x90: {  	[sflag:s17] =	ssyncadd.s32 $0xFFFFC000  }
0x91: {  	[spmem:s2] =	stream.indirect.scatter.add.f32 [tilespmem:s13], [sflag:$0x2], $0x80, s15, s16, $0xb8;
	[tilespmem:$0x1C800] =	vst v63  }
0x92: {  	_ = 	snop  }
0x93: {  	[tilespmem:s18], [sflag:$0x1] =	stream.indirect.gather [hbm4b:s4+s16], $0x80, s16, s16, $0xb8;
	[tilespmem:$0x1C800] =	vst v63  }
0x94: {  	_ =	swait.ge [sflag:s17], $0x4000  }
0x95: {  	[sflag:s17] =	ssyncset.done $0x0  }
0x96: {  	[sflag:s17] =	ssyncadd.s32 $0xFFFFC000  }
0x97: {  	[spmem:s2] =	stream.indirect.scatter.add.f32 [tilespmem:s18], [sflag:$0x2], $0x80, s19, s16, $0xb8;
	[tilespmem:$0x1C800] =	vst v63  }
0x98: {  	_ =	swait.ge [sflag:s20], $0x4000  }
0x99: {  	[sflag:s20] =	ssyncset.done $0x0  }
0x9a: {  	[sflag:s20] =	ssyncadd.s32 $0xFFFFC000  }
0x9b: {  	[tilespmem:s13], [sflag:$0x1] =	stream.indirect.gather [hbm4b:s4+s16], $0x80, s21, s16, $0xb8;
	[tilespmem:$0x1C800] =	vst v63  }
0x9c: {  	_ =	swait.ge [sflag:s17], $0x4000  }
0x9d: {  	[sflag:s17] =	ssyncset.done $0x0  }
0x9e: {  	[sflag:s17] =	ssyncadd.s32 $0xFFFFC000  }
0x9f: {  	[spmem:s2] =	stream.indirect.scatter.add.f32 [tilespmem:s13], [sflag:$0x2], $0x80, s22, s16, $0xb8;
	[tilespmem:$0x1C800] =	vst v63  }
0xa0: {  	_ =	swait.ge [sflag:s20], $0x4000  }
0xa1: {  	[sflag:s20] =	ssyncset.done $0x0  }
0xa2: {  	[sflag:s20] =	ssyncadd.s32 $0xFFFFC000  }
0xa3: {  	[tilespmem:s18], [sflag:$0x1] =	stream.indirect.gather [hbm4b:s4+s16], $0x80, s23, s16, $0xb8;
	[tilespmem:$0x1C800] =	vst v63  }
0xa4: {  	_ =	swait.ge [sflag:s17], $0x4000  }
0xa5: {  	[sflag:s17] =	ssyncset.done $0x0  }
0xa6: {  	[sflag:s17] =	ssyncadd.s32 $0xFFFFC000  }
0xa7: {  	[spmem:s2] =	stream.indirect.scatter.add.f32 [tilespmem:s18], [sflag:$0x2], $0x80, s24, s16, $0xb8;
	[tilespmem:$0x1C800] =	vst v63  }
0xa8: {  	_ =	swait.ge [sflag:s20], $0x4000  }
0xa9: {  	[sflag:s20] =	ssyncset.done $0x0  }
0xaa: {  	[sflag:s20] =	ssyncadd.s32 $0xFFFFC000  }
0xab: {  	[tilespmem:s13], [sflag:$0x1] =	stream.indirect.gather [hbm4b:s4+s16], $0x80, s25, s16, $0xb8;
	[tilespmem:$0x1C800] =	vst v63  }
0xac: {  	_ =	swait.ge [sflag:s17], $0x4000  }
0xad: {  	[sflag:s17] =	ssyncset.done $0x0  }
0xae: {  	[sflag:s17] =	ssyncadd.s32 $0xFFFFC000  }
0xaf: {  	[spmem:s2] =	stream.indirect.scatter.add.f32 [tilespmem:s13], [sflag:$0x2], $0x80, s26, s16, $0xb8;
	[tilespmem:$0x1C800] =	vst v63  }
0xb0: {  	_ =	swait.ge [sflag:s20], $0x4000  }
0xb1: {  	[sflag:s20] =	ssyncset.done $0x0  }
0xb2: {  	[sflag:s20] =	ssyncadd.s32 $0xFFFFC000  }
0xb3: {  	[tilespmem:s18], [sflag:$0x1] =	stream.indirect.gather [hbm4b:s4+s16], $0x80, s28, s16, $0xb8;
	[tilespmem:$0x1C800] =	vst v63  }
0xb4: {  	_ =	swait.ge [sflag:s17], $0x4000  }
0xb5: {  	[sflag:s17] =	ssyncset.done $0x0  }
0xb6: {  	[sflag:s17] =	ssyncadd.s32 $0xFFFFC000  }
0xb7: {  	[spmem:s2] =	stream.indirect.scatter.add.f32 [tilespmem:s18], [sflag:$0x2], $0x80, s29, s16, $0xb8;
	[tilespmem:$0x1C800] =	vst v63  }
0xb8: {  	_ =	swait.ge [sflag:s20], $0x4000  }
0xb9: {  	[sflag:s20] =	ssyncset.done $0x0  }
0xba: {  	[sflag:s20] =	ssyncadd.s32 $0xFFFFC000  }
0xbb: {  	[tilespmem:s13], [sflag:$0x1] =	stream.indirect.gather [hbm4b:s4+s16], $0x80, s30, s16, $0xb8;
	[tilespmem:$0x1C800] =	vst v63  }
0xbc: {  	_ =	swait.ge [sflag:s17], $0x4000  }
0xbd: {  	[sflag:s17] =	ssyncset.done $0x0  }
0xbe: {  	[sflag:s17] =	ssyncadd.s32 $0xFFFFC000  }
0xbf: {  	[spmem:s2] =	stream.indirect.scatter.add.f32 [tilespmem:s13], [sflag:$0x2], $0x80, s31, s16, $0xb8;
	[tilespmem:$0x1C800] =	vst v63  }
0xc0: {  	_ =	swait.ge [sflag:s20], $0x4000  }
0xc1: {  	[sflag:s20] =	ssyncset.done $0x0  }
0xc2: {  	[sflag:s20] =	ssyncadd.s32 $0xFFFFC000  }
0xc3: {  	[tilespmem:s18], [sflag:$0x1] =	stream.indirect.gather [hbm4b:s4+s16], $0x80, s0, s16, $0xb8;
	[tilespmem:$0x1C800] =	vst v63  }
0xc4: {  	_ =	swait.ge [sflag:s17], $0x4000  }
0xc5: {  	[sflag:s17] =	ssyncset.done $0x0  }
0xc6: {  	[sflag:s17] =	ssyncadd.s32 $0xFFFFC000  }
0xc7: {  	[spmem:s2] =	stream.indirect.scatter.add.f32 [tilespmem:s18], [sflag:$0x2], $0x80, s1, s16, $0xb8;
	[tilespmem:$0x1C800] =	vst v63  }
.Ltmp1:
0xc8: {  	_ =	swait.ge [sflag:s20], $0x4000;
	(pc) =	sbr.rel @p0 .LBB2_4-.Ltmp1, $4  }
0xc9: {  	[sflag:s20] =	ssyncset.done $0x0  }
0xca: {  	[sflag:s20] =	ssyncadd.s32 $0xFFFFC000  }
0xcb: {  	_ =	swait.ge [sflag:s20], $0x4000  }
0xcc: {  	s8 =	smov.u32 s9;
	[sflag:s20] =	ssyncset.done $0x0  }
0xcd: {  	s7 =	sadd.s32 s7, s12;
	[sflag:s20] =	ssyncadd.s32 $0xFFFFC000  }
0xce: {  	[tilespmem:s3], [sflag:$0x3] =	stream.linear.gather [hbm4b:s7+s3], $0x400, $0x38;
	[tilespmem:$0x1C800] =	vst v63  }
0xcf: {  	_ =	swait.ge [sflag:s14], $0x400  }
0xd0: {  	[sflag:s14] =	ssyncset.done $0x0  }
0xd1: {  	s7 =	sadd.s32 $0xA000, s7;
	[sflag:s14] =	ssyncadd.s32 $0xFFFFFC00  }
0xd2: {  	[tilespmem:s15], [sflag:$0x3] =	stream.linear.gather [hbm4b:s7+s3], $0x400, $0x38;
	[tilespmem:$0x1C800] =	vst v63  }
0xd3: {  	_ =	swait.ge [sflag:s14], $0x400  }
0xd4: {  	[sflag:s14] =	ssyncset.done $0x0  }
0xd5: {  	[sflag:s14] =	ssyncadd.s32 $0xFFFFFC00  }
0xd6: {  	[tilespmem:s13], [sflag:$0x1] =	stream.indirect.gather [hbm4b:s4+s16], $0x80, s3, s16, $0xb8;
	[tilespmem:$0x1C800] =	vst v63  }
0xd7: {  	_ =	swait.ge [sflag:s17], $0x4000  }
0xd8: {  	[sflag:s17] =	ssyncset.done $0x0  }
0xd9: {  	[sflag:s17] =	ssyncadd.s32 $0xFFFFC000  }
0xda: {  	[spmem:s2] =	stream.indirect.scatter.add.f32 [tilespmem:s13], [sflag:$0x2], $0x80, s15, s16, $0xb8;
	[tilespmem:$0x1C800] =	vst v63  }
0xdb: {  	_ = 	snop  }
0xdc: {  	[tilespmem:s18], [sflag:$0x1] =	stream.indirect.gather [hbm4b:s4+s16], $0x80, s16, s16, $0xb8;
	[tilespmem:$0x1C800] =	vst v63  }
0xdd: {  	_ =	swait.ge [sflag:s17], $0x4000  }
0xde: {  	[sflag:s17] =	ssyncset.done $0x0  }
0xdf: {  	[sflag:s17] =	ssyncadd.s32 $0xFFFFC000  }
0xe0: {  	[spmem:s2] =	stream.indirect.scatter.add.f32 [tilespmem:s18], [sflag:$0x2], $0x80, s19, s16, $0xb8;
	[tilespmem:$0x1C800] =	vst v63  }
0xe1: {  	_ =	swait.ge [sflag:s20], $0x4000  }
0xe2: {  	[sflag:s20] =	ssyncset.done $0x0  }
0xe3: {  	[sflag:s20] =	ssyncadd.s32 $0xFFFFC000  }
0xe4: {  	[tilespmem:s13], [sflag:$0x1] =	stream.indirect.gather [hbm4b:s4+s16], $0x80, s21, s16, $0xb8;
	[tilespmem:$0x1C800] =	vst v63  }
0xe5: {  	_ =	swait.ge [sflag:s17], $0x4000  }
0xe6: {  	[sflag:s17] =	ssyncset.done $0x0  }
0xe7: {  	[sflag:s17] =	ssyncadd.s32 $0xFFFFC000  }
0xe8: {  	[spmem:s2] =	stream.indirect.scatter.add.f32 [tilespmem:s13], [sflag:$0x2], $0x80, s22, s16, $0xb8;
	[tilespmem:$0x1C800] =	vst v63  }
0xe9: {  	_ =	swait.ge [sflag:s20], $0x4000  }
0xea: {  	[sflag:s20] =	ssyncset.done $0x0  }
0xeb: {  	[sflag:s20] =	ssyncadd.s32 $0xFFFFC000  }
0xec: {  	[tilespmem:s18], [sflag:$0x1] =	stream.indirect.gather [hbm4b:s4+s16], $0x80, s23, s16, $0xb8;
	[tilespmem:$0x1C800] =	vst v63  }
0xed: {  	_ =	swait.ge [sflag:s17], $0x4000  }
0xee: {  	[sflag:s17] =	ssyncset.done $0x0  }
0xef: {  	[sflag:s17] =	ssyncadd.s32 $0xFFFFC000  }
0xf0: {  	[spmem:s2] =	stream.indirect.scatter.add.f32 [tilespmem:s18], [sflag:$0x2], $0x80, s24, s16, $0xb8;
	[tilespmem:$0x1C800] =	vst v63  }
0xf1: {  	_ =	swait.ge [sflag:s20], $0x4000  }
0xf2: {  	[sflag:s20] =	ssyncset.done $0x0  }
0xf3: {  	[sflag:s20] =	ssyncadd.s32 $0xFFFFC000  }
0xf4: {  	[tilespmem:s13], [sflag:$0x1] =	stream.indirect.gather [hbm4b:s4+s16], $0x80, s25, s16, $0xb8;
	[tilespmem:$0x1C800] =	vst v63  }
0xf5: {  	_ =	swait.ge [sflag:s17], $0x4000  }
0xf6: {  	[sflag:s17] =	ssyncset.done $0x0  }
0xf7: {  	[sflag:s17] =	ssyncadd.s32 $0xFFFFC000  }
0xf8: {  	[spmem:s2] =	stream.indirect.scatter.add.f32 [tilespmem:s13], [sflag:$0x2], $0x80, s26, s16, $0xb8;
	[tilespmem:$0x1C800] =	vst v63  }
0xf9: {  	_ =	swait.ge [sflag:s20], $0x4000  }
0xfa: {  	[sflag:s20] =	ssyncset.done $0x0  }
0xfb: {  	[sflag:s20] =	ssyncadd.s32 $0xFFFFC000  }
0xfc: {  	[tilespmem:s18], [sflag:$0x1] =	stream.indirect.gather [hbm4b:s4+s16], $0x80, s28, s16, $0xb8;
	[tilespmem:$0x1C800] =	vst v63  }
0xfd: {  	_ =	swait.ge [sflag:s17], $0x4000  }
0xfe: {  	[sflag:s17] =	ssyncset.done $0x0  }
0xff: {  	[sflag:s17] =	ssyncadd.s32 $0xFFFFC000  }
0x100: {  	[spmem:s2] =	stream.indirect.scatter.add.f32 [tilespmem:s18], [sflag:$0x2], $0x80, s29, s16, $0xb8;
	[tilespmem:$0x1C800] =	vst v63  }
0x101: {  	_ =	swait.ge [sflag:s20], $0x4000  }
0x102: {  	[sflag:s20] =	ssyncset.done $0x0  }
0x103: {  	[sflag:s20] =	ssyncadd.s32 $0xFFFFC000  }
0x104: {  	[tilespmem:s13], [sflag:$0x1] =	stream.indirect.gather [hbm4b:s4+s16], $0x80, s30, s16, $0xb8;
	[tilespmem:$0x1C800] =	vst v63  }
0x105: {  	_ =	swait.ge [sflag:s17], $0x4000  }
0x106: {  	[sflag:s17] =	ssyncset.done $0x0  }
0x107: {  	[sflag:s17] =	ssyncadd.s32 $0xFFFFC000  }
0x108: {  	[spmem:s2] =	stream.indirect.scatter.add.f32 [tilespmem:s13], [sflag:$0x2], $0x80, s31, s16, $0xb8;
	[tilespmem:$0x1C800] =	vst v63  }
0x109: {  	_ =	swait.ge [sflag:s20], $0x4000  }
0x10a: {  	[sflag:s20] =	ssyncset.done $0x0  }
0x10b: {  	[sflag:s20] =	ssyncadd.s32 $0xFFFFC000  }
0x10c: {  	[tilespmem:s18], [sflag:$0x1] =	stream.indirect.gather [hbm4b:s4+s16], $0x80, s0, s16, $0xb8;
	[tilespmem:$0x1C800] =	vst v63  }
0x10d: {  	_ =	swait.ge [sflag:s17], $0x4000  }
0x10e: {  	[sflag:s17] =	ssyncset.done $0x0  }
0x10f: {  	[sflag:s17] =	ssyncadd.s32 $0xFFFFC000  }
0x110: {  	[spmem:s2] =	stream.indirect.scatter.add.f32 [tilespmem:s18], [sflag:$0x2], $0x80, s1, s16, $0xb8;
	[tilespmem:$0x1C800] =	vst v63  }
0x111: {  	_ =	swait.ge [sflag:s20], $0x4000  }
0x112: {  	[sflag:s20] =	ssyncset.done $0x0  }
0x113: {  	[sflag:s20] =	ssyncadd.s32 $0xFFFFC000  }
0x114: {  	_ =	swait.ge [sflag:s20], $0x4000  }
0x115: {  	[sflag:s20] =	ssyncset.done $0x0  }
0x116: {  	s9 =	stileid.u32;
	[sflag:s20] =	ssyncadd.s32 $0xFFFFC000  }
0x117: {  	s7 =	sshll.u32 s9, $0x6;
	[bflag:$0x0] =	sbarrier.arrive $0xFFFF  }
0x118: {  	s8 =	sshrl.u32 s5, $0x3;
	s7 =	sor.u32 $0x1C03, s7;
	s9 =	rddreg [dreg:$0x4]  }
0x119: {  	[hbm:s9], [sflag:s7] =	dma.local [spmem:s8], $0x2800  }
0x11a: {  	_ =	swait.ge [sflag:s14], $0x2800  }
0x11b: {  	s6 =	sadd.s32 $0x1, s6;
	s10 =	rddreg [dreg:$0x5]  }
0x11c: {  	p0 =	sne.s32 s6, s10  }
.Ltmp2:
0x11d: {  	_ = 	snop;
	(pc) =	sbr.rel @p0 .LBB2_1-.Ltmp2, $3  }
0x11e: {  	_ =	sdelay $0x1  }
0x11f: {  	[sflag:s14] =	ssyncset.done $0x0  }
0x120: {  	[sflag:s14] =	ssyncadd.s32 $0xFFFFD800  }
0x121: {  	_ =	sfence.sel $0x180000  }
0x122: {  	[bflag:$0x0] =	sbarrier.arrive $0xFFFF  }
0x123: {  	_ =	strace $0x9000004D  }
0x124: {  	s0 =	stileid.u32;
	[bflag:$0x2] =	sbarrier.arrive $0xFFFF  }
0x125: {  	p0 =	sne.s32 s0, $0x0;
	s0 =	rddreg [dreg:$0x3]  }
0x126: {  	s0 =	sadd.s32 @!p0 $0x100000, s0  }
0x127: {  	[sflag:s0] =	ssyncadd.tile.s32 @!p0 $0x1;
	_ =	shalt  }
.Lfunc_end2:
_tile_overlayer_lowered:
.L_overlay_start_2:
0x128: {  	(tag) =	ssettag $0x2  }
0x129: {  	s0 =	rddreg [dreg:$0x0];
	s2 =	stileid.u32  }
0x12a: {  	s1 =	rddreg [dreg:$0x1];
	p0 =	sne.s32 s2, $0x0  }
0x12b: {  	s3 =	rddreg [dreg:$0x2];
	[bflag:$0x3] =	sbarrier.arrive $0xFFFF;
	s2 =	simm.s32 @!p0 $0x1C03  }
0x12c: {  	[timem:s3], [sflag:s2] =	dma.local @!p0 [hbm:s0], s1  }
0x12d: {  	s0 =	simm.s32 @!p0 $0x3  }
0x12e: {  	_ =	swait.ge @!p0 [sflag:s0], s1  }
0x12f: {  	s1 =	ssub.s32 @!p0 $0x0, s1;
	[sflag:s0] =	ssyncset.done @!p0 $0x0  }
0x130: {  	[sflag:s0] =	ssyncadd.s32 @!p0 s1  }
0x131: {  	[bflag:$0x3] =	sbarrier.arrive $0xFFFF  }
0x132: {  	_ =	shalt  }

// kernel: kernel.8.cloned.1.call-start
scs
__scs_entry_jumppad:
0x0: {  	(pc) =	sbr.rel $0x88, $3  }
0x1: {  	(tag) =	ssettag $0x0;
	lr =	simm.s32 $0x1  }
0x2: {  	[smem:$0x3F9B] =	sst lr;
	_ =	strace $0xD0000000  }
0x3: {  	_ = 	snop  }
0x4: {  	_ = 	snop  }
0x5: {  	_ = 	snop  }
0x6: {  	_ = 	snop  }
0x7: {  	_ = 	snop  }
__scs_overlays_trampoline_lowered:
0x8: {  	[smem:$0x3FAA] =	sst s0  }
0x9: {  	[smem:$0x3FAB] =	sst s1  }
0xa: {  	[smem:$0x3FAC] =	sst s2  }
0xb: {  	[smem:$0x3FAD] =	sst s3  }
0xc: {  	[smem:$0x3FAE] =	sst s4  }
0xd: {  	[smem:$0x3FAF] =	sst s5  }
0xe: {  	[smem:$0x3FB0] =	sst s6  }
0xf: {  	[smem:$0x3FB1] =	sst s7  }
0x10: {  	[smem:$0x3FB2] =	sst s8  }
0x11: {  	[smem:$0x3FB3] =	sst s9;
	s0 =	simm.s32 @!p0 $0x0  }
0x12: {  	s1 =	sld [smem:$0x3F99];
	s0 =	simm.s32 @p0 $0x1  }
0x13: {  	[smem:$0x3FB4] =	sst s0;
	s0 =	simm.s32 @!p1 $0x0  }
0x14: {  	s2 =	sld [smem:$0x3F98];
	s0 =	simm.s32 @p1 $0x1  }
0x15: {  	[smem:$0x3FB5] =	sst s0;
	s0 =	simm.s32 @!p2 $0x0  }
0x16: {  	s3 =	sld [smem:$0x3FDB];
	s0 =	simm.s32 @p2 $0x1  }
0x17: {  	s4 =	simm.s32 $0x1BF5;
	[smem:$0x3FB7] =	sst s0  }
0x18: {  	s0 =	sld [smem:$0x3F9A];
	_ =	swait.ge [sflag:s4], $0x0  }
0x19: {  	s7 =	sld [smem:$0x3F9B]  }
0x1a: {  	s8 =	sadd.s32 $0xFFFFE003, lr  }
0x1b: {  	s9 =	sadd.s32 $0xFFFFFEF7, lr;
	s5 =	simm.s32 $0xFFFFFFFF;
	p2 =	slt.u32 s8, $0xFFFFF086  }
0x1c: {  	p1 =	slt.u32 s9, $0xF7A;
	s5 =	simm.s32 @!p2 $0x0  }
0x1d: {  	s5 =	simm.s32 @p1 $0x1;
	p0 =	seq.s32 s7, s2  }
0x1e: {  	s7 =	smul.u32 @!p0 $0xF7A, s2;
	p2 =	seq.s32 @!p0 s5, $0x0  }
0x1f: {  	s9 =	smul.u32 $0xF7A, s1;
	s8 =	simm.s32 @!p0 $0x1BF5;
	p2 =	por !p2, p0  }
0x20: {  	[sflag:s8] =	ssyncset.s32 @!p0 $0xFFFFF086;
	s6 =	sadd.s32 @!p0 s3, s7;
	s7 =	simm.s32 @!p0 $0x108  }
0x21: {  	s3 =	sadd.s32 s3, s9;
	s6 =	sadd.s32 @!p0 $0x88, s6;
	s7 =	simm.s32 @p2 $0x1082  }
0x22: {  	[simem:s7], [sflag:s8] =	dma.local @!p0 [hbm:s6], $0xF7A  }
0x23: {  	s9 =	sor.u32 $0xD0000000, s2;
	s6 =	simm.s32 $0x108;
	_ =	swait.ge @!p0 [sflag:s8], $0x0  }
0x24: {  	s3 =	sadd.s32 $0x88, s3;
	s6 =	simm.s32 @!p1 $0x1082;
	[sflag:s4] =	ssyncset.s32 $0xFFFFF086  }
0x25: {  	[simem:s6], [sflag:s4] =	dma.local [hbm:s3], $0xF7A  }
0x26: {  	[smem:$0x3F9B] =	sst s1;
	(tag) =	ssettag s2;
	_ =	strace s9  }
0x27: {  	s1 =	sld [smem:$0x3FAB]  }
0x28: {  	s2 =	sld [smem:$0x3FAC]  }
0x29: {  	s4 =	sld [smem:$0x3FAE]  }
0x2a: {  	p0 =	seq.s32 s5, $0x0;
	s5 =	sld [smem:$0x3FAF]  }
0x2b: {  	s6 =	sld [smem:$0x3FB0]  }
0x2c: {  	s7 =	sld [smem:$0x3FB1]  }
0x2d: {  	s3 =	simm.s32 $0x108;
	s8 =	sld [smem:$0x3FB2]  }
0x2e: {  	s3 =	simm.s32 @!p0 $0x1082;
	s9 =	sld [smem:$0x3FB3]  }
0x2f: {  	lr =	sadd.s32 s0, s3;
	s0 =	sld [smem:$0x3FAA]  }
0x30: {  	s3 =	sld [smem:$0x3FAD]  }
0x31: {  	[smem:$0x3FB6] =	sst s10  }
0x32: {  	s10 =	sld [smem:$0x3FB4];
	_ =	sdelay $0x3  }
0x33: {  	p0 =	seq.s32 s10, $0x1;
	s10 =	sld [smem:$0x3FB6];
	_ =	sdelay $0x3  }
0x34: {  	[smem:$0x3FB6] =	sst s10  }
0x35: {  	s10 =	sld [smem:$0x3FB5];
	_ =	sdelay $0x3  }
0x36: {  	p1 =	seq.s32 s10, $0x1;
	s10 =	sld [smem:$0x3FB6];
	_ =	sdelay $0x3  }
0x37: {  	[smem:$0x3FB6] =	sst s10  }
0x38: {  	s10 =	sld [smem:$0x3FB7]  }
0x39: {  	_ = 	snop;
	(pc) =	sbr.ind lr, $3  }
0x3a: {  	_ = 	snop  }
0x3b: {  	_ = 	snop  }
0x3c: {  	p2 =	seq.s32 s10, $0x1;
	s10 =	sld [smem:$0x3FB6]  }
0x3d: {  	_ =	shalt  }
0x3e: {  	_ =	shalt  }
0x3f: {  	_ =	shalt  }
0x40: {  	_ =	shalt  }
0x41: {  	_ =	shalt  }
0x42: {  	_ =	shalt  }
0x43: {  	_ =	shalt  }
0x44: {  	_ =	shalt  }
0x45: {  	_ =	shalt  }
0x46: {  	_ =	shalt  }
0x47: {  	_ =	shalt  }
0x48: {  	_ =	shalt  }
0x49: {  	_ =	shalt  }
0x4a: {  	_ =	shalt  }
0x4b: {  	_ =	shalt  }
0x4c: {  	_ =	shalt  }
0x4d: {  	_ =	shalt  }
0x4e: {  	_ =	shalt  }
0x4f: {  	_ =	shalt  }
0x50: {  	_ =	shalt  }
0x51: {  	_ =	shalt  }
0x52: {  	_ =	shalt  }
0x53: {  	_ =	shalt  }
0x54: {  	_ =	shalt  }
0x55: {  	_ =	shalt  }
0x56: {  	_ =	shalt  }
0x57: {  	_ =	shalt  }
0x58: {  	_ =	shalt  }
0x59: {  	_ =	shalt  }
0x5a: {  	_ =	shalt  }
0x5b: {  	_ =	shalt  }
0x5c: {  	_ =	shalt  }
0x5d: {  	_ =	shalt  }
0x5e: {  	_ =	shalt  }
0x5f: {  	_ =	shalt  }
0x60: {  	_ =	shalt  }
0x61: {  	_ =	shalt  }
0x62: {  	_ =	shalt  }
0x63: {  	_ =	shalt  }
0x64: {  	_ =	shalt  }
0x65: {  	_ =	shalt  }
0x66: {  	_ =	shalt  }
0x67: {  	_ =	shalt  }
0x68: {  	_ =	shalt  }
0x69: {  	_ =	shalt  }
0x6a: {  	_ =	shalt  }
0x6b: {  	_ =	shalt  }
0x6c: {  	_ =	shalt  }
0x6d: {  	_ =	shalt  }
0x6e: {  	_ =	shalt  }
0x6f: {  	_ =	shalt  }
0x70: {  	_ =	shalt  }
0x71: {  	_ =	shalt  }
0x72: {  	_ =	shalt  }
0x73: {  	_ =	shalt  }
0x74: {  	_ =	shalt  }
0x75: {  	_ =	shalt  }
0x76: {  	_ =	shalt  }
0x77: {  	_ =	shalt  }
0x78: {  	_ =	shalt  }
0x79: {  	_ =	shalt  }
0x7a: {  	_ =	shalt  }
0x7b: {  	_ =	shalt  }
0x7c: {  	_ =	shalt  }
0x7d: {  	_ =	shalt  }
0x7e: {  	_ =	shalt  }
0x7f: {  	_ =	shalt  }
0x80: {  	_ =	shalt  }
0x81: {  	_ =	shalt  }
0x82: {  	_ =	shalt  }
0x83: {  	_ =	shalt  }
0x84: {  	_ =	shalt  }
0x85: {  	_ =	shalt  }
0x86: {  	_ =	shalt  }
0x87: {  	_ =	shalt  }
.Lfunc_end0:
.L_simem_size_0:
called_computation_lowered:
.L_overlay_start_0:
0x88: {  	s2 =	sld [smem:$0x3FD9]  }
0x89: {  	s3 =	sld [smem:$0x3FFE];
	_ =	sdelay $0x1  }
0x8a: {  	s1 =	srdreg.scid  }
0x8b: {  	s0 =	sand.u32 $0x1, s1  }
0x8c: {  	s17 =	sshll.u32 s0, $0xA;
	s2 =	sadd.s32 s3, s2  }
0x8d: {  	s2 =	sadd.s32 s2, s17  }
0x8e: {  	[smem:$0x3FC2] =	sst s2  }
0x8f: {  	_ = 	snop  }
0x90: {  	s2 =	sld [smem:$0x3FD0];
	(tm) =	ssettm $0x1  }
0x91: {  	s18 =	sld [smem:$0x3FFB];
	_ =	sdelay $0x3  }
0x92: {  	_ =	strace s18  }
0x93: {  	s3 =	sld [smem:$0x3FFC];
	_ =	sdelay $0x3  }
0x94: {  	_ =	strace s3  }
0x95: {  	s3 =	sld [smem:$0x3FFD];
	_ =	sdelay $0x3  }
0x96: {  	_ =	strace s3  }
0x97: {  	_ =	strace $0x8FFFFFFF  }
0x98: {  	s19 =	sld [smem:$0x3FDB];
	_ =	sdelay $0x1  }
0x99: {  	s4 =	simm.s32 $_scs_section_size  }
0x9a: {  	s5 =	simm.s32 $_size__tile_overlayer_lowered;
	s6 =	simm.s32 $_tile_overlayer_lowered  }
0x9b: {  	s22 =	simm.s32 $0x1BFF;
	s21 =	sshll.u32 s6, $0x1;
	s3 =	sadd.s32 s4, s19  }
0x9c: {  	s7 =	simm.s32 $0x0;
	s20 =	sshll.u32 s5, $0x1;
	s5 =	sadd.s32 s21, s3  }
0x9d: {  	[timem:s7], [sflag:s22] =	dma.local [hbm:s5], s20  }
0x9e: {  	_ =	swait.ge [sflag:s22], s20  }
0x9f: {  	s4 =	ssub.s32 $0x0, s20;
	[sflag:s22] =	ssyncset.done $0x0  }
0xa0: {  	[sflag:s22] =	ssyncadd.s32 s4;
	_ =	sdelay $0x1  }
0xa1: {  	s23 =	simm.s32 $0x1B8B  }
0xa2: {  	_ =	swait.ge [sflag:s23], $0x1  }
0xa3: {  	[sflag:s23] =	ssyncset.done $0x0  }
0xa4: {  	s25 =	simm.s32 $0x1B8E;
	s24 =	sld [smem:$0x3FFE];
	[sflag:s23] =	ssyncadd.s32 $0xFFFFFFFF  }
0xa5: {  	s26 =	simm.s32 $execute0_lowered;
	[smem:$0x3FD2] =	sst s25  }
0xa6: {  	s5 =	sshll.u32 s26, $0x1;
	_ =	strace $0x80000046;
	[dreg:$0x1] =	wrdreg $0xFFFFFFFF  }
0xa7: {  	s28 =	simm.s32 $_size_execute0_lowered;
	s3 =	sadd.s32 s3, s5;
	[dreg:$0x0] =	wrdreg $0x0  }
0xa8: {  	s5 =	sshll.u32 s28, $0x1;
	[dreg:$0x2] =	wrdreg s3  }
0xa9: {  	[dreg:$0x3] =	wrdreg s5  }
0xaa: {  	[dreg:$0x4] =	wrdreg $0xC0  }
0xab: {  	_ =	task [dreg:s7], $0x5FFFF  }
0xac: {  	[dreg:$0x1] =	wrdreg $0xFFFFFFFF  }
0xad: {  	[dreg:$0x0] =	wrdreg $0x60  }
0xae: {  	[dreg:$0x2] =	wrdreg s2  }
0xaf: {  	[dreg:$0x3] =	wrdreg s24  }
0xb0: {  	[dreg:$0x4] =	wrdreg $0xA8000  }
0xb1: {  	[dreg:$0x5] =	wrdreg $0x9  }
0xb2: {  	_ =	task.clear_ibuf [dreg:s7], $0x6FFFF;
	_ =	strace $0x90000046  }
0xb3: {  	s29 =	simm.s32 $0x9;
	_ =	strace $0x80000048  }
0xb4: {  	_ =	swait.ge [sflag:s29], $0x1  }
0xb5: {  	[sflag:s29] =	ssyncadd.s32 $0xFFFFFFFF  }
0xb6: {  	_ =	strace $0x90000048  }
0xb7: {  	_ =	sfence  }
0xb8: {  	s30 =	sld [smem:$0x0];
	_ =	sdelay $0x2  }
0xb9: {  	s31 =	sshll.u32 s1, $0xD;
	s1 =	sshrl.u32 s1, $0x2  }
0xba: {  	s3 =	sand.u32 $0x4000, s31;
	s1 =	sadd.s32 s1, s30  }
0xbb: {  	s0 =	sor.u32 s3, s0;
	s1 =	sshll.u32 s1, $0x11  }
0xbc: {  	s0 =	sor.u32 s1, s0  }
0xbd: {  	s0 =	sadd.s32 $0x8F2B, s0  }
0xbe: {  	[sflag:s0] =	ssyncadd.remote.s32 $0x1  }
0xbf: {  	_ =	sfence.sel $0xFFFF  }
0xc0: {  	[dreg:$0x0] =	wrdreg $0xFFFFFFFF;
	(pc) =	sbr.abs _section_cstart, $3  }
0xc1: {  	[dreg:$0x1] =	wrdreg $0xFFFFFFFF  }
0xc2: {  	_ =	task.clear_ibuf [dreg:s7], $0x2FFFF;
	_ =	strace $0x9FFFFFFF  }
0xc3: {  	(tm) =	ssettm $0x7FFFFFFF  }
tec
execute0_lowered:
.L_overlay_start_1:
0x0: {  	(tag) =	ssettag $0x1  }
0x1: {  	s4 =	rddreg [dreg:$0x0]  }
0x2: {  	s5 =	rddreg [dreg:$0x1]  }
0x3: {  	s2 =	rddreg [dreg:$0x2];
	s1 =	srdreg.scid  }
0x4: {  	s0 =	rddreg [dreg:$0x3];
	s3 =	simm.s32 $0x0;
	s12 =	simm.s32 $0x6800  }
0x5: {  	s13 =	simm.s32 $0x1;
	s14 =	simm.s32 $0x80;
	s6 =	sand.u32 $0x1, s1  }
0x6: {  	s15 =	simm.s32 $0x2800;
	s1 =	stileid.u32;
	s7 =	smul.u32 $0x140000, s6  }
0x7: {  	[smem:$0x7FF] =	sst s3;
	s8 =	smul.u32 $0x14000, s1;
	s9 =	sshll.u32 s6, $0x4  }
0x8: {  	_ =	strace $0x80000047;
	s28 =	smul.u32 $0x50000, s1;
	s9 =	sor.u32 s1, s9  }
0x9: {  	s6 =	ssub.s32 $0x2, s6;
	s16 =	sshll.u32 s1, $0x6;
	s26 =	smul.u32 $0x2800, s9  }
0xa: {  	s29 =	sshrl.u32 s6, $0x1;
	s16 =	sor.u32 $0x1C01, s16;
	s7 =	sadd.s32 s8, s7  }
0xb: {  	s10 =	ssub.s32 s6, s29;
	s7 =	sshrl.u32 s7, $0x3;
	s8 =	sshrl.u32 s26, $0x3  }
0xc: {  	s30 =	sshrl.u32 s28, $0x2;
	s7 =	sadd.s32 s7, s5;
	s31 =	sadd.s32 s4, s8  }
0xd: {  	s4 =	sadd.s32 s30, s2;
	s6 =	sadd.s32 $0x2E00, s7;
	s7 =	smax.u32 s10, $0x1  }
0xe: {  	s5 =	sadd.s32 $0xA000, s31;
	s8 =	sadd.s32 $0x4000, s4;
	s9 =	sadd.s32 $0x8000, s4  }
0xf: {  	v0 =	vimm.f32 $1.000000000e+00;
	v1 =	vimm.f32 $0.0e+00;
	s10 =	sadd.s32 $0xC000, s4;
	s11 =	sadd.s32 $0x10000, s4;
	s17 =	sshrl.u32 s4, $0x3  }
.LBB2_1:
0x10: {  	s18 =	simm.s32 $0x0;
	s19 =	simm.s32 $0x200  }
.LBB2_2:
0x11: {  	p0 =	sne.s32 s19, $0xFE00;
	[tilespmem:s18+$0x6870] =	vst v1  }
0x12: {  	[tilespmem:s18+$0x2800] =	vst v0  }
0x13: {  	[tilespmem:s18+$0x6800] =	vst v1  }
0x14: {  	[tilespmem:s18+$0x2810] =	vst v0  }
0x15: {  	[tilespmem:s18+$0x6810] =	vst v1  }
0x16: {  	[tilespmem:s18+$0x2820] =	vst v0  }
0x17: {  	[tilespmem:s18+$0x6820] =	vst v1  }
0x18: {  	[tilespmem:s18+$0x2830] =	vst v0  }
0x19: {  	[tilespmem:s18+$0x6830] =	vst v1  }
0x1a: {  	[tilespmem:s18+$0x2840] =	vst v0  }
0x1b: {  	[tilespmem:s18+$0x6840] =	vst v1  }
.Ltmp0:
0x1c: {  	[tilespmem:s18+$0x2850] =	vst v0;
	(pc) =	sbr.rel @p0 .LBB2_2-.Ltmp0, $4  }
0x1d: {  	[tilespmem:s18+$0x6850] =	vst v1  }
0x1e: {  	[tilespmem:s18+$0x2860] =	vst v0  }
0x1f: {  	[tilespmem:s18+$0x6860] =	vst v1  }
0x20: {  	[tilespmem:s18+$0x2870] =	vst v0;
	s18 =	sshra.s32 s19, $0x2;
	s19 =	sadd.s32 $0x200, s19  }
0x21: {  	[tilespmem:s18+$0x6870] =	vst v1  }
0x22: {  	[tilespmem:s18+$0x2800] =	vst v0  }
0x23: {  	[tilespmem:s18+$0x6800] =	vst v1  }
0x24: {  	[tilespmem:s18+$0x2810] =	vst v0  }
0x25: {  	[tilespmem:s18+$0x6810] =	vst v1  }
0x26: {  	[tilespmem:s18+$0x2820] =	vst v0  }
0x27: {  	[tilespmem:s18+$0x6820] =	vst v1  }
0x28: {  	[tilespmem:s18+$0x2830] =	vst v0  }
0x29: {  	[tilespmem:s18+$0x6830] =	vst v1  }
0x2a: {  	[tilespmem:s18+$0x2840] =	vst v0  }
0x2b: {  	[tilespmem:s18+$0x6840] =	vst v1  }
0x2c: {  	[tilespmem:s18+$0x2850] =	vst v0  }
0x2d: {  	[tilespmem:s18+$0x6850] =	vst v1  }
0x2e: {  	[tilespmem:s18+$0x2860] =	vst v0  }
0x2f: {  	[tilespmem:s18+$0x6860] =	vst v1  }
0x30: {  	[tilespmem:s18+$0x2870] =	vst v0  }
0x31: {  	[spmem:s4] =	stream.linear.scatter [tilespmem:s12], [sflag:$0x1], $0x4000, $0x38;
	[tilespmem:$0x1E800] =	vst v63  }
0x32: {  	_ =	swait.ge [sflag:s13], $0x4000  }
0x33: {  	[sflag:s13] =	ssyncset.done $0x0  }
0x34: {  	[sflag:s13] =	ssyncadd.s32 $0xFFFFC000  }
0x35: {  	[spmem:s8] =	stream.linear.scatter [tilespmem:s12], [sflag:$0x1], $0x4000, $0x38;
	[tilespmem:$0x1E800] =	vst v63  }
0x36: {  	_ =	swait.ge [sflag:s13], $0x4000  }
0x37: {  	[sflag:s13] =	ssyncset.done $0x0  }
0x38: {  	[sflag:s13] =	ssyncadd.s32 $0xFFFFC000  }
0x39: {  	[spmem:s9] =	stream.linear.scatter [tilespmem:s12], [sflag:$0x1], $0x4000, $0x38;
	[tilespmem:$0x1E800] =	vst v63  }
0x3a: {  	_ =	swait.ge [sflag:s13], $0x4000  }
0x3b: {  	[sflag:s13] =	ssyncset.done $0x0  }
0x3c: {  	[sflag:s13] =	ssyncadd.s32 $0xFFFFC000  }
0x3d: {  	[spmem:s10] =	stream.linear.scatter [tilespmem:s12], [sflag:$0x1], $0x4000, $0x38;
	[tilespmem:$0x1E800] =	vst v63  }
0x3e: {  	_ =	swait.ge [sflag:s13], $0x4000  }
0x3f: {  	[sflag:s13] =	ssyncset.done $0x0  }
0x40: {  	[sflag:s13] =	ssyncadd.s32 $0xFFFFC000  }
0x41: {  	[spmem:s11] =	stream.linear.scatter [tilespmem:s12], [sflag:$0x1], $0x4000, $0x38;
	[tilespmem:$0x1E800] =	vst v63  }
0x42: {  	_ =	swait.ge [sflag:s13], $0x4000  }
0x43: {  	[sflag:s13] =	ssyncset.done $0x0  }
0x44: {  	[sflag:s13] =	ssyncadd.s32 $0xFFFFC000  }
0x45: {  	s30 =	simm.s32 $0x0;
	[bflag:$0x0] =	sbarrier.arrive $0xFFFF  }
0x46: {  	[tilespmem:s30], [sflag:$0x1] =	stream.linear.gather [hbm4b:s5+s30], $0x2800, $0x38;
	[tilespmem:$0x1E800] =	vst v63  }
0x47: {  	_ =	swait.ge [sflag:s13], $0x2800  }
0x48: {  	[sflag:s13] =	ssyncset.done $0x0  }
0x49: {  	s31 =	simm.s32 $0x0;
	[sflag:s13] =	ssyncadd.s32 $0xFFFFD800  }
0x4a: {  	[spmem:s2] =	stream.indirect.scatter.add.f32 [tilespmem:s15], [sflag:$0x1], $0x80, s31, s14, $0xb8;
	[tilespmem:$0x1E800] =	vst v63  }
0x4b: {  	_ =	swait.ge [sflag:s13], $0x4000  }
0x4c: {  	s18 =	simm.s32 $0x200;
	[sflag:s13] =	ssyncset.done $0x0  }
.LBB2_4:
0x4d: {  	s19 =	sshra.s32 s18, $0x2;
	[sflag:s13] =	ssyncadd.s32 $0xFFFFC000;
	p0 =	sne.s32 s18, $0x9E00  }
0x4e: {  	[spmem:s2] =	stream.indirect.scatter.add.f32 [tilespmem:s15], [sflag:$0x1], $0x80, s19, s14, $0xb8;
	[tilespmem:$0x1E800] =	vst v63  }
.Ltmp1:
0x4f: {  	_ = 	snop;
	(pc) =	sbr.rel @p0 .LBB2_4-.Ltmp1, $4  }
0x50: {  	_ = 	snop  }
0x51: {  	s18 =	sadd.s32 $0x200, s18  }
0x52: {  	_ =	swait.ge [sflag:s13], $0x4000  }
0x53: {  	[sflag:s13] =	ssyncset.done $0x0  }
0x54: {  	s3 =	sadd.s32 $0x1, s3  }
0x55: {  	[sflag:s13] =	ssyncadd.s32 $0xFFFFC000;
	p0 =	sne.s32 s3, s7  }
.Ltmp2:
0x56: {  	[bflag:$0x0] =	sbarrier.arrive $0xFFFF;
	(pc) =	sbr.rel @p0 .LBB2_1-.Ltmp2, $4  }
0x57: {  	[hbm:s6], [sflag:s16] =	dma.local [spmem:s17], $0x2800  }
0x58: {  	_ =	swait.ge [sflag:s13], $0x2800  }
0x59: {  	[sflag:s13] =	ssyncset.done $0x0  }
0x5a: {  	[sflag:s13] =	ssyncadd.s32 $0xFFFFD800  }
0x5b: {  	_ =	sfence.sel $0x180000  }
0x5c: {  	[bflag:$0x0] =	sbarrier.arrive $0xFFFF  }
0x5d: {  	p0 =	sne.s32 s1, $0x0;
	_ =	strace $0x90000047  }
0x5e: {  	s0 =	sadd.s32 @!p0 $0x100000, s0;
	[bflag:$0x2] =	sbarrier.arrive $0xFFFF  }
0x5f: {  	[sflag:s0] =	ssyncadd.tile.s32 @!p0 $0x1;
	_ =	shalt  }
.Lfunc_end2:
_tile_overlayer_lowered:
.L_overlay_start_2:
0x60: {  	(tag) =	ssettag $0x2  }
0x61: {  	s0 =	rddreg [dreg:$0x0];
	s2 =	stileid.u32  }
0x62: {  	s1 =	rddreg [dreg:$0x1];
	p0 =	sne.s32 s2, $0x0  }
0x63: {  	s3 =	rddreg [dreg:$0x2];
	[bflag:$0x3] =	sbarrier.arrive $0xFFFF;
	s2 =	simm.s32 @!p0 $0x1C01  }
0x64: {  	[timem:s3], [sflag:s2] =	dma.local @!p0 [hbm:s0], s1  }
0x65: {  	s0 =	simm.s32 @!p0 $0x1  }
0x66: {  	_ =	swait.ge @!p0 [sflag:s0], s1  }
0x67: {  	s1 =	ssub.s32 @!p0 $0x0, s1;
	[sflag:s0] =	ssyncset.done @!p0 $0x0  }
0x68: {  	[sflag:s0] =	ssyncadd.s32 @!p0 s1  }
0x69: {  	[bflag:$0x3] =	sbarrier.arrive $0xFFFF  }
0x6a: {  	_ =	shalt  }

</sc_bundles>
